<compile_context>
chip_gen: v7x
topology: tpu7x:2x2x1
jax: 0.10.2.dev20260603
libtpu: 0.0.44.dev20260713+nightly
codegen_flags: <defaults>
</compile_context>

<pallas_src>
import jax
import jax.numpy as jnp
from jax import lax
from jax.experimental import pallas as pl
from jax.experimental.pallas import tpu as pltpu
from jax.experimental.pallas import tpu_sc as plsc

B, L, D = 4096, 200, 128
NC, NS, LANES = 2, 16, 16
NW = NC * NS
RPW = B // NW
NCH = (L + LANES - 1) // LANES
NSLOT = 4
WROWS = 32
WWORDS = WROWS * L


def _sc_body(pos_hbm, ids_hbm, memb_hbm, out_hbm,
             buf0, buf1, buf2, buf3, ids_w, memb_v,
             insem0, insem1, insem2, insem3,
             outsem0, outsem1, outsem2, outsem3, small_sem):
    wid = lax.axis_index("s") * NC + lax.axis_index("c")
    base = wid * RPW

    pltpu.make_async_copy(memb_hbm, memb_v, small_sem).start()
    pltpu.make_async_copy(memb_hbm, memb_v, small_sem).wait()
    membc = [memb_v[pl.ds(16 * c, 16)] for c in range(8)]
    lane = lax.iota(jnp.int32, LANES)

    bufs = (buf0, buf1, buf2, buf3)
    insems = (insem0, insem1, insem2, insem3)
    outsems = (outsem0, outsem1, outsem2, outsem3)

    def load_window(r):
        pltpu.make_async_copy(
            ids_hbm.at[pl.ds((base + r) * L, WWORDS)],
            ids_w.at[pl.ds(0, WWORDS)], small_sem).start()
        pltpu.make_async_copy(
            ids_hbm.at[pl.ds((base + r) * L, WWORDS)],
            ids_w.at[pl.ds(0, WWORDS)], small_sem).wait()

    def start_in(slot, r):
        pltpu.make_async_copy(pos_hbm.at[base + r], bufs[slot],
                              insems[slot]).start()

    def wait_in(slot, r):
        pltpu.make_async_copy(pos_hbm.at[base + r], bufs[slot],
                              insems[slot]).wait()

    def start_out(slot, r):
        pltpu.make_async_copy(bufs[slot], out_hbm.at[base + r],
                              outsems[slot]).start()

    def wait_out(slot, r):
        pltpu.make_async_copy(bufs[slot], out_hbm.at[base + r],
                              outsems[slot]).wait()

    def process(slot, r):
        buf = bufs[slot]
        lr = lax.bitwise_and(r, WROWS - 1)
        for c in range(8):
            buf[L - 1, pl.ds(16 * c, 16)] = membc[c]
        zacc = jnp.zeros((LANES,), jnp.int32)
        for k in range(NCH):
            lab = ids_w[pl.ds(lr * L + 16 * k + 1, 16)]
            z = lab == 0
            if k == NCH - 1:
                z = z & (lane < (L - 1 - 16 * k))
            zacc = zacc + jnp.where(z, 1, 0)
        for s in (8, 4, 2, 1):
            idx = jnp.bitwise_and(lane + s, LANES - 1)
            zacc = zacc + zacc.at[idx].get(mode="promise_in_bounds")

        @pl.when(zacc[0] > 0)
        def _slow():
            def jbody(j, _):
                idv = ids_w[pl.ds(lr * L + j + 1, 16)][0]

                @pl.when(idv == 0)
                def _ow():
                    for c in range(8):
                        buf[j, pl.ds(16 * c, 16)] = membc[c]
                return 0
            lax.fori_loop(0, L - 1, jbody, 0)

    for s in range(NSLOT):
        start_in(s, s)
    load_window(0)

    def loop_body(i, _):
        r0 = NSLOT * i
        for s in range(NSLOT):
            r = r0 + s
            if s == 0:
                @pl.when(lax.bitwise_and(r0, WROWS - 1) == 0)
                def _refresh():
                    load_window(r0)
            wait_in(s, r)
            process(s, r)
            start_out(s, r)

            @pl.when(r + NSLOT < RPW)
            def _refill():
                wait_out(s, r)
                start_in(s, r + NSLOT)
        return 0

    lax.fori_loop(0, RPW // NSLOT, loop_body, 0)
    for s in range(NSLOT):
        wait_out(s, RPW - NSLOT + s)


def _sc_out(pos_emb, ids_flat, masked_item_embedding):
    mesh = plsc.VectorSubcoreMesh(core_axis_name="c", subcore_axis_name="s")
    f = pl.kernel(
        _sc_body,
        out_type=jax.ShapeDtypeStruct((B, L, D), jnp.float32),
        mesh=mesh,
        scratch_types=[
            pltpu.VMEM((L, D), jnp.float32),
            pltpu.VMEM((L, D), jnp.float32),
            pltpu.VMEM((L, D), jnp.float32),
            pltpu.VMEM((L, D), jnp.float32),
            pltpu.VMEM((WWORDS + 16,), jnp.int32),
            pltpu.VMEM((D,), jnp.float32),
            pltpu.SemaphoreType.DMA,
            pltpu.SemaphoreType.DMA,
            pltpu.SemaphoreType.DMA,
            pltpu.SemaphoreType.DMA,
            pltpu.SemaphoreType.DMA,
            pltpu.SemaphoreType.DMA,
            pltpu.SemaphoreType.DMA,
            pltpu.SemaphoreType.DMA,
            pltpu.SemaphoreType.DMA,
        ],
    )
    return f(pos_emb, ids_flat, masked_item_embedding)


def _tc_body(ids_ref, lab_ref, mask_ref):
    ids = ids_ref[...]
    lane = jax.lax.broadcasted_iota(jnp.int32, (B, L), 1)
    labels = jnp.where(lane == (L - 1), 0, jnp.roll(ids, -1, axis=1))
    lab_ref[...] = labels
    mask_ref[...] = labels != 0


def _tc_labels(itemid_seq):
    return pl.pallas_call(
        _tc_body,
        out_shape=[
            jax.ShapeDtypeStruct((B, L), jnp.int32),
            jax.ShapeDtypeStruct((B, L), jnp.bool_),
        ],
    )(itemid_seq)


def kernel(pos_emb, itemid_seq, training, masked_item_embedding):
    del training
    out = _sc_out(pos_emb, itemid_seq.reshape(-1), masked_item_embedding)
    labels, mask = _tc_labels(itemid_seq)
    return (out, labels, mask)

# --- scband reference (transcript-rebuilt; emitter-appended) ---
"""Pipeline reference for scband-clm-62199716380886 (READ-ONLY COPY).

The authoritative reference and input builder live on the scoring server;
editing this copy changes nothing except your own understanding.
"""

import jax, jax.numpy as jnp
import numpy as np

PAD_TOKEN = 0

def setup_inputs(seed: int = 0) -> dict:
    key = jax.random.key(seed)
    k1, k2, k3 = jax.random.split(key, 3)
    B, L, D = 4096, 200, 128
    pos_emb = jax.random.normal(k1, (B, L, D), dtype=jnp.float32)
    itemid_seq = jax.random.randint(k2, (B, L), 0, 100000, dtype=jnp.int32)
    masked_item_embedding = jax.random.normal(k3, (D,), dtype=jnp.float32) * 0.001
    return {"pos_emb": pos_emb, "itemid_seq": itemid_seq, "training": 1, "masked_item_embedding": masked_item_embedding}

def reference(pos_emb, itemid_seq, training, masked_item_embedding):
    # training=True, train_on_last_item_seq_only=False, eval_on_last_item_seq_only=True
    # -> the last-item-only branch is NOT taken.
    labels = itemid_seq[:, 1:]
    labels = jnp.concatenate([labels, jnp.zeros((labels.shape[0], 1), dtype=labels.dtype)], axis=-1)
    mask_labels = labels != PAD_TOKEN
    pos_emb_inp = pos_emb[:, :-1]
    pos_emb_inp = jnp.concatenate(
        [pos_emb_inp, jnp.zeros((pos_emb_inp.shape[0], 1, pos_emb_inp.shape[2]), dtype=pos_emb_inp.dtype)], axis=1
    )
    pos_emb_inp = jnp.where(mask_labels[:, :, None], pos_emb_inp, masked_item_embedding.astype(pos_emb_inp.dtype))
    return (pos_emb_inp, labels, mask_labels)

if __name__ == "__main__":
    import jax
    _d = setup_inputs()
    print(jax.jit(kernel)(*tuple(_d.values())))

</pallas_src>

<mosaic_0001>
#map = affine_map<(d0, d1) -> (0, 0, 0)>
#map1 = affine_map<(d0, d1) -> (0)>
module attributes {stable_mosaic.version = 14 : i64} {
  func.func @_sc_body(%arg0: i32, %arg1: i32, %arg2: memref<4096x200x128xf32, #tpu.memory_space<hbm>>, %arg3: memref<819200xi32, #tpu.memory_space<hbm>>, %arg4: memref<128xf32, #tpu.memory_space<hbm>>, %arg5: memref<4096x200x128xf32, #tpu.memory_space<hbm>>, %arg6: memref<200x128xf32, #tpu.memory_space<vmem>>, %arg7: memref<200x128xf32, #tpu.memory_space<vmem>>, %arg8: memref<200x128xf32, #tpu.memory_space<vmem>>, %arg9: memref<200x128xf32, #tpu.memory_space<vmem>>, %arg10: memref<6416xi32, #tpu.memory_space<vmem>>, %arg11: memref<128xf32, #tpu.memory_space<vmem>>, %arg12: memref<!tpu.dma_semaphore, #tpu.memory_space<semaphore_mem>>, %arg13: memref<!tpu.dma_semaphore, #tpu.memory_space<semaphore_mem>>, %arg14: memref<!tpu.dma_semaphore, #tpu.memory_space<semaphore_mem>>, %arg15: memref<!tpu.dma_semaphore, #tpu.memory_space<semaphore_mem>>, %arg16: memref<!tpu.dma_semaphore, #tpu.memory_space<semaphore_mem>>, %arg17: memref<!tpu.dma_semaphore, #tpu.memory_space<semaphore_mem>>, %arg18: memref<!tpu.dma_semaphore, #tpu.memory_space<semaphore_mem>>, %arg19: memref<!tpu.dma_semaphore, #tpu.memory_space<semaphore_mem>>, %arg20: memref<!tpu.dma_semaphore, #tpu.memory_space<semaphore_mem>>) attributes {dimension_semantics = [#tpu.dimension_semantics<core_parallel>, #tpu.dimension_semantics<subcore_parallel>], iteration_bounds = array<i64: 2, 16>, scalar_prefetch = 0 : i64, scratch_operands = 15 : i64, tpu.core_type = #tpu.core_type<sc_vector_subcore>, window_params = [{transform_indices = #map}, {transform_indices = #map1}, {transform_indices = #map1}, {transform_indices = #map}]} {
    %mul3A = arith.constant 2 : i32
    %mul3A_0 = arith.muli %arg1, %mul3A : i32
    %add3A = arith.addi %mul3A_0, %arg0 : i32
    %mul3A_1 = arith.constant 128 : i32
    %mul3A_2 = arith.muli %add3A, %mul3A_1 : i32
    tpu.enqueue_dma source(%arg4 : memref<128xf32, #tpu.memory_space<hbm>>) target(%arg11 : memref<128xf32, #tpu.memory_space<vmem>>) target_semaphore(%arg20 : memref<!tpu.dma_semaphore, #tpu.memory_space<semaphore_mem>>)
    tpu.wait_dma2 semaphore(%arg20 : memref<!tpu.dma_semaphore, #tpu.memory_space<semaphore_mem>>) src(%arg4 : memref<128xf32, #tpu.memory_space<hbm>>) dst(%arg11 : memref<128xf32, #tpu.memory_space<vmem>>)
    %get3A = arith.constant 0 : index
    %get3A_3 = tpu.vector_load %arg11[%get3A] {strides = array<i32>} : memref<128xf32, #tpu.memory_space<vmem>>, vector<16xf32>,
    %get3A_4 = vector.shape_cast %get3A_3 : vector<16xf32> to vector<16xf32>
    %get3A_5 = arith.constant 16 : index
    %get3A_6 = tpu.vector_load %arg11[%get3A_5] {strides = array<i32>} : memref<128xf32, #tpu.memory_space<vmem>>, vector<16xf32>,
    %get3A_7 = vector.shape_cast %get3A_6 : vector<16xf32> to vector<16xf32>
    %get3A_8 = arith.constant 32 : index
    %get3A_9 = tpu.vector_load %arg11[%get3A_8] {strides = array<i32>} : memref<128xf32, #tpu.memory_space<vmem>>, vector<16xf32>,
    %get3A_10 = vector.shape_cast %get3A_9 : vector<16xf32> to vector<16xf32>
    %get3A_11 = arith.constant 48 : index
    %get3A_12 = tpu.vector_load %arg11[%get3A_11] {strides = array<i32>} : memref<128xf32, #tpu.memory_space<vmem>>, vector<16xf32>,
    %get3A_13 = vector.shape_cast %get3A_12 : vector<16xf32> to vector<16xf32>
    %get3A_14 = arith.constant 64 : index
    %get3A_15 = tpu.vector_load %arg11[%get3A_14] {strides = array<i32>} : memref<128xf32, #tpu.memory_space<vmem>>, vector<16xf32>,
    %get3A_16 = vector.shape_cast %get3A_15 : vector<16xf32> to vector<16xf32>
    %get3A_17 = arith.constant 80 : index
    %get3A_18 = tpu.vector_load %arg11[%get3A_17] {strides = array<i32>} : memref<128xf32, #tpu.memory_space<vmem>>, vector<16xf32>,
    %get3A_19 = vector.shape_cast %get3A_18 : vector<16xf32> to vector<16xf32>
    %get3A_20 = arith.constant 96 : index
    %get3A_21 = tpu.vector_load %arg11[%get3A_20] {strides = array<i32>} : memref<128xf32, #tpu.memory_space<vmem>>, vector<16xf32>,
    %get3A_22 = vector.shape_cast %get3A_21 : vector<16xf32> to vector<16xf32>
    %get3A_23 = arith.constant 112 : index
    %get3A_24 = tpu.vector_load %arg11[%get3A_23] {strides = array<i32>} : memref<128xf32, #tpu.memory_space<vmem>>, vector<16xf32>,
    %get3A_25 = vector.shape_cast %get3A_24 : vector<16xf32> to vector<16xf32>
    %iota3A = tpu.iota {dimensions = array<i32: 0>} : vector<16xi32>
    %add3A_26 = arith.constant 0 : i32
    %add3A_27 = arith.addi %mul3A_2, %add3A_26 : i32
    %dma_start3A = arith.constant 0 : i32
    %dma_start3A_28 = arith.constant 0 : i32
    %dma_start3A_29 = tpu.memref_slice %arg2[%add3A_27, %dma_start3A, %dma_start3A_28] : memref<4096x200x128xf32, #tpu.memory_space<hbm>> -> memref<1x200x128xf32, #tpu.memory_space<hbm>>
    %dma_start3A_30 = tpu.memref_squeeze %dma_start3A_29 : memref<1x200x128xf32, #tpu.memory_space<hbm>> -> memref<200x128xf32, #tpu.memory_space<hbm>>
    %dma_start3A_31 = arith.constant 0 : i32
    %dma_start3A_32 = arith.constant 0 : i32
    %dma_start3A_33 = tpu.memref_slice %arg2[%add3A_27, %dma_start3A_31, %dma_start3A_32] : memref<4096x200x128xf32, #tpu.memory_space<hbm>> -> memref<1x200x128xf32, #tpu.memory_space<hbm>>
    %dma_start3A_34 = tpu.memref_squeeze %dma_start3A_33 : memref<1x200x128xf32, #tpu.memory_space<hbm>> -> memref<200x128xf32, #tpu.memory_space<hbm>>
    tpu.enqueue_dma source(%dma_start3A_34 : memref<200x128xf32, #tpu.memory_space<hbm>>) target(%arg6 : memref<200x128xf32, #tpu.memory_space<vmem>>) target_semaphore(%arg12 : memref<!tpu.dma_semaphore, #tpu.memory_space<semaphore_mem>>)
    %add3A_35 = arith.constant 1 : i32
    %add3A_36 = arith.addi %mul3A_2, %add3A_35 : i32
    %dma_start3A_37 = arith.constant 0 : i32
    %dma_start3A_38 = arith.constant 0 : i32
    %dma_start3A_39 = tpu.memref_slice %arg2[%add3A_36, %dma_start3A_37, %dma_start3A_38] : memref<4096x200x128xf32, #tpu.memory_space<hbm>> -> memref<1x200x128xf32, #tpu.memory_space<hbm>>
    %dma_start3A_40 = tpu.memref_squeeze %dma_start3A_39 : memref<1x200x128xf32, #tpu.memory_space<hbm>> -> memref<200x128xf32, #tpu.memory_space<hbm>>
    %dma_start3A_41 = arith.constant 0 : i32
    %dma_start3A_42 = arith.constant 0 : i32
    %dma_start3A_43 = tpu.memref_slice %arg2[%add3A_36, %dma_start3A_41, %dma_start3A_42] : memref<4096x200x128xf32, #tpu.memory_space<hbm>> -> memref<1x200x128xf32, #tpu.memory_space<hbm>>
    %dma_start3A_44 = tpu.memref_squeeze %dma_start3A_43 : memref<1x200x128xf32, #tpu.memory_space<hbm>> -> memref<200x128xf32, #tpu.memory_space<hbm>>
    tpu.enqueue_dma source(%dma_start3A_44 : memref<200x128xf32, #tpu.memory_space<hbm>>) target(%arg7 : memref<200x128xf32, #tpu.memory_space<vmem>>) target_semaphore(%arg13 : memref<!tpu.dma_semaphore, #tpu.memory_space<semaphore_mem>>)
    %add3A_45 = arith.constant 2 : i32
    %add3A_46 = arith.addi %mul3A_2, %add3A_45 : i32
    %dma_start3A_47 = arith.constant 0 : i32
    %dma_start3A_48 = arith.constant 0 : i32
    %dma_start3A_49 = tpu.memref_slice %arg2[%add3A_46, %dma_start3A_47, %dma_start3A_48] : memref<4096x200x128xf32, #tpu.memory_space<hbm>> -> memref<1x200x128xf32, #tpu.memory_space<hbm>>
    %dma_start3A_50 = tpu.memref_squeeze %dma_start3A_49 : memref<1x200x128xf32, #tpu.memory_space<hbm>> -> memref<200x128xf32, #tpu.memory_space<hbm>>
    %dma_start3A_51 = arith.constant 0 : i32
    %dma_start3A_52 = arith.constant 0 : i32
    %dma_start3A_53 = tpu.memref_slice %arg2[%add3A_46, %dma_start3A_51, %dma_start3A_52] : memref<4096x200x128xf32, #tpu.memory_space<hbm>> -> memref<1x200x128xf32, #tpu.memory_space<hbm>>
    %dma_start3A_54 = tpu.memref_squeeze %dma_start3A_53 : memref<1x200x128xf32, #tpu.memory_space<hbm>> -> memref<200x128xf32, #tpu.memory_space<hbm>>
    tpu.enqueue_dma source(%dma_start3A_54 : memref<200x128xf32, #tpu.memory_space<hbm>>) target(%arg8 : memref<200x128xf32, #tpu.memory_space<vmem>>) target_semaphore(%arg14 : memref<!tpu.dma_semaphore, #tpu.memory_space<semaphore_mem>>)
    %add3A_55 = arith.constant 3 : i32
    %add3A_56 = arith.addi %mul3A_2, %add3A_55 : i32
    %dma_start3A_57 = arith.constant 0 : i32
    %dma_start3A_58 = arith.constant 0 : i32
    %dma_start3A_59 = tpu.memref_slice %arg2[%add3A_56, %dma_start3A_57, %dma_start3A_58] : memref<4096x200x128xf32, #tpu.memory_space<hbm>> -> memref<1x200x128xf32, #tpu.memory_space<hbm>>
    %dma_start3A_60 = tpu.memref_squeeze %dma_start3A_59 : memref<1x200x128xf32, #tpu.memory_space<hbm>> -> memref<200x128xf32, #tpu.memory_space<hbm>>
    %dma_start3A_61 = arith.constant 0 : i32
    %dma_start3A_62 = arith.constant 0 : i32
    %dma_start3A_63 = tpu.memref_slice %arg2[%add3A_56, %dma_start3A_61, %dma_start3A_62] : memref<4096x200x128xf32, #tpu.memory_space<hbm>> -> memref<1x200x128xf32, #tpu.memory_space<hbm>>
    %dma_start3A_64 = tpu.memref_squeeze %dma_start3A_63 : memref<1x200x128xf32, #tpu.memory_space<hbm>> -> memref<200x128xf32, #tpu.memory_space<hbm>>
    tpu.enqueue_dma source(%dma_start3A_64 : memref<200x128xf32, #tpu.memory_space<hbm>>) target(%arg9 : memref<200x128xf32, #tpu.memory_space<vmem>>) target_semaphore(%arg15 : memref<!tpu.dma_semaphore, #tpu.memory_space<semaphore_mem>>)
    %add3A_65 = arith.constant 0 : i32
    %add3A_66 = arith.addi %mul3A_2, %add3A_65 : i32
    %mul3A_67 = arith.constant 200 : i32
    %mul3A_68 = arith.muli %add3A_66, %mul3A_67 : i32
    %dma_start3A_69 = arith.constant 0 : i32
    %dma_start3A_70 = tpu.memref_slice %arg10[%dma_start3A_69] : memref<6416xi32, #tpu.memory_space<vmem>> -> memref<6400xi32, #tpu.memory_space<vmem>>
    %dma_start3A_71 = tpu.memref_slice %arg3[%mul3A_68] : memref<819200xi32, #tpu.memory_space<hbm>> -> memref<6400xi32, #tpu.memory_space<hbm>>
    %dma_start3A_72 = arith.constant 0 : i32
    %dma_start3A_73 = tpu.memref_slice %arg10[%dma_start3A_72] : memref<6416xi32, #tpu.memory_space<vmem>> -> memref<6400xi32, #tpu.memory_space<vmem>>
    %dma_start3A_74 = tpu.memref_slice %arg3[%mul3A_68] : memref<819200xi32, #tpu.memory_space<hbm>> -> memref<6400xi32, #tpu.memory_space<hbm>>
    tpu.enqueue_dma source(%dma_start3A_74 : memref<6400xi32, #tpu.memory_space<hbm>>) target(%dma_start3A_73 : memref<6400xi32, #tpu.memory_space<vmem>>) target_semaphore(%arg20 : memref<!tpu.dma_semaphore, #tpu.memory_space<semaphore_mem>>)
    %add3A_75 = arith.constant 0 : i32
    %add3A_76 = arith.addi %mul3A_2, %add3A_75 : i32
    %mul3A_77 = arith.constant 200 : i32
    %mul3A_78 = arith.muli %add3A_76, %mul3A_77 : i32
    %dma_wait3A = arith.constant 0 : i32
    %dma_wait3A_79 = tpu.memref_slice %arg10[%dma_wait3A] : memref<6416xi32, #tpu.memory_space<vmem>> -> memref<6400xi32, #tpu.memory_space<vmem>>
    %dma_wait3A_80 = tpu.memref_slice %arg3[%mul3A_78] : memref<819200xi32, #tpu.memory_space<hbm>> -> memref<6400xi32, #tpu.memory_space<hbm>>
    %dma_wait3A_81 = arith.constant 0 : i32
    %dma_wait3A_82 = tpu.memref_slice %arg10[%dma_wait3A_81] : memref<6416xi32, #tpu.memory_space<vmem>> -> memref<6400xi32, #tpu.memory_space<vmem>>
    %dma_wait3A_83 = tpu.memref_slice %arg3[%mul3A_78] : memref<819200xi32, #tpu.memory_space<hbm>> -> memref<6400xi32, #tpu.memory_space<hbm>>
    tpu.wait_dma2 semaphore(%arg20 : memref<!tpu.dma_semaphore, #tpu.memory_space<semaphore_mem>>) src(%dma_wait3A_83 : memref<6400xi32, #tpu.memory_space<hbm>>) dst(%dma_wait3A_82 : memref<6400xi32, #tpu.memory_space<vmem>>)
    %scan3A = arith.constant 0 : i32
    %scan3A_84 = arith.constant 0 : i32
    %scan3A_85 = arith.constant 32 : i32
    %scan3A_86 = arith.addi %scan3A_84, %scan3A_85 : i32
    %scan3A_87 = arith.constant 1 : i32
    %scan3A_88 = scf.for %scan3A_130 = %scan3A_84 to %scan3A_86 step %scan3A_87 iter_args(%scan3A_131 = %scan3A) -> (i32)  : i32 {
      %mul3A_132 = arith.constant 4 : i32
      %mul3A_133 = arith.muli %mul3A_132, %scan3A_130 : i32
      %add3A_134 = arith.constant 0 : i32
      %add3A_135 = arith.addi %mul3A_133, %add3A_134 : i32
      %and3A = arith.constant 31 : i32
      %and3A_136 = arith.andi %mul3A_133, %and3A : i32
      %eq3A = arith.constant 0 : i32
      %eq3A_137 = arith.cmpi eq, %and3A_136, %eq3A : i32
      %convert_element_type3A = arith.extui %eq3A_137 : i1 to i32
      %cond3A = arith.constant 0 : i32
      %cond3A_138 = arith.cmpi ne, %convert_element_type3A, %cond3A : i32
      scf.if %cond3A_138 {
        %add3A_1697 = arith.addi %mul3A_2, %mul3A_133 : i32
        %mul3A_1698 = arith.constant 200 : i32
        %mul3A_1699 = arith.muli %add3A_1697, %mul3A_1698 : i32
        %dma_start3A_1700 = arith.constant 0 : i32
        %dma_start3A_1701 = tpu.memref_slice %arg10[%dma_start3A_1700] : memref<6416xi32, #tpu.memory_space<vmem>> -> memref<6400xi32, #tpu.memory_space<vmem>>
        %dma_start3A_1702 = tpu.memref_slice %arg3[%mul3A_1699] : memref<819200xi32, #tpu.memory_space<hbm>> -> memref<6400xi32, #tpu.memory_space<hbm>>
        %dma_start3A_1703 = arith.constant 0 : i32
        %dma_start3A_1704 = tpu.memref_slice %arg10[%dma_start3A_1703] : memref<6416xi32, #tpu.memory_space<vmem>> -> memref<6400xi32, #tpu.memory_space<vmem>>
        %dma_start3A_1705 = tpu.memref_slice %arg3[%mul3A_1699] : memref<819200xi32, #tpu.memory_space<hbm>> -> memref<6400xi32, #tpu.memory_space<hbm>>
        tpu.enqueue_dma source(%dma_start3A_1705 : memref<6400xi32, #tpu.memory_space<hbm>>) target(%dma_start3A_1704 : memref<6400xi32, #tpu.memory_space<vmem>>) target_semaphore(%arg20 : memref<!tpu.dma_semaphore, #tpu.memory_space<semaphore_mem>>)
        %add3A_1706 = arith.addi %mul3A_2, %mul3A_133 : i32
        %mul3A_1707 = arith.constant 200 : i32
        %mul3A_1708 = arith.muli %add3A_1706, %mul3A_1707 : i32
        %dma_wait3A_1709 = arith.constant 0 : i32
        %dma_wait3A_1710 = tpu.memref_slice %arg10[%dma_wait3A_1709] : memref<6416xi32, #tpu.memory_space<vmem>> -> memref<6400xi32, #tpu.memory_space<vmem>>
        %dma_wait3A_1711 = tpu.memref_slice %arg3[%mul3A_1708] : memref<819200xi32, #tpu.memory_space<hbm>> -> memref<6400xi32, #tpu.memory_space<hbm>>
        %dma_wait3A_1712 = arith.constant 0 : i32
        %dma_wait3A_1713 = tpu.memref_slice %arg10[%dma_wait3A_1712] : memref<6416xi32, #tpu.memory_space<vmem>> -> memref<6400xi32, #tpu.memory_space<vmem>>
        %dma_wait3A_1714 = tpu.memref_slice %arg3[%mul3A_1708] : memref<819200xi32, #tpu.memory_space<hbm>> -> memref<6400xi32, #tpu.memory_space<hbm>>
        tpu.wait_dma2 semaphore(%arg20 : memref<!tpu.dma_semaphore, #tpu.memory_space<semaphore_mem>>) src(%dma_wait3A_1714 : memref<6400xi32, #tpu.memory_space<hbm>>) dst(%dma_wait3A_1713 : memref<6400xi32, #tpu.memory_space<vmem>>)
      } else {
      }
      %add3A_139 = arith.addi %mul3A_2, %add3A_135 : i32
      %dma_wait3A_140 = arith.constant 0 : i32
      %dma_wait3A_141 = arith.constant 0 : i32
      %dma_wait3A_142 = tpu.memref_slice %arg2[%add3A_139, %dma_wait3A_140, %dma_wait3A_141] : memref<4096x200x128xf32, #tpu.memory_space<hbm>> -> memref<1x200x128xf32, #tpu.memory_space<hbm>>
      %dma_wait3A_143 = tpu.memref_squeeze %dma_wait3A_142 : memref<1x200x128xf32, #tpu.memory_space<hbm>> -> memref<200x128xf32, #tpu.memory_space<hbm>>
      %dma_wait3A_144 = arith.constant 0 : i32
      %dma_wait3A_145 = arith.constant 0 : i32
      %dma_wait3A_146 = tpu.memref_slice %arg2[%add3A_139, %dma_wait3A_144, %dma_wait3A_145] : memref<4096x200x128xf32, #tpu.memory_space<hbm>> -> memref<1x200x128xf32, #tpu.memory_space<hbm>>
      %dma_wait3A_147 = tpu.memref_squeeze %dma_wait3A_146 : memref<1x200x128xf32, #tpu.memory_space<hbm>> -> memref<200x128xf32, #tpu.memory_space<hbm>>
      tpu.wait_dma2 semaphore(%arg12 : memref<!tpu.dma_semaphore, #tpu.memory_space<semaphore_mem>>) src(%dma_wait3A_147 : memref<200x128xf32, #tpu.memory_space<hbm>>) dst(%arg6 : memref<200x128xf32, #tpu.memory_space<vmem>>)
      %and3A_148 = arith.constant 31 : i32
      %and3A_149 = arith.andi %add3A_135, %and3A_148 : i32
      %swap3A = arith.constant 199 : i32
      %swap3A_150 = arith.index_cast %swap3A : i32 to index
      %swap3A_151 = arith.constant 0 : index
      %swap3A_152 = tpu.vector_load %arg6[%swap3A_150, %swap3A_151] {strides = array<i32>} : memref<200x128xf32, #tpu.memory_space<vmem>>, vector<1x16xf32>,
      %swap3A_153 = vector.shape_cast %swap3A_152 : vector<1x16xf32> to vector<16xf32>
      %swap3A_154 = vector.shape_cast %get3A_4 : vector<16xf32> to vector<1x16xf32>
      tpu.vector_store %arg6[%swap3A_150, %swap3A_151], %swap3A_154 {strides = array<i32>} : memref<200x128xf32, #tpu.memory_space<vmem>>, vector<1x16xf32>,
      %swap3A_155 = arith.constant 199 : i32
      %swap3A_156 = arith.index_cast %swap3A_155 : i32 to index
      %swap3A_157 = arith.constant 16 : index
      %swap3A_158 = tpu.vector_load %arg6[%swap3A_156, %swap3A_157] {strides = array<i32>} : memref<200x128xf32, #tpu.memory_space<vmem>>, vector<1x16xf32>,
      %swap3A_159 = vector.shape_cast %swap3A_158 : vector<1x16xf32> to vector<16xf32>
      %swap3A_160 = vector.shape_cast %get3A_7 : vector<16xf32> to vector<1x16xf32>
      tpu.vector_store %arg6[%swap3A_156, %swap3A_157], %swap3A_160 {strides = array<i32>} : memref<200x128xf32, #tpu.memory_space<vmem>>, vector<1x16xf32>,
      %swap3A_161 = arith.constant 199 : i32
      %swap3A_162 = arith.index_cast %swap3A_161 : i32 to index
      %swap3A_163 = arith.constant 32 : index
      %swap3A_164 = tpu.vector_load %arg6[%swap3A_162, %swap3A_163] {strides = array<i32>} : memref<200x128xf32, #tpu.memory_space<vmem>>, vector<1x16xf32>,
      %swap3A_165 = vector.shape_cast %swap3A_164 : vector<1x16xf32> to vector<16xf32>
      %swap3A_166 = vector.shape_cast %get3A_10 : vector<16xf32> to vector<1x16xf32>
      tpu.vector_store %arg6[%swap3A_162, %swap3A_163], %swap3A_166 {strides = array<i32>} : memref<200x128xf32, #tpu.memory_space<vmem>>, vector<1x16xf32>,
      %swap3A_167 = arith.constant 199 : i32
      %swap3A_168 = arith.index_cast %swap3A_167 : i32 to index
      %swap3A_169 = arith.constant 48 : index
      %swap3A_170 = tpu.vector_load %arg6[%swap3A_168, %swap3A_169] {strides = array<i32>} : memref<200x128xf32, #tpu.memory_space<vmem>>, vector<1x16xf32>,
      %swap3A_171 = vector.shape_cast %swap3A_170 : vector<1x16xf32> to vector<16xf32>
      %swap3A_172 = vector.shape_cast %get3A_13 : vector<16xf32> to vector<1x16xf32>
      tpu.vector_store %arg6[%swap3A_168, %swap3A_169], %swap3A_172 {strides = array<i32>} : memref<200x128xf32, #tpu.memory_space<vmem>>, vector<1x16xf32>,
      %swap3A_173 = arith.constant 199 : i32
      %swap3A_174 = arith.index_cast %swap3A_173 : i32 to index
      %swap3A_175 = arith.constant 64 : index
      %swap3A_176 = tpu.vector_load %arg6[%swap3A_174, %swap3A_175] {strides = array<i32>} : memref<200x128xf32, #tpu.memory_space<vmem>>, vector<1x16xf32>,
      %swap3A_177 = vector.shape_cast %swap3A_176 : vector<1x16xf32> to vector<16xf32>
      %swap3A_178 = vector.shape_cast %get3A_16 : vector<16xf32> to vector<1x16xf32>
      tpu.vector_store %arg6[%swap3A_174, %swap3A_175], %swap3A_178 {strides = array<i32>} : memref<200x128xf32, #tpu.memory_space<vmem>>, vector<1x16xf32>,
      %swap3A_179 = arith.constant 199 : i32
      %swap3A_180 = arith.index_cast %swap3A_179 : i32 to index
      %swap3A_181 = arith.constant 80 : index
      %swap3A_182 = tpu.vector_load %arg6[%swap3A_180, %swap3A_181] {strides = array<i32>} : memref<200x128xf32, #tpu.memory_space<vmem>>, vector<1x16xf32>,
      %swap3A_183 = vector.shape_cast %swap3A_182 : vector<1x16xf32> to vector<16xf32>
      %swap3A_184 = vector.shape_cast %get3A_19 : vector<16xf32> to vector<1x16xf32>
      tpu.vector_store %arg6[%swap3A_180, %swap3A_181], %swap3A_184 {strides = array<i32>} : memref<200x128xf32, #tpu.memory_space<vmem>>, vector<1x16xf32>,
      %swap3A_185 = arith.constant 199 : i32
      %swap3A_186 = arith.index_cast %swap3A_185 : i32 to index
      %swap3A_187 = arith.constant 96 : index
      %swap3A_188 = tpu.vector_load %arg6[%swap3A_186, %swap3A_187] {strides = array<i32>} : memref<200x128xf32, #tpu.memory_space<vmem>>, vector<1x16xf32>,
      %swap3A_189 = vector.shape_cast %swap3A_188 : vector<1x16xf32> to vector<16xf32>
      %swap3A_190 = vector.shape_cast %get3A_22 : vector<16xf32> to vector<1x16xf32>
      tpu.vector_store %arg6[%swap3A_186, %swap3A_187], %swap3A_190 {strides = array<i32>} : memref<200x128xf32, #tpu.memory_space<vmem>>, vector<1x16xf32>,
      %swap3A_191 = arith.constant 199 : i32
      %swap3A_192 = arith.index_cast %swap3A_191 : i32 to index
      %swap3A_193 = arith.constant 112 : index
      %swap3A_194 = tpu.vector_load %arg6[%swap3A_192, %swap3A_193] {strides = array<i32>} : memref<200x128xf32, #tpu.memory_space<vmem>>, vector<1x16xf32>,
      %swap3A_195 = vector.shape_cast %swap3A_194 : vector<1x16xf32> to vector<16xf32>
      %swap3A_196 = vector.shape_cast %get3A_25 : vector<16xf32> to vector<1x16xf32>
      tpu.vector_store %arg6[%swap3A_192, %swap3A_193], %swap3A_196 {strides = array<i32>} : memref<200x128xf32, #tpu.memory_space<vmem>>, vector<1x16xf32>,
      %broadcast_in_dim3A = arith.constant 0 : i32
      %broadcast_in_dim3A_197 = vector.broadcast %broadcast_in_dim3A : i32 to vector<16xi32>
      %mul3A_198 = arith.constant 200 : i32
      %mul3A_199 = arith.muli %and3A_149, %mul3A_198 : i32
      %add3A_200 = arith.constant 0 : i32
      %add3A_201 = arith.addi %mul3A_199, %add3A_200 : i32
      %add3A_202 = arith.constant 1 : i32
      %add3A_203 = arith.addi %add3A_201, %add3A_202 : i32
      %get3A_204 = arith.index_cast %add3A_203 : i32 to index
      %get3A_205 = tpu.vector_load %arg10[%get3A_204] {strides = array<i32>} : memref<6416xi32, #tpu.memory_space<vmem>>, vector<16xi32>,
      %get3A_206 = vector.shape_cast %get3A_205 : vector<16xi32> to vector<16xi32>
      %eq3A_207 = arith.constant 0 : i32
      %eq3A_208 = vector.broadcast %eq3A_207 : i32 to vector<16xi32>
      %eq3A_209 = arith.cmpi eq, %get3A_206, %eq3A_208 : vector<16xi32>
      %jit3A = arith.constant 1 : i32
      %jit3A_210 = arith.constant 0 : i32
      %broadcast_in_dim3A_211 = vector.broadcast %jit3A : i32 to vector<16xi32>
      %broadcast_in_dim3A_212 = vector.broadcast %jit3A_210 : i32 to vector<16xi32>
      %select_n3A = arith.select %eq3A_209, %broadcast_in_dim3A_211, %broadcast_in_dim3A_212 : vector<16xi1>, vector<16xi32>
      %add3A_213 = arith.addi %broadcast_in_dim3A_197, %select_n3A : vector<16xi32>
      %mul3A_214 = arith.constant 200 : i32
      %mul3A_215 = arith.muli %and3A_149, %mul3A_214 : i32
      %add3A_216 = arith.constant 16 : i32
      %add3A_217 = arith.addi %mul3A_215, %add3A_216 : i32
      %add3A_218 = arith.constant 1 : i32
      %add3A_219 = arith.addi %add3A_217, %add3A_218 : i32
      %get3A_220 = arith.index_cast %add3A_219 : i32 to index
      %get3A_221 = tpu.vector_load %arg10[%get3A_220] {strides = array<i32>} : memref<6416xi32, #tpu.memory_space<vmem>>, vector<16xi32>,
      %get3A_222 = vector.shape_cast %get3A_221 : vector<16xi32> to vector<16xi32>
      %eq3A_223 = arith.constant 0 : i32
      %eq3A_224 = vector.broadcast %eq3A_223 : i32 to vector<16xi32>
      %eq3A_225 = arith.cmpi eq, %get3A_222, %eq3A_224 : vector<16xi32>
      %jit3A_226 = arith.constant 1 : i32
      %jit3A_227 = arith.constant 0 : i32
      %broadcast_in_dim3A_228 = vector.broadcast %jit3A_226 : i32 to vector<16xi32>
      %broadcast_in_dim3A_229 = vector.broadcast %jit3A_227 : i32 to vector<16xi32>
      %select_n3A_230 = arith.select %eq3A_225, %broadcast_in_dim3A_228, %broadcast_in_dim3A_229 : vector<16xi1>, vector<16xi32>
      %add3A_231 = arith.addi %add3A_213, %select_n3A_230 : vector<16xi32>
      %mul3A_232 = arith.constant 200 : i32
      %mul3A_233 = arith.muli %and3A_149, %mul3A_232 : i32
      %add3A_234 = arith.constant 32 : i32
      %add3A_235 = arith.addi %mul3A_233, %add3A_234 : i32
      %add3A_236 = arith.constant 1 : i32
      %add3A_237 = arith.addi %add3A_235, %add3A_236 : i32
      %get3A_238 = arith.index_cast %add3A_237 : i32 to index
      %get3A_239 = tpu.vector_load %arg10[%get3A_238] {strides = array<i32>} : memref<6416xi32, #tpu.memory_space<vmem>>, vector<16xi32>,
      %get3A_240 = vector.shape_cast %get3A_239 : vector<16xi32> to vector<16xi32>
      %eq3A_241 = arith.constant 0 : i32
      %eq3A_242 = vector.broadcast %eq3A_241 : i32 to vector<16xi32>
      %eq3A_243 = arith.cmpi eq, %get3A_240, %eq3A_242 : vector<16xi32>
      %jit3A_244 = arith.constant 1 : i32
      %jit3A_245 = arith.constant 0 : i32
      %broadcast_in_dim3A_246 = vector.broadcast %jit3A_244 : i32 to vector<16xi32>
      %broadcast_in_dim3A_247 = vector.broadcast %jit3A_245 : i32 to vector<16xi32>
      %select_n3A_248 = arith.select %eq3A_243, %broadcast_in_dim3A_246, %broadcast_in_dim3A_247 : vector<16xi1>, vector<16xi32>
      %add3A_249 = arith.addi %add3A_231, %select_n3A_248 : vector<16xi32>
      %mul3A_250 = arith.constant 200 : i32
      %mul3A_251 = arith.muli %and3A_149, %mul3A_250 : i32
      %add3A_252 = arith.constant 48 : i32
      %add3A_253 = arith.addi %mul3A_251, %add3A_252 : i32
      %add3A_254 = arith.constant 1 : i32
      %add3A_255 = arith.addi %add3A_253, %add3A_254 : i32
      %get3A_256 = arith.index_cast %add3A_255 : i32 to index
      %get3A_257 = tpu.vector_load %arg10[%get3A_256] {strides = array<i32>} : memref<6416xi32, #tpu.memory_space<vmem>>, vector<16xi32>,
      %get3A_258 = vector.shape_cast %get3A_257 : vector<16xi32> to vector<16xi32>
      %eq3A_259 = arith.constant 0 : i32
      %eq3A_260 = vector.broadcast %eq3A_259 : i32 to vector<16xi32>
      %eq3A_261 = arith.cmpi eq, %get3A_258, %eq3A_260 : vector<16xi32>
      %jit3A_262 = arith.constant 1 : i32
      %jit3A_263 = arith.constant 0 : i32
      %broadcast_in_dim3A_264 = vector.broadcast %jit3A_262 : i32 to vector<16xi32>
      %broadcast_in_dim3A_265 = vector.broadcast %jit3A_263 : i32 to vector<16xi32>
      %select_n3A_266 = arith.select %eq3A_261, %broadcast_in_dim3A_264, %broadcast_in_dim3A_265 : vector<16xi1>, vector<16xi32>
      %add3A_267 = arith.addi %add3A_249, %select_n3A_266 : vector<16xi32>
      %mul3A_268 = arith.constant 200 : i32
      %mul3A_269 = arith.muli %and3A_149, %mul3A_268 : i32
      %add3A_270 = arith.constant 64 : i32
      %add3A_271 = arith.addi %mul3A_269, %add3A_270 : i32
      %add3A_272 = arith.constant 1 : i32
      %add3A_273 = arith.addi %add3A_271, %add3A_272 : i32
      %get3A_274 = arith.index_cast %add3A_273 : i32 to index
      %get3A_275 = tpu.vector_load %arg10[%get3A_274] {strides = array<i32>} : memref<6416xi32, #tpu.memory_space<vmem>>, vector<16xi32>,
      %get3A_276 = vector.shape_cast %get3A_275 : vector<16xi32> to vector<16xi32>
      %eq3A_277 = arith.constant 0 : i32
      %eq3A_278 = vector.broadcast %eq3A_277 : i32 to vector<16xi32>
      %eq3A_279 = arith.cmpi eq, %get3A_276, %eq3A_278 : vector<16xi32>
      %jit3A_280 = arith.constant 1 : i32
      %jit3A_281 = arith.constant 0 : i32
      %broadcast_in_dim3A_282 = vector.broadcast %jit3A_280 : i32 to vector<16xi32>
      %broadcast_in_dim3A_283 = vector.broadcast %jit3A_281 : i32 to vector<16xi32>
      %select_n3A_284 = arith.select %eq3A_279, %broadcast_in_dim3A_282, %broadcast_in_dim3A_283 : vector<16xi1>, vector<16xi32>
      %add3A_285 = arith.addi %add3A_267, %select_n3A_284 : vector<16xi32>
      %mul3A_286 = arith.constant 200 : i32
      %mul3A_287 = arith.muli %and3A_149, %mul3A_286 : i32
      %add3A_288 = arith.constant 80 : i32
      %add3A_289 = arith.addi %mul3A_287, %add3A_288 : i32
      %add3A_290 = arith.constant 1 : i32
      %add3A_291 = arith.addi %add3A_289, %add3A_290 : i32
      %get3A_292 = arith.index_cast %add3A_291 : i32 to index
      %get3A_293 = tpu.vector_load %arg10[%get3A_292] {strides = array<i32>} : memref<6416xi32, #tpu.memory_space<vmem>>, vector<16xi32>,
      %get3A_294 = vector.shape_cast %get3A_293 : vector<16xi32> to vector<16xi32>
      %eq3A_295 = arith.constant 0 : i32
      %eq3A_296 = vector.broadcast %eq3A_295 : i32 to vector<16xi32>
      %eq3A_297 = arith.cmpi eq, %get3A_294, %eq3A_296 : vector<16xi32>
      %jit3A_298 = arith.constant 1 : i32
      %jit3A_299 = arith.constant 0 : i32
      %broadcast_in_dim3A_300 = vector.broadcast %jit3A_298 : i32 to vector<16xi32>
      %broadcast_in_dim3A_301 = vector.broadcast %jit3A_299 : i32 to vector<16xi32>
      %select_n3A_302 = arith.select %eq3A_297, %broadcast_in_dim3A_300, %broadcast_in_dim3A_301 : vector<16xi1>, vector<16xi32>
      %add3A_303 = arith.addi %add3A_285, %select_n3A_302 : vector<16xi32>
      %mul3A_304 = arith.constant 200 : i32
      %mul3A_305 = arith.muli %and3A_149, %mul3A_304 : i32
      %add3A_306 = arith.constant 96 : i32
      %add3A_307 = arith.addi %mul3A_305, %add3A_306 : i32
      %add3A_308 = arith.constant 1 : i32
      %add3A_309 = arith.addi %add3A_307, %add3A_308 : i32
      %get3A_310 = arith.index_cast %add3A_309 : i32 to index
      %get3A_311 = tpu.vector_load %arg10[%get3A_310] {strides = array<i32>} : memref<6416xi32, #tpu.memory_space<vmem>>, vector<16xi32>,
      %get3A_312 = vector.shape_cast %get3A_311 : vector<16xi32> to vector<16xi32>
      %eq3A_313 = arith.constant 0 : i32
      %eq3A_314 = vector.broadcast %eq3A_313 : i32 to vector<16xi32>
      %eq3A_315 = arith.cmpi eq, %get3A_312, %eq3A_314 : vector<16xi32>
      %jit3A_316 = arith.constant 1 : i32
      %jit3A_317 = arith.constant 0 : i32
      %broadcast_in_dim3A_318 = vector.broadcast %jit3A_316 : i32 to vector<16xi32>
      %broadcast_in_dim3A_319 = vector.broadcast %jit3A_317 : i32 to vector<16xi32>
      %select_n3A_320 = arith.select %eq3A_315, %broadcast_in_dim3A_318, %broadcast_in_dim3A_319 : vector<16xi1>, vector<16xi32>
      %add3A_321 = arith.addi %add3A_303, %select_n3A_320 : vector<16xi32>
      %mul3A_322 = arith.constant 200 : i32
      %mul3A_323 = arith.muli %and3A_149, %mul3A_322 : i32
      %add3A_324 = arith.constant 112 : i32
      %add3A_325 = arith.addi %mul3A_323, %add3A_324 : i32
      %add3A_326 = arith.constant 1 : i32
      %add3A_327 = arith.addi %add3A_325, %add3A_326 : i32
      %get3A_328 = arith.index_cast %add3A_327 : i32 to index
      %get3A_329 = tpu.vector_load %arg10[%get3A_328] {strides = array<i32>} : memref<6416xi32, #tpu.memory_space<vmem>>, vector<16xi32>,
      %get3A_330 = vector.shape_cast %get3A_329 : vector<16xi32> to vector<16xi32>
      %eq3A_331 = arith.constant 0 : i32
      %eq3A_332 = vector.broadcast %eq3A_331 : i32 to vector<16xi32>
      %eq3A_333 = arith.cmpi eq, %get3A_330, %eq3A_332 : vector<16xi32>
      %jit3A_334 = arith.constant 1 : i32
      %jit3A_335 = arith.constant 0 : i32
      %broadcast_in_dim3A_336 = vector.broadcast %jit3A_334 : i32 to vector<16xi32>
      %broadcast_in_dim3A_337 = vector.broadcast %jit3A_335 : i32 to vector<16xi32>
      %select_n3A_338 = arith.select %eq3A_333, %broadcast_in_dim3A_336, %broadcast_in_dim3A_337 : vector<16xi1>, vector<16xi32>
      %add3A_339 = arith.addi %add3A_321, %select_n3A_338 : vector<16xi32>
      %mul3A_340 = arith.constant 200 : i32
      %mul3A_341 = arith.muli %and3A_149, %mul3A_340 : i32
      %add3A_342 = arith.constant 128 : i32
      %add3A_343 = arith.addi %mul3A_341, %add3A_342 : i32
      %add3A_344 = arith.constant 1 : i32
      %add3A_345 = arith.addi %add3A_343, %add3A_344 : i32
      %get3A_346 = arith.index_cast %add3A_345 : i32 to index
      %get3A_347 = tpu.vector_load %arg10[%get3A_346] {strides = array<i32>} : memref<6416xi32, #tpu.memory_space<vmem>>, vector<16xi32>,
      %get3A_348 = vector.shape_cast %get3A_347 : vector<16xi32> to vector<16xi32>
      %eq3A_349 = arith.constant 0 : i32
      %eq3A_350 = vector.broadcast %eq3A_349 : i32 to vector<16xi32>
      %eq3A_351 = arith.cmpi eq, %get3A_348, %eq3A_350 : vector<16xi32>
      %jit3A_352 = arith.constant 1 : i32
      %jit3A_353 = arith.constant 0 : i32
      %broadcast_in_dim3A_354 = vector.broadcast %jit3A_352 : i32 to vector<16xi32>
      %broadcast_in_dim3A_355 = vector.broadcast %jit3A_353 : i32 to vector<16xi32>
      %select_n3A_356 = arith.select %eq3A_351, %broadcast_in_dim3A_354, %broadcast_in_dim3A_355 : vector<16xi1>, vector<16xi32>
      %add3A_357 = arith.addi %add3A_339, %select_n3A_356 : vector<16xi32>
      %mul3A_358 = arith.constant 200 : i32
      %mul3A_359 = arith.muli %and3A_149, %mul3A_358 : i32
      %add3A_360 = arith.constant 144 : i32
      %add3A_361 = arith.addi %mul3A_359, %add3A_360 : i32
      %add3A_362 = arith.constant 1 : i32
      %add3A_363 = arith.addi %add3A_361, %add3A_362 : i32
      %get3A_364 = arith.index_cast %add3A_363 : i32 to index
      %get3A_365 = tpu.vector_load %arg10[%get3A_364] {strides = array<i32>} : memref<6416xi32, #tpu.memory_space<vmem>>, vector<16xi32>,
      %get3A_366 = vector.shape_cast %get3A_365 : vector<16xi32> to vector<16xi32>
      %eq3A_367 = arith.constant 0 : i32
      %eq3A_368 = vector.broadcast %eq3A_367 : i32 to vector<16xi32>
      %eq3A_369 = arith.cmpi eq, %get3A_366, %eq3A_368 : vector<16xi32>
      %jit3A_370 = arith.constant 1 : i32
      %jit3A_371 = arith.constant 0 : i32
      %broadcast_in_dim3A_372 = vector.broadcast %jit3A_370 : i32 to vector<16xi32>
      %broadcast_in_dim3A_373 = vector.broadcast %jit3A_371 : i32 to vector<16xi32>
      %select_n3A_374 = arith.select %eq3A_369, %broadcast_in_dim3A_372, %broadcast_in_dim3A_373 : vector<16xi1>, vector<16xi32>
      %add3A_375 = arith.addi %add3A_357, %select_n3A_374 : vector<16xi32>
      %mul3A_376 = arith.constant 200 : i32
      %mul3A_377 = arith.muli %and3A_149, %mul3A_376 : i32
      %add3A_378 = arith.constant 160 : i32
      %add3A_379 = arith.addi %mul3A_377, %add3A_378 : i32
      %add3A_380 = arith.constant 1 : i32
      %add3A_381 = arith.addi %add3A_379, %add3A_380 : i32
      %get3A_382 = arith.index_cast %add3A_381 : i32 to index
      %get3A_383 = tpu.vector_load %arg10[%get3A_382] {strides = array<i32>} : memref<6416xi32, #tpu.memory_space<vmem>>, vector<16xi32>,
      %get3A_384 = vector.shape_cast %get3A_383 : vector<16xi32> to vector<16xi32>
      %eq3A_385 = arith.constant 0 : i32
      %eq3A_386 = vector.broadcast %eq3A_385 : i32 to vector<16xi32>
      %eq3A_387 = arith.cmpi eq, %get3A_384, %eq3A_386 : vector<16xi32>
      %jit3A_388 = arith.constant 1 : i32
      %jit3A_389 = arith.constant 0 : i32
      %broadcast_in_dim3A_390 = vector.broadcast %jit3A_388 : i32 to vector<16xi32>
      %broadcast_in_dim3A_391 = vector.broadcast %jit3A_389 : i32 to vector<16xi32>
      %select_n3A_392 = arith.select %eq3A_387, %broadcast_in_dim3A_390, %broadcast_in_dim3A_391 : vector<16xi1>, vector<16xi32>
      %add3A_393 = arith.addi %add3A_375, %select_n3A_392 : vector<16xi32>
      %mul3A_394 = arith.constant 200 : i32
      %mul3A_395 = arith.muli %and3A_149, %mul3A_394 : i32
      %add3A_396 = arith.constant 176 : i32
      %add3A_397 = arith.addi %mul3A_395, %add3A_396 : i32
      %add3A_398 = arith.constant 1 : i32
      %add3A_399 = arith.addi %add3A_397, %add3A_398 : i32
      %get3A_400 = arith.index_cast %add3A_399 : i32 to index
      %get3A_401 = tpu.vector_load %arg10[%get3A_400] {strides = array<i32>} : memref<6416xi32, #tpu.memory_space<vmem>>, vector<16xi32>,
      %get3A_402 = vector.shape_cast %get3A_401 : vector<16xi32> to vector<16xi32>
      %eq3A_403 = arith.constant 0 : i32
      %eq3A_404 = vector.broadcast %eq3A_403 : i32 to vector<16xi32>
      %eq3A_405 = arith.cmpi eq, %get3A_402, %eq3A_404 : vector<16xi32>
      %jit3A_406 = arith.constant 1 : i32
      %jit3A_407 = arith.constant 0 : i32
      %broadcast_in_dim3A_408 = vector.broadcast %jit3A_406 : i32 to vector<16xi32>
      %broadcast_in_dim3A_409 = vector.broadcast %jit3A_407 : i32 to vector<16xi32>
      %select_n3A_410 = arith.select %eq3A_405, %broadcast_in_dim3A_408, %broadcast_in_dim3A_409 : vector<16xi1>, vector<16xi32>
      %add3A_411 = arith.addi %add3A_393, %select_n3A_410 : vector<16xi32>
      %mul3A_412 = arith.constant 200 : i32
      %mul3A_413 = arith.muli %and3A_149, %mul3A_412 : i32
      %add3A_414 = arith.constant 192 : i32
      %add3A_415 = arith.addi %mul3A_413, %add3A_414 : i32
      %add3A_416 = arith.constant 1 : i32
      %add3A_417 = arith.addi %add3A_415, %add3A_416 : i32
      %get3A_418 = arith.index_cast %add3A_417 : i32 to index
      %get3A_419 = tpu.vector_load %arg10[%get3A_418] {strides = array<i32>} : memref<6416xi32, #tpu.memory_space<vmem>>, vector<16xi32>,
      %get3A_420 = vector.shape_cast %get3A_419 : vector<16xi32> to vector<16xi32>
      %eq3A_421 = arith.constant 0 : i32
      %eq3A_422 = vector.broadcast %eq3A_421 : i32 to vector<16xi32>
      %eq3A_423 = arith.cmpi eq, %get3A_420, %eq3A_422 : vector<16xi32>
      %lt3A = arith.constant 7 : i32
      %lt3A_424 = vector.broadcast %lt3A : i32 to vector<16xi32>
      %lt3A_425 = arith.cmpi slt, %iota3A, %lt3A_424 : vector<16xi32>
      %and3A_426 = arith.andi %eq3A_423, %lt3A_425 : vector<16xi1>
      %jit3A_427 = arith.constant 1 : i32
      %jit3A_428 = arith.constant 0 : i32
      %broadcast_in_dim3A_429 = vector.broadcast %jit3A_427 : i32 to vector<16xi32>
      %broadcast_in_dim3A_430 = vector.broadcast %jit3A_428 : i32 to vector<16xi32>
      %select_n3A_431 = arith.select %and3A_426, %broadcast_in_dim3A_429, %broadcast_in_dim3A_430 : vector<16xi1>, vector<16xi32>
      %add3A_432 = arith.addi %add3A_411, %select_n3A_431 : vector<16xi32>
      %add3A_433 = arith.constant 8 : i32
      %add3A_434 = vector.broadcast %add3A_433 : i32 to vector<16xi32>
      %add3A_435 = arith.addi %iota3A, %add3A_434 : vector<16xi32>
      %and3A_436 = arith.constant 15 : i32
      %and3A_437 = vector.broadcast %and3A_436 : i32 to vector<16xi32>
      %and3A_438 = arith.andi %add3A_435, %and3A_437 : vector<16xi32>
      %lt3A_439 = arith.constant 0 : i32
      %lt3A_440 = vector.broadcast %lt3A_439 : i32 to vector<16xi32>
      %lt3A_441 = arith.cmpi slt, %and3A_438, %lt3A_440 : vector<16xi32>
      %add3A_442 = arith.constant 16 : i32
      %add3A_443 = vector.broadcast %add3A_442 : i32 to vector<16xi32>
      %add3A_444 = arith.addi %and3A_438, %add3A_443 : vector<16xi32>
      %select_n3A_445 = arith.select %lt3A_441, %add3A_444, %and3A_438 : vector<16xi1>, vector<16xi32>
      %broadcast_in_dim3A_446 = vector.shape_cast %select_n3A_445 : vector<16xi32> to vector<16x1xi32>
      %gather3A = vector.shape_cast %broadcast_in_dim3A_446 : vector<16x1xi32> to vector<16xi32>
      %gather3A_447 = tpu.dynamic_gather %add3A_432[%gather3A] in [0] : vector<16xi32>, vector<16xi32> -> vector<16xi32>
      %add3A_448 = arith.addi %add3A_432, %gather3A_447 : vector<16xi32>
      %add3A_449 = arith.constant 4 : i32
      %add3A_450 = vector.broadcast %add3A_449 : i32 to vector<16xi32>
      %add3A_451 = arith.addi %iota3A, %add3A_450 : vector<16xi32>
      %and3A_452 = arith.constant 15 : i32
      %and3A_453 = vector.broadcast %and3A_452 : i32 to vector<16xi32>
      %and3A_454 = arith.andi %add3A_451, %and3A_453 : vector<16xi32>
      %lt3A_455 = arith.constant 0 : i32
      %lt3A_456 = vector.broadcast %lt3A_455 : i32 to vector<16xi32>
      %lt3A_457 = arith.cmpi slt, %and3A_454, %lt3A_456 : vector<16xi32>
      %add3A_458 = arith.constant 16 : i32
      %add3A_459 = vector.broadcast %add3A_458 : i32 to vector<16xi32>
      %add3A_460 = arith.addi %and3A_454, %add3A_459 : vector<16xi32>
      %select_n3A_461 = arith.select %lt3A_457, %add3A_460, %and3A_454 : vector<16xi1>, vector<16xi32>
      %broadcast_in_dim3A_462 = vector.shape_cast %select_n3A_461 : vector<16xi32> to vector<16x1xi32>
      %gather3A_463 = vector.shape_cast %broadcast_in_dim3A_462 : vector<16x1xi32> to vector<16xi32>
      %gather3A_464 = tpu.dynamic_gather %add3A_448[%gather3A_463] in [0] : vector<16xi32>, vector<16xi32> -> vector<16xi32>
      %add3A_465 = arith.addi %add3A_448, %gather3A_464 : vector<16xi32>
      %add3A_466 = arith.constant 2 : i32
      %add3A_467 = vector.broadcast %add3A_466 : i32 to vector<16xi32>
      %add3A_468 = arith.addi %iota3A, %add3A_467 : vector<16xi32>
      %and3A_469 = arith.constant 15 : i32
      %and3A_470 = vector.broadcast %and3A_469 : i32 to vector<16xi32>
      %and3A_471 = arith.andi %add3A_468, %and3A_470 : vector<16xi32>
      %lt3A_472 = arith.constant 0 : i32
      %lt3A_473 = vector.broadcast %lt3A_472 : i32 to vector<16xi32>
      %lt3A_474 = arith.cmpi slt, %and3A_471, %lt3A_473 : vector<16xi32>
      %add3A_475 = arith.constant 16 : i32
      %add3A_476 = vector.broadcast %add3A_475 : i32 to vector<16xi32>
      %add3A_477 = arith.addi %and3A_471, %add3A_476 : vector<16xi32>
      %select_n3A_478 = arith.select %lt3A_474, %add3A_477, %and3A_471 : vector<16xi1>, vector<16xi32>
      %broadcast_in_dim3A_479 = vector.shape_cast %select_n3A_478 : vector<16xi32> to vector<16x1xi32>
      %gather3A_480 = vector.shape_cast %broadcast_in_dim3A_479 : vector<16x1xi32> to vector<16xi32>
      %gather3A_481 = tpu.dynamic_gather %add3A_465[%gather3A_480] in [0] : vector<16xi32>, vector<16xi32> -> vector<16xi32>
      %add3A_482 = arith.addi %add3A_465, %gather3A_481 : vector<16xi32>
      %add3A_483 = arith.constant 1 : i32
      %add3A_484 = vector.broadcast %add3A_483 : i32 to vector<16xi32>
      %add3A_485 = arith.addi %iota3A, %add3A_484 : vector<16xi32>
      %and3A_486 = arith.constant 15 : i32
      %and3A_487 = vector.broadcast %and3A_486 : i32 to vector<16xi32>
      %and3A_488 = arith.andi %add3A_485, %and3A_487 : vector<16xi32>
      %lt3A_489 = arith.constant 0 : i32
      %lt3A_490 = vector.broadcast %lt3A_489 : i32 to vector<16xi32>
      %lt3A_491 = arith.cmpi slt, %and3A_488, %lt3A_490 : vector<16xi32>
      %add3A_492 = arith.constant 16 : i32
      %add3A_493 = vector.broadcast %add3A_492 : i32 to vector<16xi32>
      %add3A_494 = arith.addi %and3A_488, %add3A_493 : vector<16xi32>
      %select_n3A_495 = arith.select %lt3A_491, %add3A_494, %and3A_488 : vector<16xi1>, vector<16xi32>
      %broadcast_in_dim3A_496 = vector.shape_cast %select_n3A_495 : vector<16xi32> to vector<16x1xi32>
      %gather3A_497 = vector.shape_cast %broadcast_in_dim3A_496 : vector<16x1xi32> to vector<16xi32>
      %gather3A_498 = tpu.dynamic_gather %add3A_482[%gather3A_497] in [0] : vector<16xi32>, vector<16xi32> -> vector<16xi32>
      %add3A_499 = arith.addi %add3A_482, %gather3A_498 : vector<16xi32>
      %slice3A = vector.extract_strided_slice %add3A_499 {offsets = [0], sizes = [1], strides = [1]} : vector<16xi32> to vector<1xi32>
      %squeeze3A = vector.extract %slice3A[0] : i32 from vector<1xi32>
      %gt3A = arith.constant 0 : i32
      %gt3A_500 = arith.cmpi sgt, %squeeze3A, %gt3A : i32
      %convert_element_type3A_501 = arith.extui %gt3A_500 : i1 to i32
      %cond3A_502 = arith.constant 0 : i32
      %cond3A_503 = arith.cmpi ne, %convert_element_type3A_501, %cond3A_502 : i32
      scf.if %cond3A_503 {
        %scan3A_1697 = arith.constant 0 : i32
        %scan3A_1698 = arith.constant 0 : i32
        %scan3A_1699 = arith.constant 199 : i32
        %scan3A_1700 = arith.addi %scan3A_1698, %scan3A_1699 : i32
        %scan3A_1701 = arith.constant 1 : i32
        %scan3A_1702 = scf.for %scan3A_1704 = %scan3A_1698 to %scan3A_1700 step %scan3A_1701 iter_args(%scan3A_1705 = %scan3A_1697) -> (i32)  : i32 {
          %mul3A_1706 = arith.constant 200 : i32
          %mul3A_1707 = arith.muli %and3A_149, %mul3A_1706 : i32
          %add3A_1708 = arith.addi %mul3A_1707, %scan3A_1704 : i32
          %add3A_1709 = arith.constant 1 : i32
          %add3A_1710 = arith.addi %add3A_1708, %add3A_1709 : i32
          %get3A_1711 = arith.index_cast %add3A_1710 : i32 to index
          %get3A_1712 = tpu.vector_load %arg10[%get3A_1711] {strides = array<i32>} : memref<6416xi32, #tpu.memory_space<vmem>>, vector<16xi32>,
          %get3A_1713 = vector.shape_cast %get3A_1712 : vector<16xi32> to vector<16xi32>
          %slice3A_1714 = vector.extract_strided_slice %get3A_1713 {offsets = [0], sizes = [1], strides = [1]} : vector<16xi32> to vector<1xi32>
          %squeeze3A_1715 = vector.extract %slice3A_1714[0] : i32 from vector<1xi32>
          %eq3A_1716 = arith.constant 0 : i32
          %eq3A_1717 = arith.cmpi eq, %squeeze3A_1715, %eq3A_1716 : i32
          %convert_element_type3A_1718 = arith.extui %eq3A_1717 : i1 to i32
          %cond3A_1719 = arith.constant 0 : i32
          %cond3A_1720 = arith.cmpi ne, %convert_element_type3A_1718, %cond3A_1719 : i32
          scf.if %cond3A_1720 {
            %swap3A_1722 = arith.index_cast %scan3A_1704 : i32 to index
            %swap3A_1723 = arith.constant 0 : index
            %swap3A_1724 = tpu.vector_load %arg6[%swap3A_1722, %swap3A_1723] {strides = array<i32>} : memref<200x128xf32, #tpu.memory_space<vmem>>, vector<1x16xf32>,
            %swap3A_1725 = vector.shape_cast %swap3A_1724 : vector<1x16xf32> to vector<16xf32>
            %swap3A_1726 = vector.shape_cast %get3A_4 : vector<16xf32> to vector<1x16xf32>
            tpu.vector_store %arg6[%swap3A_1722, %swap3A_1723], %swap3A_1726 {strides = array<i32>} : memref<200x128xf32, #tpu.memory_space<vmem>>, vector<1x16xf32>,
            %swap3A_1727 = arith.index_cast %scan3A_1704 : i32 to index
            %swap3A_1728 = arith.constant 16 : index
            %swap3A_1729 = tpu.vector_load %arg6[%swap3A_1727, %swap3A_1728] {strides = array<i32>} : memref<200x128xf32, #tpu.memory_space<vmem>>, vector<1x16xf32>,
            %swap3A_1730 = vector.shape_cast %swap3A_1729 : vector<1x16xf32> to vector<16xf32>
            %swap3A_1731 = vector.shape_cast %get3A_7 : vector<16xf32> to vector<1x16xf32>
            tpu.vector_store %arg6[%swap3A_1727, %swap3A_1728], %swap3A_1731 {strides = array<i32>} : memref<200x128xf32, #tpu.memory_space<vmem>>, vector<1x16xf32>,
            %swap3A_1732 = arith.index_cast %scan3A_1704 : i32 to index
            %swap3A_1733 = arith.constant 32 : index
            %swap3A_1734 = tpu.vector_load %arg6[%swap3A_1732, %swap3A_1733] {strides = array<i32>} : memref<200x128xf32, #tpu.memory_space<vmem>>, vector<1x16xf32>,
            %swap3A_1735 = vector.shape_cast %swap3A_1734 : vector<1x16xf32> to vector<16xf32>
            %swap3A_1736 = vector.shape_cast %get3A_10 : vector<16xf32> to vector<1x16xf32>
            tpu.vector_store %arg6[%swap3A_1732, %swap3A_1733], %swap3A_1736 {strides = array<i32>} : memref<200x128xf32, #tpu.memory_space<vmem>>, vector<1x16xf32>,
            %swap3A_1737 = arith.index_cast %scan3A_1704 : i32 to index
            %swap3A_1738 = arith.constant 48 : index
            %swap3A_1739 = tpu.vector_load %arg6[%swap3A_1737, %swap3A_1738] {strides = array<i32>} : memref<200x128xf32, #tpu.memory_space<vmem>>, vector<1x16xf32>,
            %swap3A_1740 = vector.shape_cast %swap3A_1739 : vector<1x16xf32> to vector<16xf32>
            %swap3A_1741 = vector.shape_cast %get3A_13 : vector<16xf32> to vector<1x16xf32>
            tpu.vector_store %arg6[%swap3A_1737, %swap3A_1738], %swap3A_1741 {strides = array<i32>} : memref<200x128xf32, #tpu.memory_space<vmem>>, vector<1x16xf32>,
            %swap3A_1742 = arith.index_cast %scan3A_1704 : i32 to index
            %swap3A_1743 = arith.constant 64 : index
            %swap3A_1744 = tpu.vector_load %arg6[%swap3A_1742, %swap3A_1743] {strides = array<i32>} : memref<200x128xf32, #tpu.memory_space<vmem>>, vector<1x16xf32>,
            %swap3A_1745 = vector.shape_cast %swap3A_1744 : vector<1x16xf32> to vector<16xf32>
            %swap3A_1746 = vector.shape_cast %get3A_16 : vector<16xf32> to vector<1x16xf32>
            tpu.vector_store %arg6[%swap3A_1742, %swap3A_1743], %swap3A_1746 {strides = array<i32>} : memref<200x128xf32, #tpu.memory_space<vmem>>, vector<1x16xf32>,
            %swap3A_1747 = arith.index_cast %scan3A_1704 : i32 to index
            %swap3A_1748 = arith.constant 80 : index
            %swap3A_1749 = tpu.vector_load %arg6[%swap3A_1747, %swap3A_1748] {strides = array<i32>} : memref<200x128xf32, #tpu.memory_space<vmem>>, vector<1x16xf32>,
            %swap3A_1750 = vector.shape_cast %swap3A_1749 : vector<1x16xf32> to vector<16xf32>
            %swap3A_1751 = vector.shape_cast %get3A_19 : vector<16xf32> to vector<1x16xf32>
            tpu.vector_store %arg6[%swap3A_1747, %swap3A_1748], %swap3A_1751 {strides = array<i32>} : memref<200x128xf32, #tpu.memory_space<vmem>>, vector<1x16xf32>,
            %swap3A_1752 = arith.index_cast %scan3A_1704 : i32 to index
            %swap3A_1753 = arith.constant 96 : index
            %swap3A_1754 = tpu.vector_load %arg6[%swap3A_1752, %swap3A_1753] {strides = array<i32>} : memref<200x128xf32, #tpu.memory_space<vmem>>, vector<1x16xf32>,
            %swap3A_1755 = vector.shape_cast %swap3A_1754 : vector<1x16xf32> to vector<16xf32>
            %swap3A_1756 = vector.shape_cast %get3A_22 : vector<16xf32> to vector<1x16xf32>
            tpu.vector_store %arg6[%swap3A_1752, %swap3A_1753], %swap3A_1756 {strides = array<i32>} : memref<200x128xf32, #tpu.memory_space<vmem>>, vector<1x16xf32>,
            %swap3A_1757 = arith.index_cast %scan3A_1704 : i32 to index
            %swap3A_1758 = arith.constant 112 : index
            %swap3A_1759 = tpu.vector_load %arg6[%swap3A_1757, %swap3A_1758] {strides = array<i32>} : memref<200x128xf32, #tpu.memory_space<vmem>>, vector<1x16xf32>,
            %swap3A_1760 = vector.shape_cast %swap3A_1759 : vector<1x16xf32> to vector<16xf32>
            %swap3A_1761 = vector.shape_cast %get3A_25 : vector<16xf32> to vector<1x16xf32>
            tpu.vector_store %arg6[%swap3A_1757, %swap3A_1758], %swap3A_1761 {strides = array<i32>} : memref<200x128xf32, #tpu.memory_space<vmem>>, vector<1x16xf32>,
          } else {
          }
          %scan3A_1721 = arith.constant 0 : i32
          scf.yield %scan3A_1721 : i32
        }
        %scan3A_1703 = arith.constant 199 : i32
      } else {
      }
      %add3A_504 = arith.addi %mul3A_2, %add3A_135 : i32
      %dma_start3A_505 = arith.constant 0 : i32
      %dma_start3A_506 = arith.constant 0 : i32
      %dma_start3A_507 = tpu.memref_slice %arg5[%add3A_504, %dma_start3A_505, %dma_start3A_506] : memref<4096x200x128xf32, #tpu.memory_space<hbm>> -> memref<1x200x128xf32, #tpu.memory_space<hbm>>
      %dma_start3A_508 = tpu.memref_squeeze %dma_start3A_507 : memref<1x200x128xf32, #tpu.memory_space<hbm>> -> memref<200x128xf32, #tpu.memory_space<hbm>>
      %dma_start3A_509 = arith.constant 0 : i32
      %dma_start3A_510 = arith.constant 0 : i32
      %dma_start3A_511 = tpu.memref_slice %arg5[%add3A_504, %dma_start3A_509, %dma_start3A_510] : memref<4096x200x128xf32, #tpu.memory_space<hbm>> -> memref<1x200x128xf32, #tpu.memory_space<hbm>>
      %dma_start3A_512 = tpu.memref_squeeze %dma_start3A_511 : memref<1x200x128xf32, #tpu.memory_space<hbm>> -> memref<200x128xf32, #tpu.memory_space<hbm>>
      tpu.enqueue_dma source(%arg6 : memref<200x128xf32, #tpu.memory_space<vmem>>) target(%dma_start3A_512 : memref<200x128xf32, #tpu.memory_space<hbm>>) target_semaphore(%arg16 : memref<!tpu.dma_semaphore, #tpu.memory_space<semaphore_mem>>)
      %add3A_513 = arith.constant 4 : i32
      %add3A_514 = arith.addi %add3A_135, %add3A_513 : i32
      %lt3A_515 = arith.constant 128 : i32
      %lt3A_516 = arith.cmpi slt, %add3A_514, %lt3A_515 : i32
      %convert_element_type3A_517 = arith.extui %lt3A_516 : i1 to i32
      %cond3A_518 = arith.constant 0 : i32
      %cond3A_519 = arith.cmpi ne, %convert_element_type3A_517, %cond3A_518 : i32
      scf.if %cond3A_519 {
        %add3A_1697 = arith.addi %mul3A_2, %add3A_135 : i32
        %dma_wait3A_1698 = arith.constant 0 : i32
        %dma_wait3A_1699 = arith.constant 0 : i32
        %dma_wait3A_1700 = tpu.memref_slice %arg5[%add3A_1697, %dma_wait3A_1698, %dma_wait3A_1699] : memref<4096x200x128xf32, #tpu.memory_space<hbm>> -> memref<1x200x128xf32, #tpu.memory_space<hbm>>
        %dma_wait3A_1701 = tpu.memref_squeeze %dma_wait3A_1700 : memref<1x200x128xf32, #tpu.memory_space<hbm>> -> memref<200x128xf32, #tpu.memory_space<hbm>>
        %dma_wait3A_1702 = arith.constant 0 : i32
        %dma_wait3A_1703 = arith.constant 0 : i32
        %dma_wait3A_1704 = tpu.memref_slice %arg5[%add3A_1697, %dma_wait3A_1702, %dma_wait3A_1703] : memref<4096x200x128xf32, #tpu.memory_space<hbm>> -> memref<1x200x128xf32, #tpu.memory_space<hbm>>
        %dma_wait3A_1705 = tpu.memref_squeeze %dma_wait3A_1704 : memref<1x200x128xf32, #tpu.memory_space<hbm>> -> memref<200x128xf32, #tpu.memory_space<hbm>>
        tpu.wait_dma2 semaphore(%arg16 : memref<!tpu.dma_semaphore, #tpu.memory_space<semaphore_mem>>) src(%arg6 : memref<200x128xf32, #tpu.memory_space<vmem>>) dst(%dma_wait3A_1705 : memref<200x128xf32, #tpu.memory_space<hbm>>)
        %add3A_1706 = arith.constant 4 : i32
        %add3A_1707 = arith.addi %add3A_135, %add3A_1706 : i32
        %add3A_1708 = arith.addi %mul3A_2, %add3A_1707 : i32
        %dma_start3A_1709 = arith.constant 0 : i32
        %dma_start3A_1710 = arith.constant 0 : i32
        %dma_start3A_1711 = tpu.memref_slice %arg2[%add3A_1708, %dma_start3A_1709, %dma_start3A_1710] : memref<4096x200x128xf32, #tpu.memory_space<hbm>> -> memref<1x200x128xf32, #tpu.memory_space<hbm>>
        %dma_start3A_1712 = tpu.memref_squeeze %dma_start3A_1711 : memref<1x200x128xf32, #tpu.memory_space<hbm>> -> memref<200x128xf32, #tpu.memory_space<hbm>>
        %dma_start3A_1713 = arith.constant 0 : i32
        %dma_start3A_1714 = arith.constant 0 : i32
        %dma_start3A_1715 = tpu.memref_slice %arg2[%add3A_1708, %dma_start3A_1713, %dma_start3A_1714] : memref<4096x200x128xf32, #tpu.memory_space<hbm>> -> memref<1x200x128xf32, #tpu.memory_space<hbm>>
        %dma_start3A_1716 = tpu.memref_squeeze %dma_start3A_1715 : memref<1x200x128xf32, #tpu.memory_space<hbm>> -> memref<200x128xf32, #tpu.memory_space<hbm>>
        tpu.enqueue_dma source(%dma_start3A_1716 : memref<200x128xf32, #tpu.memory_space<hbm>>) target(%arg6 : memref<200x128xf32, #tpu.memory_space<vmem>>) target_semaphore(%arg12 : memref<!tpu.dma_semaphore, #tpu.memory_space<semaphore_mem>>)
      } else {
      }
      %add3A_520 = arith.constant 1 : i32
      %add3A_521 = arith.addi %mul3A_133, %add3A_520 : i32
      %add3A_522 = arith.addi %mul3A_2, %add3A_521 : i32
      %dma_wait3A_523 = arith.constant 0 : i32
      %dma_wait3A_524 = arith.constant 0 : i32
      %dma_wait3A_525 = tpu.memref_slice %arg2[%add3A_522, %dma_wait3A_523, %dma_wait3A_524] : memref<4096x200x128xf32, #tpu.memory_space<hbm>> -> memref<1x200x128xf32, #tpu.memory_space<hbm>>
      %dma_wait3A_526 = tpu.memref_squeeze %dma_wait3A_525 : memref<1x200x128xf32, #tpu.memory_space<hbm>> -> memref<200x128xf32, #tpu.memory_space<hbm>>
      %dma_wait3A_527 = arith.constant 0 : i32
      %dma_wait3A_528 = arith.constant 0 : i32
      %dma_wait3A_529 = tpu.memref_slice %arg2[%add3A_522, %dma_wait3A_527, %dma_wait3A_528] : memref<4096x200x128xf32, #tpu.memory_space<hbm>> -> memref<1x200x128xf32, #tpu.memory_space<hbm>>
      %dma_wait3A_530 = tpu.memref_squeeze %dma_wait3A_529 : memref<1x200x128xf32, #tpu.memory_space<hbm>> -> memref<200x128xf32, #tpu.memory_space<hbm>>
      tpu.wait_dma2 semaphore(%arg13 : memref<!tpu.dma_semaphore, #tpu.memory_space<semaphore_mem>>) src(%dma_wait3A_530 : memref<200x128xf32, #tpu.memory_space<hbm>>) dst(%arg7 : memref<200x128xf32, #tpu.memory_space<vmem>>)
      %and3A_531 = arith.constant 31 : i32
      %and3A_532 = arith.andi %add3A_521, %and3A_531 : i32
      %swap3A_533 = arith.constant 199 : i32
      %swap3A_534 = arith.index_cast %swap3A_533 : i32 to index
      %swap3A_535 = arith.constant 0 : index
      %swap3A_536 = tpu.vector_load %arg7[%swap3A_534, %swap3A_535] {strides = array<i32>} : memref<200x128xf32, #tpu.memory_space<vmem>>, vector<1x16xf32>,
      %swap3A_537 = vector.shape_cast %swap3A_536 : vector<1x16xf32> to vector<16xf32>
      %swap3A_538 = vector.shape_cast %get3A_4 : vector<16xf32> to vector<1x16xf32>
      tpu.vector_store %arg7[%swap3A_534, %swap3A_535], %swap3A_538 {strides = array<i32>} : memref<200x128xf32, #tpu.memory_space<vmem>>, vector<1x16xf32>,
      %swap3A_539 = arith.constant 199 : i32
      %swap3A_540 = arith.index_cast %swap3A_539 : i32 to index
      %swap3A_541 = arith.constant 16 : index
      %swap3A_542 = tpu.vector_load %arg7[%swap3A_540, %swap3A_541] {strides = array<i32>} : memref<200x128xf32, #tpu.memory_space<vmem>>, vector<1x16xf32>,
      %swap3A_543 = vector.shape_cast %swap3A_542 : vector<1x16xf32> to vector<16xf32>
      %swap3A_544 = vector.shape_cast %get3A_7 : vector<16xf32> to vector<1x16xf32>
      tpu.vector_store %arg7[%swap3A_540, %swap3A_541], %swap3A_544 {strides = array<i32>} : memref<200x128xf32, #tpu.memory_space<vmem>>, vector<1x16xf32>,
      %swap3A_545 = arith.constant 199 : i32
      %swap3A_546 = arith.index_cast %swap3A_545 : i32 to index
      %swap3A_547 = arith.constant 32 : index
      %swap3A_548 = tpu.vector_load %arg7[%swap3A_546, %swap3A_547] {strides = array<i32>} : memref<200x128xf32, #tpu.memory_space<vmem>>, vector<1x16xf32>,
      %swap3A_549 = vector.shape_cast %swap3A_548 : vector<1x16xf32> to vector<16xf32>
      %swap3A_550 = vector.shape_cast %get3A_10 : vector<16xf32> to vector<1x16xf32>
      tpu.vector_store %arg7[%swap3A_546, %swap3A_547], %swap3A_550 {strides = array<i32>} : memref<200x128xf32, #tpu.memory_space<vmem>>, vector<1x16xf32>,
      %swap3A_551 = arith.constant 199 : i32
      %swap3A_552 = arith.index_cast %swap3A_551 : i32 to index
      %swap3A_553 = arith.constant 48 : index
      %swap3A_554 = tpu.vector_load %arg7[%swap3A_552, %swap3A_553] {strides = array<i32>} : memref<200x128xf32, #tpu.memory_space<vmem>>, vector<1x16xf32>,
      %swap3A_555 = vector.shape_cast %swap3A_554 : vector<1x16xf32> to vector<16xf32>
      %swap3A_556 = vector.shape_cast %get3A_13 : vector<16xf32> to vector<1x16xf32>
      tpu.vector_store %arg7[%swap3A_552, %swap3A_553], %swap3A_556 {strides = array<i32>} : memref<200x128xf32, #tpu.memory_space<vmem>>, vector<1x16xf32>,
      %swap3A_557 = arith.constant 199 : i32
      %swap3A_558 = arith.index_cast %swap3A_557 : i32 to index
      %swap3A_559 = arith.constant 64 : index
      %swap3A_560 = tpu.vector_load %arg7[%swap3A_558, %swap3A_559] {strides = array<i32>} : memref<200x128xf32, #tpu.memory_space<vmem>>, vector<1x16xf32>,
      %swap3A_561 = vector.shape_cast %swap3A_560 : vector<1x16xf32> to vector<16xf32>
      %swap3A_562 = vector.shape_cast %get3A_16 : vector<16xf32> to vector<1x16xf32>
      tpu.vector_store %arg7[%swap3A_558, %swap3A_559], %swap3A_562 {strides = array<i32>} : memref<200x128xf32, #tpu.memory_space<vmem>>, vector<1x16xf32>,
      %swap3A_563 = arith.constant 199 : i32
      %swap3A_564 = arith.index_cast %swap3A_563 : i32 to index
      %swap3A_565 = arith.constant 80 : index
      %swap3A_566 = tpu.vector_load %arg7[%swap3A_564, %swap3A_565] {strides = array<i32>} : memref<200x128xf32, #tpu.memory_space<vmem>>, vector<1x16xf32>,
      %swap3A_567 = vector.shape_cast %swap3A_566 : vector<1x16xf32> to vector<16xf32>
      %swap3A_568 = vector.shape_cast %get3A_19 : vector<16xf32> to vector<1x16xf32>
      tpu.vector_store %arg7[%swap3A_564, %swap3A_565], %swap3A_568 {strides = array<i32>} : memref<200x128xf32, #tpu.memory_space<vmem>>, vector<1x16xf32>,
      %swap3A_569 = arith.constant 199 : i32
      %swap3A_570 = arith.index_cast %swap3A_569 : i32 to index
      %swap3A_571 = arith.constant 96 : index
      %swap3A_572 = tpu.vector_load %arg7[%swap3A_570, %swap3A_571] {strides = array<i32>} : memref<200x128xf32, #tpu.memory_space<vmem>>, vector<1x16xf32>,
      %swap3A_573 = vector.shape_cast %swap3A_572 : vector<1x16xf32> to vector<16xf32>
      %swap3A_574 = vector.shape_cast %get3A_22 : vector<16xf32> to vector<1x16xf32>
      tpu.vector_store %arg7[%swap3A_570, %swap3A_571], %swap3A_574 {strides = array<i32>} : memref<200x128xf32, #tpu.memory_space<vmem>>, vector<1x16xf32>,
      %swap3A_575 = arith.constant 199 : i32
      %swap3A_576 = arith.index_cast %swap3A_575 : i32 to index
      %swap3A_577 = arith.constant 112 : index
      %swap3A_578 = tpu.vector_load %arg7[%swap3A_576, %swap3A_577] {strides = array<i32>} : memref<200x128xf32, #tpu.memory_space<vmem>>, vector<1x16xf32>,
      %swap3A_579 = vector.shape_cast %swap3A_578 : vector<1x16xf32> to vector<16xf32>
      %swap3A_580 = vector.shape_cast %get3A_25 : vector<16xf32> to vector<1x16xf32>
      tpu.vector_store %arg7[%swap3A_576, %swap3A_577], %swap3A_580 {strides = array<i32>} : memref<200x128xf32, #tpu.memory_space<vmem>>, vector<1x16xf32>,
      %broadcast_in_dim3A_581 = arith.constant 0 : i32
      %broadcast_in_dim3A_582 = vector.broadcast %broadcast_in_dim3A_581 : i32 to vector<16xi32>
      %mul3A_583 = arith.constant 200 : i32
      %mul3A_584 = arith.muli %and3A_532, %mul3A_583 : i32
      %add3A_585 = arith.constant 0 : i32
      %add3A_586 = arith.addi %mul3A_584, %add3A_585 : i32
      %add3A_587 = arith.constant 1 : i32
      %add3A_588 = arith.addi %add3A_586, %add3A_587 : i32
      %get3A_589 = arith.index_cast %add3A_588 : i32 to index
      %get3A_590 = tpu.vector_load %arg10[%get3A_589] {strides = array<i32>} : memref<6416xi32, #tpu.memory_space<vmem>>, vector<16xi32>,
      %get3A_591 = vector.shape_cast %get3A_590 : vector<16xi32> to vector<16xi32>
      %eq3A_592 = arith.constant 0 : i32
      %eq3A_593 = vector.broadcast %eq3A_592 : i32 to vector<16xi32>
      %eq3A_594 = arith.cmpi eq, %get3A_591, %eq3A_593 : vector<16xi32>
      %jit3A_595 = arith.constant 1 : i32
      %jit3A_596 = arith.constant 0 : i32
      %broadcast_in_dim3A_597 = vector.broadcast %jit3A_595 : i32 to vector<16xi32>
      %broadcast_in_dim3A_598 = vector.broadcast %jit3A_596 : i32 to vector<16xi32>
      %select_n3A_599 = arith.select %eq3A_594, %broadcast_in_dim3A_597, %broadcast_in_dim3A_598 : vector<16xi1>, vector<16xi32>
      %add3A_600 = arith.addi %broadcast_in_dim3A_582, %select_n3A_599 : vector<16xi32>
      %mul3A_601 = arith.constant 200 : i32
      %mul3A_602 = arith.muli %and3A_532, %mul3A_601 : i32
      %add3A_603 = arith.constant 16 : i32
      %add3A_604 = arith.addi %mul3A_602, %add3A_603 : i32
      %add3A_605 = arith.constant 1 : i32
      %add3A_606 = arith.addi %add3A_604, %add3A_605 : i32
      %get3A_607 = arith.index_cast %add3A_606 : i32 to index
      %get3A_608 = tpu.vector_load %arg10[%get3A_607] {strides = array<i32>} : memref<6416xi32, #tpu.memory_space<vmem>>, vector<16xi32>,
      %get3A_609 = vector.shape_cast %get3A_608 : vector<16xi32> to vector<16xi32>
      %eq3A_610 = arith.constant 0 : i32
      %eq3A_611 = vector.broadcast %eq3A_610 : i32 to vector<16xi32>
      %eq3A_612 = arith.cmpi eq, %get3A_609, %eq3A_611 : vector<16xi32>
      %jit3A_613 = arith.constant 1 : i32
      %jit3A_614 = arith.constant 0 : i32
      %broadcast_in_dim3A_615 = vector.broadcast %jit3A_613 : i32 to vector<16xi32>
      %broadcast_in_dim3A_616 = vector.broadcast %jit3A_614 : i32 to vector<16xi32>
      %select_n3A_617 = arith.select %eq3A_612, %broadcast_in_dim3A_615, %broadcast_in_dim3A_616 : vector<16xi1>, vector<16xi32>
      %add3A_618 = arith.addi %add3A_600, %select_n3A_617 : vector<16xi32>
      %mul3A_619 = arith.constant 200 : i32
      %mul3A_620 = arith.muli %and3A_532, %mul3A_619 : i32
      %add3A_621 = arith.constant 32 : i32
      %add3A_622 = arith.addi %mul3A_620, %add3A_621 : i32
      %add3A_623 = arith.constant 1 : i32
      %add3A_624 = arith.addi %add3A_622, %add3A_623 : i32
      %get3A_625 = arith.index_cast %add3A_624 : i32 to index
      %get3A_626 = tpu.vector_load %arg10[%get3A_625] {strides = array<i32>} : memref<6416xi32, #tpu.memory_space<vmem>>, vector<16xi32>,
      %get3A_627 = vector.shape_cast %get3A_626 : vector<16xi32> to vector<16xi32>
      %eq3A_628 = arith.constant 0 : i32
      %eq3A_629 = vector.broadcast %eq3A_628 : i32 to vector<16xi32>
      %eq3A_630 = arith.cmpi eq, %get3A_627, %eq3A_629 : vector<16xi32>
      %jit3A_631 = arith.constant 1 : i32
      %jit3A_632 = arith.constant 0 : i32
      %broadcast_in_dim3A_633 = vector.broadcast %jit3A_631 : i32 to vector<16xi32>
      %broadcast_in_dim3A_634 = vector.broadcast %jit3A_632 : i32 to vector<16xi32>
      %select_n3A_635 = arith.select %eq3A_630, %broadcast_in_dim3A_633, %broadcast_in_dim3A_634 : vector<16xi1>, vector<16xi32>
      %add3A_636 = arith.addi %add3A_618, %select_n3A_635 : vector<16xi32>
      %mul3A_637 = arith.constant 200 : i32
      %mul3A_638 = arith.muli %and3A_532, %mul3A_637 : i32
      %add3A_639 = arith.constant 48 : i32
      %add3A_640 = arith.addi %mul3A_638, %add3A_639 : i32
      %add3A_641 = arith.constant 1 : i32
      %add3A_642 = arith.addi %add3A_640, %add3A_641 : i32
      %get3A_643 = arith.index_cast %add3A_642 : i32 to index
      %get3A_644 = tpu.vector_load %arg10[%get3A_643] {strides = array<i32>} : memref<6416xi32, #tpu.memory_space<vmem>>, vector<16xi32>,
      %get3A_645 = vector.shape_cast %get3A_644 : vector<16xi32> to vector<16xi32>
      %eq3A_646 = arith.constant 0 : i32
      %eq3A_647 = vector.broadcast %eq3A_646 : i32 to vector<16xi32>
      %eq3A_648 = arith.cmpi eq, %get3A_645, %eq3A_647 : vector<16xi32>
      %jit3A_649 = arith.constant 1 : i32
      %jit3A_650 = arith.constant 0 : i32
      %broadcast_in_dim3A_651 = vector.broadcast %jit3A_649 : i32 to vector<16xi32>
      %broadcast_in_dim3A_652 = vector.broadcast %jit3A_650 : i32 to vector<16xi32>
      %select_n3A_653 = arith.select %eq3A_648, %broadcast_in_dim3A_651, %broadcast_in_dim3A_652 : vector<16xi1>, vector<16xi32>
      %add3A_654 = arith.addi %add3A_636, %select_n3A_653 : vector<16xi32>
      %mul3A_655 = arith.constant 200 : i32
      %mul3A_656 = arith.muli %and3A_532, %mul3A_655 : i32
      %add3A_657 = arith.constant 64 : i32
      %add3A_658 = arith.addi %mul3A_656, %add3A_657 : i32
      %add3A_659 = arith.constant 1 : i32
      %add3A_660 = arith.addi %add3A_658, %add3A_659 : i32
      %get3A_661 = arith.index_cast %add3A_660 : i32 to index
      %get3A_662 = tpu.vector_load %arg10[%get3A_661] {strides = array<i32>} : memref<6416xi32, #tpu.memory_space<vmem>>, vector<16xi32>,
      %get3A_663 = vector.shape_cast %get3A_662 : vector<16xi32> to vector<16xi32>
      %eq3A_664 = arith.constant 0 : i32
      %eq3A_665 = vector.broadcast %eq3A_664 : i32 to vector<16xi32>
      %eq3A_666 = arith.cmpi eq, %get3A_663, %eq3A_665 : vector<16xi32>
      %jit3A_667 = arith.constant 1 : i32
      %jit3A_668 = arith.constant 0 : i32
      %broadcast_in_dim3A_669 = vector.broadcast %jit3A_667 : i32 to vector<16xi32>
      %broadcast_in_dim3A_670 = vector.broadcast %jit3A_668 : i32 to vector<16xi32>
      %select_n3A_671 = arith.select %eq3A_666, %broadcast_in_dim3A_669, %broadcast_in_dim3A_670 : vector<16xi1>, vector<16xi32>
      %add3A_672 = arith.addi %add3A_654, %select_n3A_671 : vector<16xi32>
      %mul3A_673 = arith.constant 200 : i32
      %mul3A_674 = arith.muli %and3A_532, %mul3A_673 : i32
      %add3A_675 = arith.constant 80 : i32
      %add3A_676 = arith.addi %mul3A_674, %add3A_675 : i32
      %add3A_677 = arith.constant 1 : i32
      %add3A_678 = arith.addi %add3A_676, %add3A_677 : i32
      %get3A_679 = arith.index_cast %add3A_678 : i32 to index
      %get3A_680 = tpu.vector_load %arg10[%get3A_679] {strides = array<i32>} : memref<6416xi32, #tpu.memory_space<vmem>>, vector<16xi32>,
      %get3A_681 = vector.shape_cast %get3A_680 : vector<16xi32> to vector<16xi32>
      %eq3A_682 = arith.constant 0 : i32
      %eq3A_683 = vector.broadcast %eq3A_682 : i32 to vector<16xi32>
      %eq3A_684 = arith.cmpi eq, %get3A_681, %eq3A_683 : vector<16xi32>
      %jit3A_685 = arith.constant 1 : i32
      %jit3A_686 = arith.constant 0 : i32
      %broadcast_in_dim3A_687 = vector.broadcast %jit3A_685 : i32 to vector<16xi32>
      %broadcast_in_dim3A_688 = vector.broadcast %jit3A_686 : i32 to vector<16xi32>
      %select_n3A_689 = arith.select %eq3A_684, %broadcast_in_dim3A_687, %broadcast_in_dim3A_688 : vector<16xi1>, vector<16xi32>
      %add3A_690 = arith.addi %add3A_672, %select_n3A_689 : vector<16xi32>
      %mul3A_691 = arith.constant 200 : i32
      %mul3A_692 = arith.muli %and3A_532, %mul3A_691 : i32
      %add3A_693 = arith.constant 96 : i32
      %add3A_694 = arith.addi %mul3A_692, %add3A_693 : i32
      %add3A_695 = arith.constant 1 : i32
      %add3A_696 = arith.addi %add3A_694, %add3A_695 : i32
      %get3A_697 = arith.index_cast %add3A_696 : i32 to index
      %get3A_698 = tpu.vector_load %arg10[%get3A_697] {strides = array<i32>} : memref<6416xi32, #tpu.memory_space<vmem>>, vector<16xi32>,
      %get3A_699 = vector.shape_cast %get3A_698 : vector<16xi32> to vector<16xi32>
      %eq3A_700 = arith.constant 0 : i32
      %eq3A_701 = vector.broadcast %eq3A_700 : i32 to vector<16xi32>
      %eq3A_702 = arith.cmpi eq, %get3A_699, %eq3A_701 : vector<16xi32>
      %jit3A_703 = arith.constant 1 : i32
      %jit3A_704 = arith.constant 0 : i32
      %broadcast_in_dim3A_705 = vector.broadcast %jit3A_703 : i32 to vector<16xi32>
      %broadcast_in_dim3A_706 = vector.broadcast %jit3A_704 : i32 to vector<16xi32>
      %select_n3A_707 = arith.select %eq3A_702, %broadcast_in_dim3A_705, %broadcast_in_dim3A_706 : vector<16xi1>, vector<16xi32>
      %add3A_708 = arith.addi %add3A_690, %select_n3A_707 : vector<16xi32>
      %mul3A_709 = arith.constant 200 : i32
      %mul3A_710 = arith.muli %and3A_532, %mul3A_709 : i32
      %add3A_711 = arith.constant 112 : i32
      %add3A_712 = arith.addi %mul3A_710, %add3A_711 : i32
      %add3A_713 = arith.constant 1 : i32
      %add3A_714 = arith.addi %add3A_712, %add3A_713 : i32
      %get3A_715 = arith.index_cast %add3A_714 : i32 to index
      %get3A_716 = tpu.vector_load %arg10[%get3A_715] {strides = array<i32>} : memref<6416xi32, #tpu.memory_space<vmem>>, vector<16xi32>,
      %get3A_717 = vector.shape_cast %get3A_716 : vector<16xi32> to vector<16xi32>
      %eq3A_718 = arith.constant 0 : i32
      %eq3A_719 = vector.broadcast %eq3A_718 : i32 to vector<16xi32>
      %eq3A_720 = arith.cmpi eq, %get3A_717, %eq3A_719 : vector<16xi32>
      %jit3A_721 = arith.constant 1 : i32
      %jit3A_722 = arith.constant 0 : i32
      %broadcast_in_dim3A_723 = vector.broadcast %jit3A_721 : i32 to vector<16xi32>
      %broadcast_in_dim3A_724 = vector.broadcast %jit3A_722 : i32 to vector<16xi32>
      %select_n3A_725 = arith.select %eq3A_720, %broadcast_in_dim3A_723, %broadcast_in_dim3A_724 : vector<16xi1>, vector<16xi32>
      %add3A_726 = arith.addi %add3A_708, %select_n3A_725 : vector<16xi32>
      %mul3A_727 = arith.constant 200 : i32
      %mul3A_728 = arith.muli %and3A_532, %mul3A_727 : i32
      %add3A_729 = arith.constant 128 : i32
      %add3A_730 = arith.addi %mul3A_728, %add3A_729 : i32
      %add3A_731 = arith.constant 1 : i32
      %add3A_732 = arith.addi %add3A_730, %add3A_731 : i32
      %get3A_733 = arith.index_cast %add3A_732 : i32 to index
      %get3A_734 = tpu.vector_load %arg10[%get3A_733] {strides = array<i32>} : memref<6416xi32, #tpu.memory_space<vmem>>, vector<16xi32>,
      %get3A_735 = vector.shape_cast %get3A_734 : vector<16xi32> to vector<16xi32>
      %eq3A_736 = arith.constant 0 : i32
      %eq3A_737 = vector.broadcast %eq3A_736 : i32 to vector<16xi32>
      %eq3A_738 = arith.cmpi eq, %get3A_735, %eq3A_737 : vector<16xi32>
      %jit3A_739 = arith.constant 1 : i32
      %jit3A_740 = arith.constant 0 : i32
      %broadcast_in_dim3A_741 = vector.broadcast %jit3A_739 : i32 to vector<16xi32>
      %broadcast_in_dim3A_742 = vector.broadcast %jit3A_740 : i32 to vector<16xi32>
      %select_n3A_743 = arith.select %eq3A_738, %broadcast_in_dim3A_741, %broadcast_in_dim3A_742 : vector<16xi1>, vector<16xi32>
      %add3A_744 = arith.addi %add3A_726, %select_n3A_743 : vector<16xi32>
      %mul3A_745 = arith.constant 200 : i32
      %mul3A_746 = arith.muli %and3A_532, %mul3A_745 : i32
      %add3A_747 = arith.constant 144 : i32
      %add3A_748 = arith.addi %mul3A_746, %add3A_747 : i32
      %add3A_749 = arith.constant 1 : i32
      %add3A_750 = arith.addi %add3A_748, %add3A_749 : i32
      %get3A_751 = arith.index_cast %add3A_750 : i32 to index
      %get3A_752 = tpu.vector_load %arg10[%get3A_751] {strides = array<i32>} : memref<6416xi32, #tpu.memory_space<vmem>>, vector<16xi32>,
      %get3A_753 = vector.shape_cast %get3A_752 : vector<16xi32> to vector<16xi32>
      %eq3A_754 = arith.constant 0 : i32
      %eq3A_755 = vector.broadcast %eq3A_754 : i32 to vector<16xi32>
      %eq3A_756 = arith.cmpi eq, %get3A_753, %eq3A_755 : vector<16xi32>
      %jit3A_757 = arith.constant 1 : i32
      %jit3A_758 = arith.constant 0 : i32
      %broadcast_in_dim3A_759 = vector.broadcast %jit3A_757 : i32 to vector<16xi32>
      %broadcast_in_dim3A_760 = vector.broadcast %jit3A_758 : i32 to vector<16xi32>
      %select_n3A_761 = arith.select %eq3A_756, %broadcast_in_dim3A_759, %broadcast_in_dim3A_760 : vector<16xi1>, vector<16xi32>
      %add3A_762 = arith.addi %add3A_744, %select_n3A_761 : vector<16xi32>
      %mul3A_763 = arith.constant 200 : i32
      %mul3A_764 = arith.muli %and3A_532, %mul3A_763 : i32
      %add3A_765 = arith.constant 160 : i32
      %add3A_766 = arith.addi %mul3A_764, %add3A_765 : i32
      %add3A_767 = arith.constant 1 : i32
      %add3A_768 = arith.addi %add3A_766, %add3A_767 : i32
      %get3A_769 = arith.index_cast %add3A_768 : i32 to index
      %get3A_770 = tpu.vector_load %arg10[%get3A_769] {strides = array<i32>} : memref<6416xi32, #tpu.memory_space<vmem>>, vector<16xi32>,
      %get3A_771 = vector.shape_cast %get3A_770 : vector<16xi32> to vector<16xi32>
      %eq3A_772 = arith.constant 0 : i32
      %eq3A_773 = vector.broadcast %eq3A_772 : i32 to vector<16xi32>
      %eq3A_774 = arith.cmpi eq, %get3A_771, %eq3A_773 : vector<16xi32>
      %jit3A_775 = arith.constant 1 : i32
      %jit3A_776 = arith.constant 0 : i32
      %broadcast_in_dim3A_777 = vector.broadcast %jit3A_775 : i32 to vector<16xi32>
      %broadcast_in_dim3A_778 = vector.broadcast %jit3A_776 : i32 to vector<16xi32>
      %select_n3A_779 = arith.select %eq3A_774, %broadcast_in_dim3A_777, %broadcast_in_dim3A_778 : vector<16xi1>, vector<16xi32>
      %add3A_780 = arith.addi %add3A_762, %select_n3A_779 : vector<16xi32>
      %mul3A_781 = arith.constant 200 : i32
      %mul3A_782 = arith.muli %and3A_532, %mul3A_781 : i32
      %add3A_783 = arith.constant 176 : i32
      %add3A_784 = arith.addi %mul3A_782, %add3A_783 : i32
      %add3A_785 = arith.constant 1 : i32
      %add3A_786 = arith.addi %add3A_784, %add3A_785 : i32
      %get3A_787 = arith.index_cast %add3A_786 : i32 to index
      %get3A_788 = tpu.vector_load %arg10[%get3A_787] {strides = array<i32>} : memref<6416xi32, #tpu.memory_space<vmem>>, vector<16xi32>,
      %get3A_789 = vector.shape_cast %get3A_788 : vector<16xi32> to vector<16xi32>
      %eq3A_790 = arith.constant 0 : i32
      %eq3A_791 = vector.broadcast %eq3A_790 : i32 to vector<16xi32>
      %eq3A_792 = arith.cmpi eq, %get3A_789, %eq3A_791 : vector<16xi32>
      %jit3A_793 = arith.constant 1 : i32
      %jit3A_794 = arith.constant 0 : i32
      %broadcast_in_dim3A_795 = vector.broadcast %jit3A_793 : i32 to vector<16xi32>
      %broadcast_in_dim3A_796 = vector.broadcast %jit3A_794 : i32 to vector<16xi32>
      %select_n3A_797 = arith.select %eq3A_792, %broadcast_in_dim3A_795, %broadcast_in_dim3A_796 : vector<16xi1>, vector<16xi32>
      %add3A_798 = arith.addi %add3A_780, %select_n3A_797 : vector<16xi32>
      %mul3A_799 = arith.constant 200 : i32
      %mul3A_800 = arith.muli %and3A_532, %mul3A_799 : i32
      %add3A_801 = arith.constant 192 : i32
      %add3A_802 = arith.addi %mul3A_800, %add3A_801 : i32
      %add3A_803 = arith.constant 1 : i32
      %add3A_804 = arith.addi %add3A_802, %add3A_803 : i32
      %get3A_805 = arith.index_cast %add3A_804 : i32 to index
      %get3A_806 = tpu.vector_load %arg10[%get3A_805] {strides = array<i32>} : memref<6416xi32, #tpu.memory_space<vmem>>, vector<16xi32>,
      %get3A_807 = vector.shape_cast %get3A_806 : vector<16xi32> to vector<16xi32>
      %eq3A_808 = arith.constant 0 : i32
      %eq3A_809 = vector.broadcast %eq3A_808 : i32 to vector<16xi32>
      %eq3A_810 = arith.cmpi eq, %get3A_807, %eq3A_809 : vector<16xi32>
      %lt3A_811 = arith.constant 7 : i32
      %lt3A_812 = vector.broadcast %lt3A_811 : i32 to vector<16xi32>
      %lt3A_813 = arith.cmpi slt, %iota3A, %lt3A_812 : vector<16xi32>
      %and3A_814 = arith.andi %eq3A_810, %lt3A_813 : vector<16xi1>
      %jit3A_815 = arith.constant 1 : i32
      %jit3A_816 = arith.constant 0 : i32
      %broadcast_in_dim3A_817 = vector.broadcast %jit3A_815 : i32 to vector<16xi32>
      %broadcast_in_dim3A_818 = vector.broadcast %jit3A_816 : i32 to vector<16xi32>
      %select_n3A_819 = arith.select %and3A_814, %broadcast_in_dim3A_817, %broadcast_in_dim3A_818 : vector<16xi1>, vector<16xi32>
      %add3A_820 = arith.addi %add3A_798, %select_n3A_819 : vector<16xi32>
      %add3A_821 = arith.constant 8 : i32
      %add3A_822 = vector.broadcast %add3A_821 : i32 to vector<16xi32>
      %add3A_823 = arith.addi %iota3A, %add3A_822 : vector<16xi32>
      %and3A_824 = arith.constant 15 : i32
      %and3A_825 = vector.broadcast %and3A_824 : i32 to vector<16xi32>
      %and3A_826 = arith.andi %add3A_823, %and3A_825 : vector<16xi32>
      %lt3A_827 = arith.constant 0 : i32
      %lt3A_828 = vector.broadcast %lt3A_827 : i32 to vector<16xi32>
      %lt3A_829 = arith.cmpi slt, %and3A_826, %lt3A_828 : vector<16xi32>
      %add3A_830 = arith.constant 16 : i32
      %add3A_831 = vector.broadcast %add3A_830 : i32 to vector<16xi32>
      %add3A_832 = arith.addi %and3A_826, %add3A_831 : vector<16xi32>
      %select_n3A_833 = arith.select %lt3A_829, %add3A_832, %and3A_826 : vector<16xi1>, vector<16xi32>
      %broadcast_in_dim3A_834 = vector.shape_cast %select_n3A_833 : vector<16xi32> to vector<16x1xi32>
      %gather3A_835 = vector.shape_cast %broadcast_in_dim3A_834 : vector<16x1xi32> to vector<16xi32>
      %gather3A_836 = tpu.dynamic_gather %add3A_820[%gather3A_835] in [0] : vector<16xi32>, vector<16xi32> -> vector<16xi32>
      %add3A_837 = arith.addi %add3A_820, %gather3A_836 : vector<16xi32>
      %add3A_838 = arith.constant 4 : i32
      %add3A_839 = vector.broadcast %add3A_838 : i32 to vector<16xi32>
      %add3A_840 = arith.addi %iota3A, %add3A_839 : vector<16xi32>
      %and3A_841 = arith.constant 15 : i32
      %and3A_842 = vector.broadcast %and3A_841 : i32 to vector<16xi32>
      %and3A_843 = arith.andi %add3A_840, %and3A_842 : vector<16xi32>
      %lt3A_844 = arith.constant 0 : i32
      %lt3A_845 = vector.broadcast %lt3A_844 : i32 to vector<16xi32>
      %lt3A_846 = arith.cmpi slt, %and3A_843, %lt3A_845 : vector<16xi32>
      %add3A_847 = arith.constant 16 : i32
      %add3A_848 = vector.broadcast %add3A_847 : i32 to vector<16xi32>
      %add3A_849 = arith.addi %and3A_843, %add3A_848 : vector<16xi32>
      %select_n3A_850 = arith.select %lt3A_846, %add3A_849, %and3A_843 : vector<16xi1>, vector<16xi32>
      %broadcast_in_dim3A_851 = vector.shape_cast %select_n3A_850 : vector<16xi32> to vector<16x1xi32>
      %gather3A_852 = vector.shape_cast %broadcast_in_dim3A_851 : vector<16x1xi32> to vector<16xi32>
      %gather3A_853 = tpu.dynamic_gather %add3A_837[%gather3A_852] in [0] : vector<16xi32>, vector<16xi32> -> vector<16xi32>
      %add3A_854 = arith.addi %add3A_837, %gather3A_853 : vector<16xi32>
      %add3A_855 = arith.constant 2 : i32
      %add3A_856 = vector.broadcast %add3A_855 : i32 to vector<16xi32>
      %add3A_857 = arith.addi %iota3A, %add3A_856 : vector<16xi32>
      %and3A_858 = arith.constant 15 : i32
      %and3A_859 = vector.broadcast %and3A_858 : i32 to vector<16xi32>
      %and3A_860 = arith.andi %add3A_857, %and3A_859 : vector<16xi32>
      %lt3A_861 = arith.constant 0 : i32
      %lt3A_862 = vector.broadcast %lt3A_861 : i32 to vector<16xi32>
      %lt3A_863 = arith.cmpi slt, %and3A_860, %lt3A_862 : vector<16xi32>
      %add3A_864 = arith.constant 16 : i32
      %add3A_865 = vector.broadcast %add3A_864 : i32 to vector<16xi32>
      %add3A_866 = arith.addi %and3A_860, %add3A_865 : vector<16xi32>
      %select_n3A_867 = arith.select %lt3A_863, %add3A_866, %and3A_860 : vector<16xi1>, vector<16xi32>
      %broadcast_in_dim3A_868 = vector.shape_cast %select_n3A_867 : vector<16xi32> to vector<16x1xi32>
      %gather3A_869 = vector.shape_cast %broadcast_in_dim3A_868 : vector<16x1xi32> to vector<16xi32>
      %gather3A_870 = tpu.dynamic_gather %add3A_854[%gather3A_869] in [0] : vector<16xi32>, vector<16xi32> -> vector<16xi32>
      %add3A_871 = arith.addi %add3A_854, %gather3A_870 : vector<16xi32>
      %add3A_872 = arith.constant 1 : i32
      %add3A_873 = vector.broadcast %add3A_872 : i32 to vector<16xi32>
      %add3A_874 = arith.addi %iota3A, %add3A_873 : vector<16xi32>
      %and3A_875 = arith.constant 15 : i32
      %and3A_876 = vector.broadcast %and3A_875 : i32 to vector<16xi32>
      %and3A_877 = arith.andi %add3A_874, %and3A_876 : vector<16xi32>
      %lt3A_878 = arith.constant 0 : i32
      %lt3A_879 = vector.broadcast %lt3A_878 : i32 to vector<16xi32>
      %lt3A_880 = arith.cmpi slt, %and3A_877, %lt3A_879 : vector<16xi32>
      %add3A_881 = arith.constant 16 : i32
      %add3A_882 = vector.broadcast %add3A_881 : i32 to vector<16xi32>
      %add3A_883 = arith.addi %and3A_877, %add3A_882 : vector<16xi32>
      %select_n3A_884 = arith.select %lt3A_880, %add3A_883, %and3A_877 : vector<16xi1>, vector<16xi32>
      %broadcast_in_dim3A_885 = vector.shape_cast %select_n3A_884 : vector<16xi32> to vector<16x1xi32>
      %gather3A_886 = vector.shape_cast %broadcast_in_dim3A_885 : vector<16x1xi32> to vector<16xi32>
      %gather3A_887 = tpu.dynamic_gather %add3A_871[%gather3A_886] in [0] : vector<16xi32>, vector<16xi32> -> vector<16xi32>
      %add3A_888 = arith.addi %add3A_871, %gather3A_887 : vector<16xi32>
      %slice3A_889 = vector.extract_strided_slice %add3A_888 {offsets = [0], sizes = [1], strides = [1]} : vector<16xi32> to vector<1xi32>
      %squeeze3A_890 = vector.extract %slice3A_889[0] : i32 from vector<1xi32>
      %gt3A_891 = arith.constant 0 : i32
      %gt3A_892 = arith.cmpi sgt, %squeeze3A_890, %gt3A_891 : i32
      %convert_element_type3A_893 = arith.extui %gt3A_892 : i1 to i32
      %cond3A_894 = arith.constant 0 : i32
      %cond3A_895 = arith.cmpi ne, %convert_element_type3A_893, %cond3A_894 : i32
      scf.if %cond3A_895 {
        %scan3A_1697 = arith.constant 0 : i32
        %scan3A_1698 = arith.constant 0 : i32
        %scan3A_1699 = arith.constant 199 : i32
        %scan3A_1700 = arith.addi %scan3A_1698, %scan3A_1699 : i32
        %scan3A_1701 = arith.constant 1 : i32
        %scan3A_1702 = scf.for %scan3A_1704 = %scan3A_1698 to %scan3A_1700 step %scan3A_1701 iter_args(%scan3A_1705 = %scan3A_1697) -> (i32)  : i32 {
          %mul3A_1706 = arith.constant 200 : i32
          %mul3A_1707 = arith.muli %and3A_532, %mul3A_1706 : i32
          %add3A_1708 = arith.addi %mul3A_1707, %scan3A_1704 : i32
          %add3A_1709 = arith.constant 1 : i32
          %add3A_1710 = arith.addi %add3A_1708, %add3A_1709 : i32
          %get3A_1711 = arith.index_cast %add3A_1710 : i32 to index
          %get3A_1712 = tpu.vector_load %arg10[%get3A_1711] {strides = array<i32>} : memref<6416xi32, #tpu.memory_space<vmem>>, vector<16xi32>,
          %get3A_1713 = vector.shape_cast %get3A_1712 : vector<16xi32> to vector<16xi32>
          %slice3A_1714 = vector.extract_strided_slice %get3A_1713 {offsets = [0], sizes = [1], strides = [1]} : vector<16xi32> to vector<1xi32>
          %squeeze3A_1715 = vector.extract %slice3A_1714[0] : i32 from vector<1xi32>
          %eq3A_1716 = arith.constant 0 : i32
          %eq3A_1717 = arith.cmpi eq, %squeeze3A_1715, %eq3A_1716 : i32
          %convert_element_type3A_1718 = arith.extui %eq3A_1717 : i1 to i32
          %cond3A_1719 = arith.constant 0 : i32
          %cond3A_1720 = arith.cmpi ne, %convert_element_type3A_1718, %cond3A_1719 : i32
          scf.if %cond3A_1720 {
            %swap3A_1722 = arith.index_cast %scan3A_1704 : i32 to index
            %swap3A_1723 = arith.constant 0 : index
            %swap3A_1724 = tpu.vector_load %arg7[%swap3A_1722, %swap3A_1723] {strides = array<i32>} : memref<200x128xf32, #tpu.memory_space<vmem>>, vector<1x16xf32>,
            %swap3A_1725 = vector.shape_cast %swap3A_1724 : vector<1x16xf32> to vector<16xf32>
            %swap3A_1726 = vector.shape_cast %get3A_4 : vector<16xf32> to vector<1x16xf32>
            tpu.vector_store %arg7[%swap3A_1722, %swap3A_1723], %swap3A_1726 {strides = array<i32>} : memref<200x128xf32, #tpu.memory_space<vmem>>, vector<1x16xf32>,
            %swap3A_1727 = arith.index_cast %scan3A_1704 : i32 to index
            %swap3A_1728 = arith.constant 16 : index
            %swap3A_1729 = tpu.vector_load %arg7[%swap3A_1727, %swap3A_1728] {strides = array<i32>} : memref<200x128xf32, #tpu.memory_space<vmem>>, vector<1x16xf32>,
            %swap3A_1730 = vector.shape_cast %swap3A_1729 : vector<1x16xf32> to vector<16xf32>
            %swap3A_1731 = vector.shape_cast %get3A_7 : vector<16xf32> to vector<1x16xf32>
            tpu.vector_store %arg7[%swap3A_1727, %swap3A_1728], %swap3A_1731 {strides = array<i32>} : memref<200x128xf32, #tpu.memory_space<vmem>>, vector<1x16xf32>,
            %swap3A_1732 = arith.index_cast %scan3A_1704 : i32 to index
            %swap3A_1733 = arith.constant 32 : index
            %swap3A_1734 = tpu.vector_load %arg7[%swap3A_1732, %swap3A_1733] {strides = array<i32>} : memref<200x128xf32, #tpu.memory_space<vmem>>, vector<1x16xf32>,
            %swap3A_1735 = vector.shape_cast %swap3A_1734 : vector<1x16xf32> to vector<16xf32>
            %swap3A_1736 = vector.shape_cast %get3A_10 : vector<16xf32> to vector<1x16xf32>
            tpu.vector_store %arg7[%swap3A_1732, %swap3A_1733], %swap3A_1736 {strides = array<i32>} : memref<200x128xf32, #tpu.memory_space<vmem>>, vector<1x16xf32>,
            %swap3A_1737 = arith.index_cast %scan3A_1704 : i32 to index
            %swap3A_1738 = arith.constant 48 : index
            %swap3A_1739 = tpu.vector_load %arg7[%swap3A_1737, %swap3A_1738] {strides = array<i32>} : memref<200x128xf32, #tpu.memory_space<vmem>>, vector<1x16xf32>,
            %swap3A_1740 = vector.shape_cast %swap3A_1739 : vector<1x16xf32> to vector<16xf32>
            %swap3A_1741 = vector.shape_cast %get3A_13 : vector<16xf32> to vector<1x16xf32>
            tpu.vector_store %arg7[%swap3A_1737, %swap3A_1738], %swap3A_1741 {strides = array<i32>} : memref<200x128xf32, #tpu.memory_space<vmem>>, vector<1x16xf32>,
            %swap3A_1742 = arith.index_cast %scan3A_1704 : i32 to index
            %swap3A_1743 = arith.constant 64 : index
            %swap3A_1744 = tpu.vector_load %arg7[%swap3A_1742, %swap3A_1743] {strides = array<i32>} : memref<200x128xf32, #tpu.memory_space<vmem>>, vector<1x16xf32>,
            %swap3A_1745 = vector.shape_cast %swap3A_1744 : vector<1x16xf32> to vector<16xf32>
            %swap3A_1746 = vector.shape_cast %get3A_16 : vector<16xf32> to vector<1x16xf32>
            tpu.vector_store %arg7[%swap3A_1742, %swap3A_1743], %swap3A_1746 {strides = array<i32>} : memref<200x128xf32, #tpu.memory_space<vmem>>, vector<1x16xf32>,
            %swap3A_1747 = arith.index_cast %scan3A_1704 : i32 to index
            %swap3A_1748 = arith.constant 80 : index
            %swap3A_1749 = tpu.vector_load %arg7[%swap3A_1747, %swap3A_1748] {strides = array<i32>} : memref<200x128xf32, #tpu.memory_space<vmem>>, vector<1x16xf32>,
            %swap3A_1750 = vector.shape_cast %swap3A_1749 : vector<1x16xf32> to vector<16xf32>
            %swap3A_1751 = vector.shape_cast %get3A_19 : vector<16xf32> to vector<1x16xf32>
            tpu.vector_store %arg7[%swap3A_1747, %swap3A_1748], %swap3A_1751 {strides = array<i32>} : memref<200x128xf32, #tpu.memory_space<vmem>>, vector<1x16xf32>,
            %swap3A_1752 = arith.index_cast %scan3A_1704 : i32 to index
            %swap3A_1753 = arith.constant 96 : index
            %swap3A_1754 = tpu.vector_load %arg7[%swap3A_1752, %swap3A_1753] {strides = array<i32>} : memref<200x128xf32, #tpu.memory_space<vmem>>, vector<1x16xf32>,
            %swap3A_1755 = vector.shape_cast %swap3A_1754 : vector<1x16xf32> to vector<16xf32>
            %swap3A_1756 = vector.shape_cast %get3A_22 : vector<16xf32> to vector<1x16xf32>
            tpu.vector_store %arg7[%swap3A_1752, %swap3A_1753], %swap3A_1756 {strides = array<i32>} : memref<200x128xf32, #tpu.memory_space<vmem>>, vector<1x16xf32>,
            %swap3A_1757 = arith.index_cast %scan3A_1704 : i32 to index
            %swap3A_1758 = arith.constant 112 : index
            %swap3A_1759 = tpu.vector_load %arg7[%swap3A_1757, %swap3A_1758] {strides = array<i32>} : memref<200x128xf32, #tpu.memory_space<vmem>>, vector<1x16xf32>,
            %swap3A_1760 = vector.shape_cast %swap3A_1759 : vector<1x16xf32> to vector<16xf32>
            %swap3A_1761 = vector.shape_cast %get3A_25 : vector<16xf32> to vector<1x16xf32>
            tpu.vector_store %arg7[%swap3A_1757, %swap3A_1758], %swap3A_1761 {strides = array<i32>} : memref<200x128xf32, #tpu.memory_space<vmem>>, vector<1x16xf32>,
          } else {
          }
          %scan3A_1721 = arith.constant 0 : i32
          scf.yield %scan3A_1721 : i32
        }
        %scan3A_1703 = arith.constant 199 : i32
      } else {
      }
      %add3A_896 = arith.addi %mul3A_2, %add3A_521 : i32
      %dma_start3A_897 = arith.constant 0 : i32
      %dma_start3A_898 = arith.constant 0 : i32
      %dma_start3A_899 = tpu.memref_slice %arg5[%add3A_896, %dma_start3A_897, %dma_start3A_898] : memref<4096x200x128xf32, #tpu.memory_space<hbm>> -> memref<1x200x128xf32, #tpu.memory_space<hbm>>
      %dma_start3A_900 = tpu.memref_squeeze %dma_start3A_899 : memref<1x200x128xf32, #tpu.memory_space<hbm>> -> memref<200x128xf32, #tpu.memory_space<hbm>>
      %dma_start3A_901 = arith.constant 0 : i32
      %dma_start3A_902 = arith.constant 0 : i32
      %dma_start3A_903 = tpu.memref_slice %arg5[%add3A_896, %dma_start3A_901, %dma_start3A_902] : memref<4096x200x128xf32, #tpu.memory_space<hbm>> -> memref<1x200x128xf32, #tpu.memory_space<hbm>>
      %dma_start3A_904 = tpu.memref_squeeze %dma_start3A_903 : memref<1x200x128xf32, #tpu.memory_space<hbm>> -> memref<200x128xf32, #tpu.memory_space<hbm>>
      tpu.enqueue_dma source(%arg7 : memref<200x128xf32, #tpu.memory_space<vmem>>) target(%dma_start3A_904 : memref<200x128xf32, #tpu.memory_space<hbm>>) target_semaphore(%arg17 : memref<!tpu.dma_semaphore, #tpu.memory_space<semaphore_mem>>)
      %add3A_905 = arith.constant 4 : i32
      %add3A_906 = arith.addi %add3A_521, %add3A_905 : i32
      %lt3A_907 = arith.constant 128 : i32
      %lt3A_908 = arith.cmpi slt, %add3A_906, %lt3A_907 : i32
      %convert_element_type3A_909 = arith.extui %lt3A_908 : i1 to i32
      %cond3A_910 = arith.constant 0 : i32
      %cond3A_911 = arith.cmpi ne, %convert_element_type3A_909, %cond3A_910 : i32
      scf.if %cond3A_911 {
        %add3A_1697 = arith.addi %mul3A_2, %add3A_521 : i32
        %dma_wait3A_1698 = arith.constant 0 : i32
        %dma_wait3A_1699 = arith.constant 0 : i32
        %dma_wait3A_1700 = tpu.memref_slice %arg5[%add3A_1697, %dma_wait3A_1698, %dma_wait3A_1699] : memref<4096x200x128xf32, #tpu.memory_space<hbm>> -> memref<1x200x128xf32, #tpu.memory_space<hbm>>
        %dma_wait3A_1701 = tpu.memref_squeeze %dma_wait3A_1700 : memref<1x200x128xf32, #tpu.memory_space<hbm>> -> memref<200x128xf32, #tpu.memory_space<hbm>>
        %dma_wait3A_1702 = arith.constant 0 : i32
        %dma_wait3A_1703 = arith.constant 0 : i32
        %dma_wait3A_1704 = tpu.memref_slice %arg5[%add3A_1697, %dma_wait3A_1702, %dma_wait3A_1703] : memref<4096x200x128xf32, #tpu.memory_space<hbm>> -> memref<1x200x128xf32, #tpu.memory_space<hbm>>
        %dma_wait3A_1705 = tpu.memref_squeeze %dma_wait3A_1704 : memref<1x200x128xf32, #tpu.memory_space<hbm>> -> memref<200x128xf32, #tpu.memory_space<hbm>>
        tpu.wait_dma2 semaphore(%arg17 : memref<!tpu.dma_semaphore, #tpu.memory_space<semaphore_mem>>) src(%arg7 : memref<200x128xf32, #tpu.memory_space<vmem>>) dst(%dma_wait3A_1705 : memref<200x128xf32, #tpu.memory_space<hbm>>)
        %add3A_1706 = arith.constant 4 : i32
        %add3A_1707 = arith.addi %add3A_521, %add3A_1706 : i32
        %add3A_1708 = arith.addi %mul3A_2, %add3A_1707 : i32
        %dma_start3A_1709 = arith.constant 0 : i32
        %dma_start3A_1710 = arith.constant 0 : i32
        %dma_start3A_1711 = tpu.memref_slice %arg2[%add3A_1708, %dma_start3A_1709, %dma_start3A_1710] : memref<4096x200x128xf32, #tpu.memory_space<hbm>> -> memref<1x200x128xf32, #tpu.memory_space<hbm>>
        %dma_start3A_1712 = tpu.memref_squeeze %dma_start3A_1711 : memref<1x200x128xf32, #tpu.memory_space<hbm>> -> memref<200x128xf32, #tpu.memory_space<hbm>>
        %dma_start3A_1713 = arith.constant 0 : i32
        %dma_start3A_1714 = arith.constant 0 : i32
        %dma_start3A_1715 = tpu.memref_slice %arg2[%add3A_1708, %dma_start3A_1713, %dma_start3A_1714] : memref<4096x200x128xf32, #tpu.memory_space<hbm>> -> memref<1x200x128xf32, #tpu.memory_space<hbm>>
        %dma_start3A_1716 = tpu.memref_squeeze %dma_start3A_1715 : memref<1x200x128xf32, #tpu.memory_space<hbm>> -> memref<200x128xf32, #tpu.memory_space<hbm>>
        tpu.enqueue_dma source(%dma_start3A_1716 : memref<200x128xf32, #tpu.memory_space<hbm>>) target(%arg7 : memref<200x128xf32, #tpu.memory_space<vmem>>) target_semaphore(%arg13 : memref<!tpu.dma_semaphore, #tpu.memory_space<semaphore_mem>>)
      } else {
      }
      %add3A_912 = arith.constant 2 : i32
      %add3A_913 = arith.addi %mul3A_133, %add3A_912 : i32
      %add3A_914 = arith.addi %mul3A_2, %add3A_913 : i32
      %dma_wait3A_915 = arith.constant 0 : i32
      %dma_wait3A_916 = arith.constant 0 : i32
      %dma_wait3A_917 = tpu.memref_slice %arg2[%add3A_914, %dma_wait3A_915, %dma_wait3A_916] : memref<4096x200x128xf32, #tpu.memory_space<hbm>> -> memref<1x200x128xf32, #tpu.memory_space<hbm>>
      %dma_wait3A_918 = tpu.memref_squeeze %dma_wait3A_917 : memref<1x200x128xf32, #tpu.memory_space<hbm>> -> memref<200x128xf32, #tpu.memory_space<hbm>>
      %dma_wait3A_919 = arith.constant 0 : i32
      %dma_wait3A_920 = arith.constant 0 : i32
      %dma_wait3A_921 = tpu.memref_slice %arg2[%add3A_914, %dma_wait3A_919, %dma_wait3A_920] : memref<4096x200x128xf32, #tpu.memory_space<hbm>> -> memref<1x200x128xf32, #tpu.memory_space<hbm>>
      %dma_wait3A_922 = tpu.memref_squeeze %dma_wait3A_921 : memref<1x200x128xf32, #tpu.memory_space<hbm>> -> memref<200x128xf32, #tpu.memory_space<hbm>>
      tpu.wait_dma2 semaphore(%arg14 : memref<!tpu.dma_semaphore, #tpu.memory_space<semaphore_mem>>) src(%dma_wait3A_922 : memref<200x128xf32, #tpu.memory_space<hbm>>) dst(%arg8 : memref<200x128xf32, #tpu.memory_space<vmem>>)
      %and3A_923 = arith.constant 31 : i32
      %and3A_924 = arith.andi %add3A_913, %and3A_923 : i32
      %swap3A_925 = arith.constant 199 : i32
      %swap3A_926 = arith.index_cast %swap3A_925 : i32 to index
      %swap3A_927 = arith.constant 0 : index
      %swap3A_928 = tpu.vector_load %arg8[%swap3A_926, %swap3A_927] {strides = array<i32>} : memref<200x128xf32, #tpu.memory_space<vmem>>, vector<1x16xf32>,
      %swap3A_929 = vector.shape_cast %swap3A_928 : vector<1x16xf32> to vector<16xf32>
      %swap3A_930 = vector.shape_cast %get3A_4 : vector<16xf32> to vector<1x16xf32>
      tpu.vector_store %arg8[%swap3A_926, %swap3A_927], %swap3A_930 {strides = array<i32>} : memref<200x128xf32, #tpu.memory_space<vmem>>, vector<1x16xf32>,
      %swap3A_931 = arith.constant 199 : i32
      %swap3A_932 = arith.index_cast %swap3A_931 : i32 to index
      %swap3A_933 = arith.constant 16 : index
      %swap3A_934 = tpu.vector_load %arg8[%swap3A_932, %swap3A_933] {strides = array<i32>} : memref<200x128xf32, #tpu.memory_space<vmem>>, vector<1x16xf32>,
      %swap3A_935 = vector.shape_cast %swap3A_934 : vector<1x16xf32> to vector<16xf32>
      %swap3A_936 = vector.shape_cast %get3A_7 : vector<16xf32> to vector<1x16xf32>
      tpu.vector_store %arg8[%swap3A_932, %swap3A_933], %swap3A_936 {strides = array<i32>} : memref<200x128xf32, #tpu.memory_space<vmem>>, vector<1x16xf32>,
      %swap3A_937 = arith.constant 199 : i32
      %swap3A_938 = arith.index_cast %swap3A_937 : i32 to index
      %swap3A_939 = arith.constant 32 : index
      %swap3A_940 = tpu.vector_load %arg8[%swap3A_938, %swap3A_939] {strides = array<i32>} : memref<200x128xf32, #tpu.memory_space<vmem>>, vector<1x16xf32>,
      %swap3A_941 = vector.shape_cast %swap3A_940 : vector<1x16xf32> to vector<16xf32>
      %swap3A_942 = vector.shape_cast %get3A_10 : vector<16xf32> to vector<1x16xf32>
      tpu.vector_store %arg8[%swap3A_938, %swap3A_939], %swap3A_942 {strides = array<i32>} : memref<200x128xf32, #tpu.memory_space<vmem>>, vector<1x16xf32>,
      %swap3A_943 = arith.constant 199 : i32
      %swap3A_944 = arith.index_cast %swap3A_943 : i32 to index
      %swap3A_945 = arith.constant 48 : index
      %swap3A_946 = tpu.vector_load %arg8[%swap3A_944, %swap3A_945] {strides = array<i32>} : memref<200x128xf32, #tpu.memory_space<vmem>>, vector<1x16xf32>,
      %swap3A_947 = vector.shape_cast %swap3A_946 : vector<1x16xf32> to vector<16xf32>
      %swap3A_948 = vector.shape_cast %get3A_13 : vector<16xf32> to vector<1x16xf32>
      tpu.vector_store %arg8[%swap3A_944, %swap3A_945], %swap3A_948 {strides = array<i32>} : memref<200x128xf32, #tpu.memory_space<vmem>>, vector<1x16xf32>,
      %swap3A_949 = arith.constant 199 : i32
      %swap3A_950 = arith.index_cast %swap3A_949 : i32 to index
      %swap3A_951 = arith.constant 64 : index
      %swap3A_952 = tpu.vector_load %arg8[%swap3A_950, %swap3A_951] {strides = array<i32>} : memref<200x128xf32, #tpu.memory_space<vmem>>, vector<1x16xf32>,
      %swap3A_953 = vector.shape_cast %swap3A_952 : vector<1x16xf32> to vector<16xf32>
      %swap3A_954 = vector.shape_cast %get3A_16 : vector<16xf32> to vector<1x16xf32>
      tpu.vector_store %arg8[%swap3A_950, %swap3A_951], %swap3A_954 {strides = array<i32>} : memref<200x128xf32, #tpu.memory_space<vmem>>, vector<1x16xf32>,
      %swap3A_955 = arith.constant 199 : i32
      %swap3A_956 = arith.index_cast %swap3A_955 : i32 to index
      %swap3A_957 = arith.constant 80 : index
      %swap3A_958 = tpu.vector_load %arg8[%swap3A_956, %swap3A_957] {strides = array<i32>} : memref<200x128xf32, #tpu.memory_space<vmem>>, vector<1x16xf32>,
      %swap3A_959 = vector.shape_cast %swap3A_958 : vector<1x16xf32> to vector<16xf32>
      %swap3A_960 = vector.shape_cast %get3A_19 : vector<16xf32> to vector<1x16xf32>
      tpu.vector_store %arg8[%swap3A_956, %swap3A_957], %swap3A_960 {strides = array<i32>} : memref<200x128xf32, #tpu.memory_space<vmem>>, vector<1x16xf32>,
      %swap3A_961 = arith.constant 199 : i32
      %swap3A_962 = arith.index_cast %swap3A_961 : i32 to index
      %swap3A_963 = arith.constant 96 : index
      %swap3A_964 = tpu.vector_load %arg8[%swap3A_962, %swap3A_963] {strides = array<i32>} : memref<200x128xf32, #tpu.memory_space<vmem>>, vector<1x16xf32>,
      %swap3A_965 = vector.shape_cast %swap3A_964 : vector<1x16xf32> to vector<16xf32>
      %swap3A_966 = vector.shape_cast %get3A_22 : vector<16xf32> to vector<1x16xf32>
      tpu.vector_store %arg8[%swap3A_962, %swap3A_963], %swap3A_966 {strides = array<i32>} : memref<200x128xf32, #tpu.memory_space<vmem>>, vector<1x16xf32>,
      %swap3A_967 = arith.constant 199 : i32
      %swap3A_968 = arith.index_cast %swap3A_967 : i32 to index
      %swap3A_969 = arith.constant 112 : index
      %swap3A_970 = tpu.vector_load %arg8[%swap3A_968, %swap3A_969] {strides = array<i32>} : memref<200x128xf32, #tpu.memory_space<vmem>>, vector<1x16xf32>,
      %swap3A_971 = vector.shape_cast %swap3A_970 : vector<1x16xf32> to vector<16xf32>
      %swap3A_972 = vector.shape_cast %get3A_25 : vector<16xf32> to vector<1x16xf32>
      tpu.vector_store %arg8[%swap3A_968, %swap3A_969], %swap3A_972 {strides = array<i32>} : memref<200x128xf32, #tpu.memory_space<vmem>>, vector<1x16xf32>,
      %broadcast_in_dim3A_973 = arith.constant 0 : i32
      %broadcast_in_dim3A_974 = vector.broadcast %broadcast_in_dim3A_973 : i32 to vector<16xi32>
      %mul3A_975 = arith.constant 200 : i32
      %mul3A_976 = arith.muli %and3A_924, %mul3A_975 : i32
      %add3A_977 = arith.constant 0 : i32
      %add3A_978 = arith.addi %mul3A_976, %add3A_977 : i32
      %add3A_979 = arith.constant 1 : i32
      %add3A_980 = arith.addi %add3A_978, %add3A_979 : i32
      %get3A_981 = arith.index_cast %add3A_980 : i32 to index
      %get3A_982 = tpu.vector_load %arg10[%get3A_981] {strides = array<i32>} : memref<6416xi32, #tpu.memory_space<vmem>>, vector<16xi32>,
      %get3A_983 = vector.shape_cast %get3A_982 : vector<16xi32> to vector<16xi32>
      %eq3A_984 = arith.constant 0 : i32
      %eq3A_985 = vector.broadcast %eq3A_984 : i32 to vector<16xi32>
      %eq3A_986 = arith.cmpi eq, %get3A_983, %eq3A_985 : vector<16xi32>
      %jit3A_987 = arith.constant 1 : i32
      %jit3A_988 = arith.constant 0 : i32
      %broadcast_in_dim3A_989 = vector.broadcast %jit3A_987 : i32 to vector<16xi32>
      %broadcast_in_dim3A_990 = vector.broadcast %jit3A_988 : i32 to vector<16xi32>
      %select_n3A_991 = arith.select %eq3A_986, %broadcast_in_dim3A_989, %broadcast_in_dim3A_990 : vector<16xi1>, vector<16xi32>
      %add3A_992 = arith.addi %broadcast_in_dim3A_974, %select_n3A_991 : vector<16xi32>
      %mul3A_993 = arith.constant 200 : i32
      %mul3A_994 = arith.muli %and3A_924, %mul3A_993 : i32
      %add3A_995 = arith.constant 16 : i32
      %add3A_996 = arith.addi %mul3A_994, %add3A_995 : i32
      %add3A_997 = arith.constant 1 : i32
      %add3A_998 = arith.addi %add3A_996, %add3A_997 : i32
      %get3A_999 = arith.index_cast %add3A_998 : i32 to index
      %get3A_1000 = tpu.vector_load %arg10[%get3A_999] {strides = array<i32>} : memref<6416xi32, #tpu.memory_space<vmem>>, vector<16xi32>,
      %get3A_1001 = vector.shape_cast %get3A_1000 : vector<16xi32> to vector<16xi32>
      %eq3A_1002 = arith.constant 0 : i32
      %eq3A_1003 = vector.broadcast %eq3A_1002 : i32 to vector<16xi32>
      %eq3A_1004 = arith.cmpi eq, %get3A_1001, %eq3A_1003 : vector<16xi32>
      %jit3A_1005 = arith.constant 1 : i32
      %jit3A_1006 = arith.constant 0 : i32
      %broadcast_in_dim3A_1007 = vector.broadcast %jit3A_1005 : i32 to vector<16xi32>
      %broadcast_in_dim3A_1008 = vector.broadcast %jit3A_1006 : i32 to vector<16xi32>
      %select_n3A_1009 = arith.select %eq3A_1004, %broadcast_in_dim3A_1007, %broadcast_in_dim3A_1008 : vector<16xi1>, vector<16xi32>
      %add3A_1010 = arith.addi %add3A_992, %select_n3A_1009 : vector<16xi32>
      %mul3A_1011 = arith.constant 200 : i32
      %mul3A_1012 = arith.muli %and3A_924, %mul3A_1011 : i32
      %add3A_1013 = arith.constant 32 : i32
      %add3A_1014 = arith.addi %mul3A_1012, %add3A_1013 : i32
      %add3A_1015 = arith.constant 1 : i32
      %add3A_1016 = arith.addi %add3A_1014, %add3A_1015 : i32
      %get3A_1017 = arith.index_cast %add3A_1016 : i32 to index
      %get3A_1018 = tpu.vector_load %arg10[%get3A_1017] {strides = array<i32>} : memref<6416xi32, #tpu.memory_space<vmem>>, vector<16xi32>,
      %get3A_1019 = vector.shape_cast %get3A_1018 : vector<16xi32> to vector<16xi32>
      %eq3A_1020 = arith.constant 0 : i32
      %eq3A_1021 = vector.broadcast %eq3A_1020 : i32 to vector<16xi32>
      %eq3A_1022 = arith.cmpi eq, %get3A_1019, %eq3A_1021 : vector<16xi32>
      %jit3A_1023 = arith.constant 1 : i32
      %jit3A_1024 = arith.constant 0 : i32
      %broadcast_in_dim3A_1025 = vector.broadcast %jit3A_1023 : i32 to vector<16xi32>
      %broadcast_in_dim3A_1026 = vector.broadcast %jit3A_1024 : i32 to vector<16xi32>
      %select_n3A_1027 = arith.select %eq3A_1022, %broadcast_in_dim3A_1025, %broadcast_in_dim3A_1026 : vector<16xi1>, vector<16xi32>
      %add3A_1028 = arith.addi %add3A_1010, %select_n3A_1027 : vector<16xi32>
      %mul3A_1029 = arith.constant 200 : i32
      %mul3A_1030 = arith.muli %and3A_924, %mul3A_1029 : i32
      %add3A_1031 = arith.constant 48 : i32
      %add3A_1032 = arith.addi %mul3A_1030, %add3A_1031 : i32
      %add3A_1033 = arith.constant 1 : i32
      %add3A_1034 = arith.addi %add3A_1032, %add3A_1033 : i32
      %get3A_1035 = arith.index_cast %add3A_1034 : i32 to index
      %get3A_1036 = tpu.vector_load %arg10[%get3A_1035] {strides = array<i32>} : memref<6416xi32, #tpu.memory_space<vmem>>, vector<16xi32>,
      %get3A_1037 = vector.shape_cast %get3A_1036 : vector<16xi32> to vector<16xi32>
      %eq3A_1038 = arith.constant 0 : i32
      %eq3A_1039 = vector.broadcast %eq3A_1038 : i32 to vector<16xi32>
      %eq3A_1040 = arith.cmpi eq, %get3A_1037, %eq3A_1039 : vector<16xi32>
      %jit3A_1041 = arith.constant 1 : i32
      %jit3A_1042 = arith.constant 0 : i32
      %broadcast_in_dim3A_1043 = vector.broadcast %jit3A_1041 : i32 to vector<16xi32>
      %broadcast_in_dim3A_1044 = vector.broadcast %jit3A_1042 : i32 to vector<16xi32>
      %select_n3A_1045 = arith.select %eq3A_1040, %broadcast_in_dim3A_1043, %broadcast_in_dim3A_1044 : vector<16xi1>, vector<16xi32>
      %add3A_1046 = arith.addi %add3A_1028, %select_n3A_1045 : vector<16xi32>
      %mul3A_1047 = arith.constant 200 : i32
      %mul3A_1048 = arith.muli %and3A_924, %mul3A_1047 : i32
      %add3A_1049 = arith.constant 64 : i32
      %add3A_1050 = arith.addi %mul3A_1048, %add3A_1049 : i32
      %add3A_1051 = arith.constant 1 : i32
      %add3A_1052 = arith.addi %add3A_1050, %add3A_1051 : i32
      %get3A_1053 = arith.index_cast %add3A_1052 : i32 to index
      %get3A_1054 = tpu.vector_load %arg10[%get3A_1053] {strides = array<i32>} : memref<6416xi32, #tpu.memory_space<vmem>>, vector<16xi32>,
      %get3A_1055 = vector.shape_cast %get3A_1054 : vector<16xi32> to vector<16xi32>
      %eq3A_1056 = arith.constant 0 : i32
      %eq3A_1057 = vector.broadcast %eq3A_1056 : i32 to vector<16xi32>
      %eq3A_1058 = arith.cmpi eq, %get3A_1055, %eq3A_1057 : vector<16xi32>
      %jit3A_1059 = arith.constant 1 : i32
      %jit3A_1060 = arith.constant 0 : i32
      %broadcast_in_dim3A_1061 = vector.broadcast %jit3A_1059 : i32 to vector<16xi32>
      %broadcast_in_dim3A_1062 = vector.broadcast %jit3A_1060 : i32 to vector<16xi32>
      %select_n3A_1063 = arith.select %eq3A_1058, %broadcast_in_dim3A_1061, %broadcast_in_dim3A_1062 : vector<16xi1>, vector<16xi32>
      %add3A_1064 = arith.addi %add3A_1046, %select_n3A_1063 : vector<16xi32>
      %mul3A_1065 = arith.constant 200 : i32
      %mul3A_1066 = arith.muli %and3A_924, %mul3A_1065 : i32
      %add3A_1067 = arith.constant 80 : i32
      %add3A_1068 = arith.addi %mul3A_1066, %add3A_1067 : i32
      %add3A_1069 = arith.constant 1 : i32
      %add3A_1070 = arith.addi %add3A_1068, %add3A_1069 : i32
      %get3A_1071 = arith.index_cast %add3A_1070 : i32 to index
      %get3A_1072 = tpu.vector_load %arg10[%get3A_1071] {strides = array<i32>} : memref<6416xi32, #tpu.memory_space<vmem>>, vector<16xi32>,
      %get3A_1073 = vector.shape_cast %get3A_1072 : vector<16xi32> to vector<16xi32>
      %eq3A_1074 = arith.constant 0 : i32
      %eq3A_1075 = vector.broadcast %eq3A_1074 : i32 to vector<16xi32>
      %eq3A_1076 = arith.cmpi eq, %get3A_1073, %eq3A_1075 : vector<16xi32>
      %jit3A_1077 = arith.constant 1 : i32
      %jit3A_1078 = arith.constant 0 : i32
      %broadcast_in_dim3A_1079 = vector.broadcast %jit3A_1077 : i32 to vector<16xi32>
      %broadcast_in_dim3A_1080 = vector.broadcast %jit3A_1078 : i32 to vector<16xi32>
      %select_n3A_1081 = arith.select %eq3A_1076, %broadcast_in_dim3A_1079, %broadcast_in_dim3A_1080 : vector<16xi1>, vector<16xi32>
      %add3A_1082 = arith.addi %add3A_1064, %select_n3A_1081 : vector<16xi32>
      %mul3A_1083 = arith.constant 200 : i32
      %mul3A_1084 = arith.muli %and3A_924, %mul3A_1083 : i32
      %add3A_1085 = arith.constant 96 : i32
      %add3A_1086 = arith.addi %mul3A_1084, %add3A_1085 : i32
      %add3A_1087 = arith.constant 1 : i32
      %add3A_1088 = arith.addi %add3A_1086, %add3A_1087 : i32
      %get3A_1089 = arith.index_cast %add3A_1088 : i32 to index
      %get3A_1090 = tpu.vector_load %arg10[%get3A_1089] {strides = array<i32>} : memref<6416xi32, #tpu.memory_space<vmem>>, vector<16xi32>,
      %get3A_1091 = vector.shape_cast %get3A_1090 : vector<16xi32> to vector<16xi32>
      %eq3A_1092 = arith.constant 0 : i32
      %eq3A_1093 = vector.broadcast %eq3A_1092 : i32 to vector<16xi32>
      %eq3A_1094 = arith.cmpi eq, %get3A_1091, %eq3A_1093 : vector<16xi32>
      %jit3A_1095 = arith.constant 1 : i32
      %jit3A_1096 = arith.constant 0 : i32
      %broadcast_in_dim3A_1097 = vector.broadcast %jit3A_1095 : i32 to vector<16xi32>
      %broadcast_in_dim3A_1098 = vector.broadcast %jit3A_1096 : i32 to vector<16xi32>
      %select_n3A_1099 = arith.select %eq3A_1094, %broadcast_in_dim3A_1097, %broadcast_in_dim3A_1098 : vector<16xi1>, vector<16xi32>
      %add3A_1100 = arith.addi %add3A_1082, %select_n3A_1099 : vector<16xi32>
      %mul3A_1101 = arith.constant 200 : i32
      %mul3A_1102 = arith.muli %and3A_924, %mul3A_1101 : i32
      %add3A_1103 = arith.constant 112 : i32
      %add3A_1104 = arith.addi %mul3A_1102, %add3A_1103 : i32
      %add3A_1105 = arith.constant 1 : i32
      %add3A_1106 = arith.addi %add3A_1104, %add3A_1105 : i32
      %get3A_1107 = arith.index_cast %add3A_1106 : i32 to index
      %get3A_1108 = tpu.vector_load %arg10[%get3A_1107] {strides = array<i32>} : memref<6416xi32, #tpu.memory_space<vmem>>, vector<16xi32>,
      %get3A_1109 = vector.shape_cast %get3A_1108 : vector<16xi32> to vector<16xi32>
      %eq3A_1110 = arith.constant 0 : i32
      %eq3A_1111 = vector.broadcast %eq3A_1110 : i32 to vector<16xi32>
      %eq3A_1112 = arith.cmpi eq, %get3A_1109, %eq3A_1111 : vector<16xi32>
      %jit3A_1113 = arith.constant 1 : i32
      %jit3A_1114 = arith.constant 0 : i32
      %broadcast_in_dim3A_1115 = vector.broadcast %jit3A_1113 : i32 to vector<16xi32>
      %broadcast_in_dim3A_1116 = vector.broadcast %jit3A_1114 : i32 to vector<16xi32>
      %select_n3A_1117 = arith.select %eq3A_1112, %broadcast_in_dim3A_1115, %broadcast_in_dim3A_1116 : vector<16xi1>, vector<16xi32>
      %add3A_1118 = arith.addi %add3A_1100, %select_n3A_1117 : vector<16xi32>
      %mul3A_1119 = arith.constant 200 : i32
      %mul3A_1120 = arith.muli %and3A_924, %mul3A_1119 : i32
      %add3A_1121 = arith.constant 128 : i32
      %add3A_1122 = arith.addi %mul3A_1120, %add3A_1121 : i32
      %add3A_1123 = arith.constant 1 : i32
      %add3A_1124 = arith.addi %add3A_1122, %add3A_1123 : i32
      %get3A_1125 = arith.index_cast %add3A_1124 : i32 to index
      %get3A_1126 = tpu.vector_load %arg10[%get3A_1125] {strides = array<i32>} : memref<6416xi32, #tpu.memory_space<vmem>>, vector<16xi32>,
      %get3A_1127 = vector.shape_cast %get3A_1126 : vector<16xi32> to vector<16xi32>
      %eq3A_1128 = arith.constant 0 : i32
      %eq3A_1129 = vector.broadcast %eq3A_1128 : i32 to vector<16xi32>
      %eq3A_1130 = arith.cmpi eq, %get3A_1127, %eq3A_1129 : vector<16xi32>
      %jit3A_1131 = arith.constant 1 : i32
      %jit3A_1132 = arith.constant 0 : i32
      %broadcast_in_dim3A_1133 = vector.broadcast %jit3A_1131 : i32 to vector<16xi32>
      %broadcast_in_dim3A_1134 = vector.broadcast %jit3A_1132 : i32 to vector<16xi32>
      %select_n3A_1135 = arith.select %eq3A_1130, %broadcast_in_dim3A_1133, %broadcast_in_dim3A_1134 : vector<16xi1>, vector<16xi32>
      %add3A_1136 = arith.addi %add3A_1118, %select_n3A_1135 : vector<16xi32>
      %mul3A_1137 = arith.constant 200 : i32
      %mul3A_1138 = arith.muli %and3A_924, %mul3A_1137 : i32
      %add3A_1139 = arith.constant 144 : i32
      %add3A_1140 = arith.addi %mul3A_1138, %add3A_1139 : i32
      %add3A_1141 = arith.constant 1 : i32
      %add3A_1142 = arith.addi %add3A_1140, %add3A_1141 : i32
      %get3A_1143 = arith.index_cast %add3A_1142 : i32 to index
      %get3A_1144 = tpu.vector_load %arg10[%get3A_1143] {strides = array<i32>} : memref<6416xi32, #tpu.memory_space<vmem>>, vector<16xi32>,
      %get3A_1145 = vector.shape_cast %get3A_1144 : vector<16xi32> to vector<16xi32>
      %eq3A_1146 = arith.constant 0 : i32
      %eq3A_1147 = vector.broadcast %eq3A_1146 : i32 to vector<16xi32>
      %eq3A_1148 = arith.cmpi eq, %get3A_1145, %eq3A_1147 : vector<16xi32>
      %jit3A_1149 = arith.constant 1 : i32
      %jit3A_1150 = arith.constant 0 : i32
      %broadcast_in_dim3A_1151 = vector.broadcast %jit3A_1149 : i32 to vector<16xi32>
      %broadcast_in_dim3A_1152 = vector.broadcast %jit3A_1150 : i32 to vector<16xi32>
      %select_n3A_1153 = arith.select %eq3A_1148, %broadcast_in_dim3A_1151, %broadcast_in_dim3A_1152 : vector<16xi1>, vector<16xi32>
      %add3A_1154 = arith.addi %add3A_1136, %select_n3A_1153 : vector<16xi32>
      %mul3A_1155 = arith.constant 200 : i32
      %mul3A_1156 = arith.muli %and3A_924, %mul3A_1155 : i32
      %add3A_1157 = arith.constant 160 : i32
      %add3A_1158 = arith.addi %mul3A_1156, %add3A_1157 : i32
      %add3A_1159 = arith.constant 1 : i32
      %add3A_1160 = arith.addi %add3A_1158, %add3A_1159 : i32
      %get3A_1161 = arith.index_cast %add3A_1160 : i32 to index
      %get3A_1162 = tpu.vector_load %arg10[%get3A_1161] {strides = array<i32>} : memref<6416xi32, #tpu.memory_space<vmem>>, vector<16xi32>,
      %get3A_1163 = vector.shape_cast %get3A_1162 : vector<16xi32> to vector<16xi32>
      %eq3A_1164 = arith.constant 0 : i32
      %eq3A_1165 = vector.broadcast %eq3A_1164 : i32 to vector<16xi32>
      %eq3A_1166 = arith.cmpi eq, %get3A_1163, %eq3A_1165 : vector<16xi32>
      %jit3A_1167 = arith.constant 1 : i32
      %jit3A_1168 = arith.constant 0 : i32
      %broadcast_in_dim3A_1169 = vector.broadcast %jit3A_1167 : i32 to vector<16xi32>
      %broadcast_in_dim3A_1170 = vector.broadcast %jit3A_1168 : i32 to vector<16xi32>
      %select_n3A_1171 = arith.select %eq3A_1166, %broadcast_in_dim3A_1169, %broadcast_in_dim3A_1170 : vector<16xi1>, vector<16xi32>
      %add3A_1172 = arith.addi %add3A_1154, %select_n3A_1171 : vector<16xi32>
      %mul3A_1173 = arith.constant 200 : i32
      %mul3A_1174 = arith.muli %and3A_924, %mul3A_1173 : i32
      %add3A_1175 = arith.constant 176 : i32
      %add3A_1176 = arith.addi %mul3A_1174, %add3A_1175 : i32
      %add3A_1177 = arith.constant 1 : i32
      %add3A_1178 = arith.addi %add3A_1176, %add3A_1177 : i32
      %get3A_1179 = arith.index_cast %add3A_1178 : i32 to index
      %get3A_1180 = tpu.vector_load %arg10[%get3A_1179] {strides = array<i32>} : memref<6416xi32, #tpu.memory_space<vmem>>, vector<16xi32>,
      %get3A_1181 = vector.shape_cast %get3A_1180 : vector<16xi32> to vector<16xi32>
      %eq3A_1182 = arith.constant 0 : i32
      %eq3A_1183 = vector.broadcast %eq3A_1182 : i32 to vector<16xi32>
      %eq3A_1184 = arith.cmpi eq, %get3A_1181, %eq3A_1183 : vector<16xi32>
      %jit3A_1185 = arith.constant 1 : i32
      %jit3A_1186 = arith.constant 0 : i32
      %broadcast_in_dim3A_1187 = vector.broadcast %jit3A_1185 : i32 to vector<16xi32>
      %broadcast_in_dim3A_1188 = vector.broadcast %jit3A_1186 : i32 to vector<16xi32>
      %select_n3A_1189 = arith.select %eq3A_1184, %broadcast_in_dim3A_1187, %broadcast_in_dim3A_1188 : vector<16xi1>, vector<16xi32>
      %add3A_1190 = arith.addi %add3A_1172, %select_n3A_1189 : vector<16xi32>
      %mul3A_1191 = arith.constant 200 : i32
      %mul3A_1192 = arith.muli %and3A_924, %mul3A_1191 : i32
      %add3A_1193 = arith.constant 192 : i32
      %add3A_1194 = arith.addi %mul3A_1192, %add3A_1193 : i32
      %add3A_1195 = arith.constant 1 : i32
      %add3A_1196 = arith.addi %add3A_1194, %add3A_1195 : i32
      %get3A_1197 = arith.index_cast %add3A_1196 : i32 to index
      %get3A_1198 = tpu.vector_load %arg10[%get3A_1197] {strides = array<i32>} : memref<6416xi32, #tpu.memory_space<vmem>>, vector<16xi32>,
      %get3A_1199 = vector.shape_cast %get3A_1198 : vector<16xi32> to vector<16xi32>
      %eq3A_1200 = arith.constant 0 : i32
      %eq3A_1201 = vector.broadcast %eq3A_1200 : i32 to vector<16xi32>
      %eq3A_1202 = arith.cmpi eq, %get3A_1199, %eq3A_1201 : vector<16xi32>
      %lt3A_1203 = arith.constant 7 : i32
      %lt3A_1204 = vector.broadcast %lt3A_1203 : i32 to vector<16xi32>
      %lt3A_1205 = arith.cmpi slt, %iota3A, %lt3A_1204 : vector<16xi32>
      %and3A_1206 = arith.andi %eq3A_1202, %lt3A_1205 : vector<16xi1>
      %jit3A_1207 = arith.constant 1 : i32
      %jit3A_1208 = arith.constant 0 : i32
      %broadcast_in_dim3A_1209 = vector.broadcast %jit3A_1207 : i32 to vector<16xi32>
      %broadcast_in_dim3A_1210 = vector.broadcast %jit3A_1208 : i32 to vector<16xi32>
      %select_n3A_1211 = arith.select %and3A_1206, %broadcast_in_dim3A_1209, %broadcast_in_dim3A_1210 : vector<16xi1>, vector<16xi32>
      %add3A_1212 = arith.addi %add3A_1190, %select_n3A_1211 : vector<16xi32>
      %add3A_1213 = arith.constant 8 : i32
      %add3A_1214 = vector.broadcast %add3A_1213 : i32 to vector<16xi32>
      %add3A_1215 = arith.addi %iota3A, %add3A_1214 : vector<16xi32>
      %and3A_1216 = arith.constant 15 : i32
      %and3A_1217 = vector.broadcast %and3A_1216 : i32 to vector<16xi32>
      %and3A_1218 = arith.andi %add3A_1215, %and3A_1217 : vector<16xi32>
      %lt3A_1219 = arith.constant 0 : i32
      %lt3A_1220 = vector.broadcast %lt3A_1219 : i32 to vector<16xi32>
      %lt3A_1221 = arith.cmpi slt, %and3A_1218, %lt3A_1220 : vector<16xi32>
      %add3A_1222 = arith.constant 16 : i32
      %add3A_1223 = vector.broadcast %add3A_1222 : i32 to vector<16xi32>
      %add3A_1224 = arith.addi %and3A_1218, %add3A_1223 : vector<16xi32>
      %select_n3A_1225 = arith.select %lt3A_1221, %add3A_1224, %and3A_1218 : vector<16xi1>, vector<16xi32>
      %broadcast_in_dim3A_1226 = vector.shape_cast %select_n3A_1225 : vector<16xi32> to vector<16x1xi32>
      %gather3A_1227 = vector.shape_cast %broadcast_in_dim3A_1226 : vector<16x1xi32> to vector<16xi32>
      %gather3A_1228 = tpu.dynamic_gather %add3A_1212[%gather3A_1227] in [0] : vector<16xi32>, vector<16xi32> -> vector<16xi32>
      %add3A_1229 = arith.addi %add3A_1212, %gather3A_1228 : vector<16xi32>
      %add3A_1230 = arith.constant 4 : i32
      %add3A_1231 = vector.broadcast %add3A_1230 : i32 to vector<16xi32>
      %add3A_1232 = arith.addi %iota3A, %add3A_1231 : vector<16xi32>
      %and3A_1233 = arith.constant 15 : i32
      %and3A_1234 = vector.broadcast %and3A_1233 : i32 to vector<16xi32>
      %and3A_1235 = arith.andi %add3A_1232, %and3A_1234 : vector<16xi32>
      %lt3A_1236 = arith.constant 0 : i32
      %lt3A_1237 = vector.broadcast %lt3A_1236 : i32 to vector<16xi32>
      %lt3A_1238 = arith.cmpi slt, %and3A_1235, %lt3A_1237 : vector<16xi32>
      %add3A_1239 = arith.constant 16 : i32
      %add3A_1240 = vector.broadcast %add3A_1239 : i32 to vector<16xi32>
      %add3A_1241 = arith.addi %and3A_1235, %add3A_1240 : vector<16xi32>
      %select_n3A_1242 = arith.select %lt3A_1238, %add3A_1241, %and3A_1235 : vector<16xi1>, vector<16xi32>
      %broadcast_in_dim3A_1243 = vector.shape_cast %select_n3A_1242 : vector<16xi32> to vector<16x1xi32>
      %gather3A_1244 = vector.shape_cast %broadcast_in_dim3A_1243 : vector<16x1xi32> to vector<16xi32>
      %gather3A_1245 = tpu.dynamic_gather %add3A_1229[%gather3A_1244] in [0] : vector<16xi32>, vector<16xi32> -> vector<16xi32>
      %add3A_1246 = arith.addi %add3A_1229, %gather3A_1245 : vector<16xi32>
      %add3A_1247 = arith.constant 2 : i32
      %add3A_1248 = vector.broadcast %add3A_1247 : i32 to vector<16xi32>
      %add3A_1249 = arith.addi %iota3A, %add3A_1248 : vector<16xi32>
      %and3A_1250 = arith.constant 15 : i32
      %and3A_1251 = vector.broadcast %and3A_1250 : i32 to vector<16xi32>
      %and3A_1252 = arith.andi %add3A_1249, %and3A_1251 : vector<16xi32>
      %lt3A_1253 = arith.constant 0 : i32
      %lt3A_1254 = vector.broadcast %lt3A_1253 : i32 to vector<16xi32>
      %lt3A_1255 = arith.cmpi slt, %and3A_1252, %lt3A_1254 : vector<16xi32>
      %add3A_1256 = arith.constant 16 : i32
      %add3A_1257 = vector.broadcast %add3A_1256 : i32 to vector<16xi32>
      %add3A_1258 = arith.addi %and3A_1252, %add3A_1257 : vector<16xi32>
      %select_n3A_1259 = arith.select %lt3A_1255, %add3A_1258, %and3A_1252 : vector<16xi1>, vector<16xi32>
      %broadcast_in_dim3A_1260 = vector.shape_cast %select_n3A_1259 : vector<16xi32> to vector<16x1xi32>
      %gather3A_1261 = vector.shape_cast %broadcast_in_dim3A_1260 : vector<16x1xi32> to vector<16xi32>
      %gather3A_1262 = tpu.dynamic_gather %add3A_1246[%gather3A_1261] in [0] : vector<16xi32>, vector<16xi32> -> vector<16xi32>
      %add3A_1263 = arith.addi %add3A_1246, %gather3A_1262 : vector<16xi32>
      %add3A_1264 = arith.constant 1 : i32
      %add3A_1265 = vector.broadcast %add3A_1264 : i32 to vector<16xi32>
      %add3A_1266 = arith.addi %iota3A, %add3A_1265 : vector<16xi32>
      %and3A_1267 = arith.constant 15 : i32
      %and3A_1268 = vector.broadcast %and3A_1267 : i32 to vector<16xi32>
      %and3A_1269 = arith.andi %add3A_1266, %and3A_1268 : vector<16xi32>
      %lt3A_1270 = arith.constant 0 : i32
      %lt3A_1271 = vector.broadcast %lt3A_1270 : i32 to vector<16xi32>
      %lt3A_1272 = arith.cmpi slt, %and3A_1269, %lt3A_1271 : vector<16xi32>
      %add3A_1273 = arith.constant 16 : i32
      %add3A_1274 = vector.broadcast %add3A_1273 : i32 to vector<16xi32>
      %add3A_1275 = arith.addi %and3A_1269, %add3A_1274 : vector<16xi32>
      %select_n3A_1276 = arith.select %lt3A_1272, %add3A_1275, %and3A_1269 : vector<16xi1>, vector<16xi32>
      %broadcast_in_dim3A_1277 = vector.shape_cast %select_n3A_1276 : vector<16xi32> to vector<16x1xi32>
      %gather3A_1278 = vector.shape_cast %broadcast_in_dim3A_1277 : vector<16x1xi32> to vector<16xi32>
      %gather3A_1279 = tpu.dynamic_gather %add3A_1263[%gather3A_1278] in [0] : vector<16xi32>, vector<16xi32> -> vector<16xi32>
      %add3A_1280 = arith.addi %add3A_1263, %gather3A_1279 : vector<16xi32>
      %slice3A_1281 = vector.extract_strided_slice %add3A_1280 {offsets = [0], sizes = [1], strides = [1]} : vector<16xi32> to vector<1xi32>
      %squeeze3A_1282 = vector.extract %slice3A_1281[0] : i32 from vector<1xi32>
      %gt3A_1283 = arith.constant 0 : i32
      %gt3A_1284 = arith.cmpi sgt, %squeeze3A_1282, %gt3A_1283 : i32
      %convert_element_type3A_1285 = arith.extui %gt3A_1284 : i1 to i32
      %cond3A_1286 = arith.constant 0 : i32
      %cond3A_1287 = arith.cmpi ne, %convert_element_type3A_1285, %cond3A_1286 : i32
      scf.if %cond3A_1287 {
        %scan3A_1697 = arith.constant 0 : i32
        %scan3A_1698 = arith.constant 0 : i32
        %scan3A_1699 = arith.constant 199 : i32
        %scan3A_1700 = arith.addi %scan3A_1698, %scan3A_1699 : i32
        %scan3A_1701 = arith.constant 1 : i32
        %scan3A_1702 = scf.for %scan3A_1704 = %scan3A_1698 to %scan3A_1700 step %scan3A_1701 iter_args(%scan3A_1705 = %scan3A_1697) -> (i32)  : i32 {
          %mul3A_1706 = arith.constant 200 : i32
          %mul3A_1707 = arith.muli %and3A_924, %mul3A_1706 : i32
          %add3A_1708 = arith.addi %mul3A_1707, %scan3A_1704 : i32
          %add3A_1709 = arith.constant 1 : i32
          %add3A_1710 = arith.addi %add3A_1708, %add3A_1709 : i32
          %get3A_1711 = arith.index_cast %add3A_1710 : i32 to index
          %get3A_1712 = tpu.vector_load %arg10[%get3A_1711] {strides = array<i32>} : memref<6416xi32, #tpu.memory_space<vmem>>, vector<16xi32>,
          %get3A_1713 = vector.shape_cast %get3A_1712 : vector<16xi32> to vector<16xi32>
          %slice3A_1714 = vector.extract_strided_slice %get3A_1713 {offsets = [0], sizes = [1], strides = [1]} : vector<16xi32> to vector<1xi32>
          %squeeze3A_1715 = vector.extract %slice3A_1714[0] : i32 from vector<1xi32>
          %eq3A_1716 = arith.constant 0 : i32
          %eq3A_1717 = arith.cmpi eq, %squeeze3A_1715, %eq3A_1716 : i32
          %convert_element_type3A_1718 = arith.extui %eq3A_1717 : i1 to i32
          %cond3A_1719 = arith.constant 0 : i32
          %cond3A_1720 = arith.cmpi ne, %convert_element_type3A_1718, %cond3A_1719 : i32
          scf.if %cond3A_1720 {
            %swap3A_1722 = arith.index_cast %scan3A_1704 : i32 to index
            %swap3A_1723 = arith.constant 0 : index
            %swap3A_1724 = tpu.vector_load %arg8[%swap3A_1722, %swap3A_1723] {strides = array<i32>} : memref<200x128xf32, #tpu.memory_space<vmem>>, vector<1x16xf32>,
            %swap3A_1725 = vector.shape_cast %swap3A_1724 : vector<1x16xf32> to vector<16xf32>
            %swap3A_1726 = vector.shape_cast %get3A_4 : vector<16xf32> to vector<1x16xf32>
            tpu.vector_store %arg8[%swap3A_1722, %swap3A_1723], %swap3A_1726 {strides = array<i32>} : memref<200x128xf32, #tpu.memory_space<vmem>>, vector<1x16xf32>,
            %swap3A_1727 = arith.index_cast %scan3A_1704 : i32 to index
            %swap3A_1728 = arith.constant 16 : index
            %swap3A_1729 = tpu.vector_load %arg8[%swap3A_1727, %swap3A_1728] {strides = array<i32>} : memref<200x128xf32, #tpu.memory_space<vmem>>, vector<1x16xf32>,
            %swap3A_1730 = vector.shape_cast %swap3A_1729 : vector<1x16xf32> to vector<16xf32>
            %swap3A_1731 = vector.shape_cast %get3A_7 : vector<16xf32> to vector<1x16xf32>
            tpu.vector_store %arg8[%swap3A_1727, %swap3A_1728], %swap3A_1731 {strides = array<i32>} : memref<200x128xf32, #tpu.memory_space<vmem>>, vector<1x16xf32>,
            %swap3A_1732 = arith.index_cast %scan3A_1704 : i32 to index
            %swap3A_1733 = arith.constant 32 : index
            %swap3A_1734 = tpu.vector_load %arg8[%swap3A_1732, %swap3A_1733] {strides = array<i32>} : memref<200x128xf32, #tpu.memory_space<vmem>>, vector<1x16xf32>,
            %swap3A_1735 = vector.shape_cast %swap3A_1734 : vector<1x16xf32> to vector<16xf32>
            %swap3A_1736 = vector.shape_cast %get3A_10 : vector<16xf32> to vector<1x16xf32>
            tpu.vector_store %arg8[%swap3A_1732, %swap3A_1733], %swap3A_1736 {strides = array<i32>} : memref<200x128xf32, #tpu.memory_space<vmem>>, vector<1x16xf32>,
            %swap3A_1737 = arith.index_cast %scan3A_1704 : i32 to index
            %swap3A_1738 = arith.constant 48 : index
            %swap3A_1739 = tpu.vector_load %arg8[%swap3A_1737, %swap3A_1738] {strides = array<i32>} : memref<200x128xf32, #tpu.memory_space<vmem>>, vector<1x16xf32>,
            %swap3A_1740 = vector.shape_cast %swap3A_1739 : vector<1x16xf32> to vector<16xf32>
            %swap3A_1741 = vector.shape_cast %get3A_13 : vector<16xf32> to vector<1x16xf32>
            tpu.vector_store %arg8[%swap3A_1737, %swap3A_1738], %swap3A_1741 {strides = array<i32>} : memref<200x128xf32, #tpu.memory_space<vmem>>, vector<1x16xf32>,
            %swap3A_1742 = arith.index_cast %scan3A_1704 : i32 to index
            %swap3A_1743 = arith.constant 64 : index
            %swap3A_1744 = tpu.vector_load %arg8[%swap3A_1742, %swap3A_1743] {strides = array<i32>} : memref<200x128xf32, #tpu.memory_space<vmem>>, vector<1x16xf32>,
            %swap3A_1745 = vector.shape_cast %swap3A_1744 : vector<1x16xf32> to vector<16xf32>
            %swap3A_1746 = vector.shape_cast %get3A_16 : vector<16xf32> to vector<1x16xf32>
            tpu.vector_store %arg8[%swap3A_1742, %swap3A_1743], %swap3A_1746 {strides = array<i32>} : memref<200x128xf32, #tpu.memory_space<vmem>>, vector<1x16xf32>,
            %swap3A_1747 = arith.index_cast %scan3A_1704 : i32 to index
            %swap3A_1748 = arith.constant 80 : index
            %swap3A_1749 = tpu.vector_load %arg8[%swap3A_1747, %swap3A_1748] {strides = array<i32>} : memref<200x128xf32, #tpu.memory_space<vmem>>, vector<1x16xf32>,
            %swap3A_1750 = vector.shape_cast %swap3A_1749 : vector<1x16xf32> to vector<16xf32>
            %swap3A_1751 = vector.shape_cast %get3A_19 : vector<16xf32> to vector<1x16xf32>
            tpu.vector_store %arg8[%swap3A_1747, %swap3A_1748], %swap3A_1751 {strides = array<i32>} : memref<200x128xf32, #tpu.memory_space<vmem>>, vector<1x16xf32>,
            %swap3A_1752 = arith.index_cast %scan3A_1704 : i32 to index
            %swap3A_1753 = arith.constant 96 : index
            %swap3A_1754 = tpu.vector_load %arg8[%swap3A_1752, %swap3A_1753] {strides = array<i32>} : memref<200x128xf32, #tpu.memory_space<vmem>>, vector<1x16xf32>,
            %swap3A_1755 = vector.shape_cast %swap3A_1754 : vector<1x16xf32> to vector<16xf32>
            %swap3A_1756 = vector.shape_cast %get3A_22 : vector<16xf32> to vector<1x16xf32>
            tpu.vector_store %arg8[%swap3A_1752, %swap3A_1753], %swap3A_1756 {strides = array<i32>} : memref<200x128xf32, #tpu.memory_space<vmem>>, vector<1x16xf32>,
            %swap3A_1757 = arith.index_cast %scan3A_1704 : i32 to index
            %swap3A_1758 = arith.constant 112 : index
            %swap3A_1759 = tpu.vector_load %arg8[%swap3A_1757, %swap3A_1758] {strides = array<i32>} : memref<200x128xf32, #tpu.memory_space<vmem>>, vector<1x16xf32>,
            %swap3A_1760 = vector.shape_cast %swap3A_1759 : vector<1x16xf32> to vector<16xf32>
            %swap3A_1761 = vector.shape_cast %get3A_25 : vector<16xf32> to vector<1x16xf32>
            tpu.vector_store %arg8[%swap3A_1757, %swap3A_1758], %swap3A_1761 {strides = array<i32>} : memref<200x128xf32, #tpu.memory_space<vmem>>, vector<1x16xf32>,
          } else {
          }
          %scan3A_1721 = arith.constant 0 : i32
          scf.yield %scan3A_1721 : i32
        }
        %scan3A_1703 = arith.constant 199 : i32
      } else {
      }
      %add3A_1288 = arith.addi %mul3A_2, %add3A_913 : i32
      %dma_start3A_1289 = arith.constant 0 : i32
      %dma_start3A_1290 = arith.constant 0 : i32
      %dma_start3A_1291 = tpu.memref_slice %arg5[%add3A_1288, %dma_start3A_1289, %dma_start3A_1290] : memref<4096x200x128xf32, #tpu.memory_space<hbm>> -> memref<1x200x128xf32, #tpu.memory_space<hbm>>
      %dma_start3A_1292 = tpu.memref_squeeze %dma_start3A_1291 : memref<1x200x128xf32, #tpu.memory_space<hbm>> -> memref<200x128xf32, #tpu.memory_space<hbm>>
      %dma_start3A_1293 = arith.constant 0 : i32
      %dma_start3A_1294 = arith.constant 0 : i32
      %dma_start3A_1295 = tpu.memref_slice %arg5[%add3A_1288, %dma_start3A_1293, %dma_start3A_1294] : memref<4096x200x128xf32, #tpu.memory_space<hbm>> -> memref<1x200x128xf32, #tpu.memory_space<hbm>>
      %dma_start3A_1296 = tpu.memref_squeeze %dma_start3A_1295 : memref<1x200x128xf32, #tpu.memory_space<hbm>> -> memref<200x128xf32, #tpu.memory_space<hbm>>
      tpu.enqueue_dma source(%arg8 : memref<200x128xf32, #tpu.memory_space<vmem>>) target(%dma_start3A_1296 : memref<200x128xf32, #tpu.memory_space<hbm>>) target_semaphore(%arg18 : memref<!tpu.dma_semaphore, #tpu.memory_space<semaphore_mem>>)
      %add3A_1297 = arith.constant 4 : i32
      %add3A_1298 = arith.addi %add3A_913, %add3A_1297 : i32
      %lt3A_1299 = arith.constant 128 : i32
      %lt3A_1300 = arith.cmpi slt, %add3A_1298, %lt3A_1299 : i32
      %convert_element_type3A_1301 = arith.extui %lt3A_1300 : i1 to i32
      %cond3A_1302 = arith.constant 0 : i32
      %cond3A_1303 = arith.cmpi ne, %convert_element_type3A_1301, %cond3A_1302 : i32
      scf.if %cond3A_1303 {
        %add3A_1697 = arith.addi %mul3A_2, %add3A_913 : i32
        %dma_wait3A_1698 = arith.constant 0 : i32
        %dma_wait3A_1699 = arith.constant 0 : i32
        %dma_wait3A_1700 = tpu.memref_slice %arg5[%add3A_1697, %dma_wait3A_1698, %dma_wait3A_1699] : memref<4096x200x128xf32, #tpu.memory_space<hbm>> -> memref<1x200x128xf32, #tpu.memory_space<hbm>>
        %dma_wait3A_1701 = tpu.memref_squeeze %dma_wait3A_1700 : memref<1x200x128xf32, #tpu.memory_space<hbm>> -> memref<200x128xf32, #tpu.memory_space<hbm>>
        %dma_wait3A_1702 = arith.constant 0 : i32
        %dma_wait3A_1703 = arith.constant 0 : i32
        %dma_wait3A_1704 = tpu.memref_slice %arg5[%add3A_1697, %dma_wait3A_1702, %dma_wait3A_1703] : memref<4096x200x128xf32, #tpu.memory_space<hbm>> -> memref<1x200x128xf32, #tpu.memory_space<hbm>>
        %dma_wait3A_1705 = tpu.memref_squeeze %dma_wait3A_1704 : memref<1x200x128xf32, #tpu.memory_space<hbm>> -> memref<200x128xf32, #tpu.memory_space<hbm>>
        tpu.wait_dma2 semaphore(%arg18 : memref<!tpu.dma_semaphore, #tpu.memory_space<semaphore_mem>>) src(%arg8 : memref<200x128xf32, #tpu.memory_space<vmem>>) dst(%dma_wait3A_1705 : memref<200x128xf32, #tpu.memory_space<hbm>>)
        %add3A_1706 = arith.constant 4 : i32
        %add3A_1707 = arith.addi %add3A_913, %add3A_1706 : i32
        %add3A_1708 = arith.addi %mul3A_2, %add3A_1707 : i32
        %dma_start3A_1709 = arith.constant 0 : i32
        %dma_start3A_1710 = arith.constant 0 : i32
        %dma_start3A_1711 = tpu.memref_slice %arg2[%add3A_1708, %dma_start3A_1709, %dma_start3A_1710] : memref<4096x200x128xf32, #tpu.memory_space<hbm>> -> memref<1x200x128xf32, #tpu.memory_space<hbm>>
        %dma_start3A_1712 = tpu.memref_squeeze %dma_start3A_1711 : memref<1x200x128xf32, #tpu.memory_space<hbm>> -> memref<200x128xf32, #tpu.memory_space<hbm>>
        %dma_start3A_1713 = arith.constant 0 : i32
        %dma_start3A_1714 = arith.constant 0 : i32
        %dma_start3A_1715 = tpu.memref_slice %arg2[%add3A_1708, %dma_start3A_1713, %dma_start3A_1714] : memref<4096x200x128xf32, #tpu.memory_space<hbm>> -> memref<1x200x128xf32, #tpu.memory_space<hbm>>
        %dma_start3A_1716 = tpu.memref_squeeze %dma_start3A_1715 : memref<1x200x128xf32, #tpu.memory_space<hbm>> -> memref<200x128xf32, #tpu.memory_space<hbm>>
        tpu.enqueue_dma source(%dma_start3A_1716 : memref<200x128xf32, #tpu.memory_space<hbm>>) target(%arg8 : memref<200x128xf32, #tpu.memory_space<vmem>>) target_semaphore(%arg14 : memref<!tpu.dma_semaphore, #tpu.memory_space<semaphore_mem>>)
      } else {
      }
      %add3A_1304 = arith.constant 3 : i32
      %add3A_1305 = arith.addi %mul3A_133, %add3A_1304 : i32
      %add3A_1306 = arith.addi %mul3A_2, %add3A_1305 : i32
      %dma_wait3A_1307 = arith.constant 0 : i32
      %dma_wait3A_1308 = arith.constant 0 : i32
      %dma_wait3A_1309 = tpu.memref_slice %arg2[%add3A_1306, %dma_wait3A_1307, %dma_wait3A_1308] : memref<4096x200x128xf32, #tpu.memory_space<hbm>> -> memref<1x200x128xf32, #tpu.memory_space<hbm>>
      %dma_wait3A_1310 = tpu.memref_squeeze %dma_wait3A_1309 : memref<1x200x128xf32, #tpu.memory_space<hbm>> -> memref<200x128xf32, #tpu.memory_space<hbm>>
      %dma_wait3A_1311 = arith.constant 0 : i32
      %dma_wait3A_1312 = arith.constant 0 : i32
      %dma_wait3A_1313 = tpu.memref_slice %arg2[%add3A_1306, %dma_wait3A_1311, %dma_wait3A_1312] : memref<4096x200x128xf32, #tpu.memory_space<hbm>> -> memref<1x200x128xf32, #tpu.memory_space<hbm>>
      %dma_wait3A_1314 = tpu.memref_squeeze %dma_wait3A_1313 : memref<1x200x128xf32, #tpu.memory_space<hbm>> -> memref<200x128xf32, #tpu.memory_space<hbm>>
      tpu.wait_dma2 semaphore(%arg15 : memref<!tpu.dma_semaphore, #tpu.memory_space<semaphore_mem>>) src(%dma_wait3A_1314 : memref<200x128xf32, #tpu.memory_space<hbm>>) dst(%arg9 : memref<200x128xf32, #tpu.memory_space<vmem>>)
      %and3A_1315 = arith.constant 31 : i32
      %and3A_1316 = arith.andi %add3A_1305, %and3A_1315 : i32
      %swap3A_1317 = arith.constant 199 : i32
      %swap3A_1318 = arith.index_cast %swap3A_1317 : i32 to index
      %swap3A_1319 = arith.constant 0 : index
      %swap3A_1320 = tpu.vector_load %arg9[%swap3A_1318, %swap3A_1319] {strides = array<i32>} : memref<200x128xf32, #tpu.memory_space<vmem>>, vector<1x16xf32>,
      %swap3A_1321 = vector.shape_cast %swap3A_1320 : vector<1x16xf32> to vector<16xf32>
      %swap3A_1322 = vector.shape_cast %get3A_4 : vector<16xf32> to vector<1x16xf32>
      tpu.vector_store %arg9[%swap3A_1318, %swap3A_1319], %swap3A_1322 {strides = array<i32>} : memref<200x128xf32, #tpu.memory_space<vmem>>, vector<1x16xf32>,
      %swap3A_1323 = arith.constant 199 : i32
      %swap3A_1324 = arith.index_cast %swap3A_1323 : i32 to index
      %swap3A_1325 = arith.constant 16 : index
      %swap3A_1326 = tpu.vector_load %arg9[%swap3A_1324, %swap3A_1325] {strides = array<i32>} : memref<200x128xf32, #tpu.memory_space<vmem>>, vector<1x16xf32>,
      %swap3A_1327 = vector.shape_cast %swap3A_1326 : vector<1x16xf32> to vector<16xf32>
      %swap3A_1328 = vector.shape_cast %get3A_7 : vector<16xf32> to vector<1x16xf32>
      tpu.vector_store %arg9[%swap3A_1324, %swap3A_1325], %swap3A_1328 {strides = array<i32>} : memref<200x128xf32, #tpu.memory_space<vmem>>, vector<1x16xf32>,
      %swap3A_1329 = arith.constant 199 : i32
      %swap3A_1330 = arith.index_cast %swap3A_1329 : i32 to index
      %swap3A_1331 = arith.constant 32 : index
      %swap3A_1332 = tpu.vector_load %arg9[%swap3A_1330, %swap3A_1331] {strides = array<i32>} : memref<200x128xf32, #tpu.memory_space<vmem>>, vector<1x16xf32>,
      %swap3A_1333 = vector.shape_cast %swap3A_1332 : vector<1x16xf32> to vector<16xf32>
      %swap3A_1334 = vector.shape_cast %get3A_10 : vector<16xf32> to vector<1x16xf32>
      tpu.vector_store %arg9[%swap3A_1330, %swap3A_1331], %swap3A_1334 {strides = array<i32>} : memref<200x128xf32, #tpu.memory_space<vmem>>, vector<1x16xf32>,
      %swap3A_1335 = arith.constant 199 : i32
      %swap3A_1336 = arith.index_cast %swap3A_1335 : i32 to index
      %swap3A_1337 = arith.constant 48 : index
      %swap3A_1338 = tpu.vector_load %arg9[%swap3A_1336, %swap3A_1337] {strides = array<i32>} : memref<200x128xf32, #tpu.memory_space<vmem>>, vector<1x16xf32>,
      %swap3A_1339 = vector.shape_cast %swap3A_1338 : vector<1x16xf32> to vector<16xf32>
      %swap3A_1340 = vector.shape_cast %get3A_13 : vector<16xf32> to vector<1x16xf32>
      tpu.vector_store %arg9[%swap3A_1336, %swap3A_1337], %swap3A_1340 {strides = array<i32>} : memref<200x128xf32, #tpu.memory_space<vmem>>, vector<1x16xf32>,
      %swap3A_1341 = arith.constant 199 : i32
      %swap3A_1342 = arith.index_cast %swap3A_1341 : i32 to index
      %swap3A_1343 = arith.constant 64 : index
      %swap3A_1344 = tpu.vector_load %arg9[%swap3A_1342, %swap3A_1343] {strides = array<i32>} : memref<200x128xf32, #tpu.memory_space<vmem>>, vector<1x16xf32>,
      %swap3A_1345 = vector.shape_cast %swap3A_1344 : vector<1x16xf32> to vector<16xf32>
      %swap3A_1346 = vector.shape_cast %get3A_16 : vector<16xf32> to vector<1x16xf32>
      tpu.vector_store %arg9[%swap3A_1342, %swap3A_1343], %swap3A_1346 {strides = array<i32>} : memref<200x128xf32, #tpu.memory_space<vmem>>, vector<1x16xf32>,
      %swap3A_1347 = arith.constant 199 : i32
      %swap3A_1348 = arith.index_cast %swap3A_1347 : i32 to index
      %swap3A_1349 = arith.constant 80 : index
      %swap3A_1350 = tpu.vector_load %arg9[%swap3A_1348, %swap3A_1349] {strides = array<i32>} : memref<200x128xf32, #tpu.memory_space<vmem>>, vector<1x16xf32>,
      %swap3A_1351 = vector.shape_cast %swap3A_1350 : vector<1x16xf32> to vector<16xf32>
      %swap3A_1352 = vector.shape_cast %get3A_19 : vector<16xf32> to vector<1x16xf32>
      tpu.vector_store %arg9[%swap3A_1348, %swap3A_1349], %swap3A_1352 {strides = array<i32>} : memref<200x128xf32, #tpu.memory_space<vmem>>, vector<1x16xf32>,
      %swap3A_1353 = arith.constant 199 : i32
      %swap3A_1354 = arith.index_cast %swap3A_1353 : i32 to index
      %swap3A_1355 = arith.constant 96 : index
      %swap3A_1356 = tpu.vector_load %arg9[%swap3A_1354, %swap3A_1355] {strides = array<i32>} : memref<200x128xf32, #tpu.memory_space<vmem>>, vector<1x16xf32>,
      %swap3A_1357 = vector.shape_cast %swap3A_1356 : vector<1x16xf32> to vector<16xf32>
      %swap3A_1358 = vector.shape_cast %get3A_22 : vector<16xf32> to vector<1x16xf32>
      tpu.vector_store %arg9[%swap3A_1354, %swap3A_1355], %swap3A_1358 {strides = array<i32>} : memref<200x128xf32, #tpu.memory_space<vmem>>, vector<1x16xf32>,
      %swap3A_1359 = arith.constant 199 : i32
      %swap3A_1360 = arith.index_cast %swap3A_1359 : i32 to index
      %swap3A_1361 = arith.constant 112 : index
      %swap3A_1362 = tpu.vector_load %arg9[%swap3A_1360, %swap3A_1361] {strides = array<i32>} : memref<200x128xf32, #tpu.memory_space<vmem>>, vector<1x16xf32>,
      %swap3A_1363 = vector.shape_cast %swap3A_1362 : vector<1x16xf32> to vector<16xf32>
      %swap3A_1364 = vector.shape_cast %get3A_25 : vector<16xf32> to vector<1x16xf32>
      tpu.vector_store %arg9[%swap3A_1360, %swap3A_1361], %swap3A_1364 {strides = array<i32>} : memref<200x128xf32, #tpu.memory_space<vmem>>, vector<1x16xf32>,
      %broadcast_in_dim3A_1365 = arith.constant 0 : i32
      %broadcast_in_dim3A_1366 = vector.broadcast %broadcast_in_dim3A_1365 : i32 to vector<16xi32>
      %mul3A_1367 = arith.constant 200 : i32
      %mul3A_1368 = arith.muli %and3A_1316, %mul3A_1367 : i32
      %add3A_1369 = arith.constant 0 : i32
      %add3A_1370 = arith.addi %mul3A_1368, %add3A_1369 : i32
      %add3A_1371 = arith.constant 1 : i32
      %add3A_1372 = arith.addi %add3A_1370, %add3A_1371 : i32
      %get3A_1373 = arith.index_cast %add3A_1372 : i32 to index
      %get3A_1374 = tpu.vector_load %arg10[%get3A_1373] {strides = array<i32>} : memref<6416xi32, #tpu.memory_space<vmem>>, vector<16xi32>,
      %get3A_1375 = vector.shape_cast %get3A_1374 : vector<16xi32> to vector<16xi32>
      %eq3A_1376 = arith.constant 0 : i32
      %eq3A_1377 = vector.broadcast %eq3A_1376 : i32 to vector<16xi32>
      %eq3A_1378 = arith.cmpi eq, %get3A_1375, %eq3A_1377 : vector<16xi32>
      %jit3A_1379 = arith.constant 1 : i32
      %jit3A_1380 = arith.constant 0 : i32
      %broadcast_in_dim3A_1381 = vector.broadcast %jit3A_1379 : i32 to vector<16xi32>
      %broadcast_in_dim3A_1382 = vector.broadcast %jit3A_1380 : i32 to vector<16xi32>
      %select_n3A_1383 = arith.select %eq3A_1378, %broadcast_in_dim3A_1381, %broadcast_in_dim3A_1382 : vector<16xi1>, vector<16xi32>
      %add3A_1384 = arith.addi %broadcast_in_dim3A_1366, %select_n3A_1383 : vector<16xi32>
      %mul3A_1385 = arith.constant 200 : i32
      %mul3A_1386 = arith.muli %and3A_1316, %mul3A_1385 : i32
      %add3A_1387 = arith.constant 16 : i32
      %add3A_1388 = arith.addi %mul3A_1386, %add3A_1387 : i32
      %add3A_1389 = arith.constant 1 : i32
      %add3A_1390 = arith.addi %add3A_1388, %add3A_1389 : i32
      %get3A_1391 = arith.index_cast %add3A_1390 : i32 to index
      %get3A_1392 = tpu.vector_load %arg10[%get3A_1391] {strides = array<i32>} : memref<6416xi32, #tpu.memory_space<vmem>>, vector<16xi32>,
      %get3A_1393 = vector.shape_cast %get3A_1392 : vector<16xi32> to vector<16xi32>
      %eq3A_1394 = arith.constant 0 : i32
      %eq3A_1395 = vector.broadcast %eq3A_1394 : i32 to vector<16xi32>
      %eq3A_1396 = arith.cmpi eq, %get3A_1393, %eq3A_1395 : vector<16xi32>
      %jit3A_1397 = arith.constant 1 : i32
      %jit3A_1398 = arith.constant 0 : i32
      %broadcast_in_dim3A_1399 = vector.broadcast %jit3A_1397 : i32 to vector<16xi32>
      %broadcast_in_dim3A_1400 = vector.broadcast %jit3A_1398 : i32 to vector<16xi32>
      %select_n3A_1401 = arith.select %eq3A_1396, %broadcast_in_dim3A_1399, %broadcast_in_dim3A_1400 : vector<16xi1>, vector<16xi32>
      %add3A_1402 = arith.addi %add3A_1384, %select_n3A_1401 : vector<16xi32>
      %mul3A_1403 = arith.constant 200 : i32
      %mul3A_1404 = arith.muli %and3A_1316, %mul3A_1403 : i32
      %add3A_1405 = arith.constant 32 : i32
      %add3A_1406 = arith.addi %mul3A_1404, %add3A_1405 : i32
      %add3A_1407 = arith.constant 1 : i32
      %add3A_1408 = arith.addi %add3A_1406, %add3A_1407 : i32
      %get3A_1409 = arith.index_cast %add3A_1408 : i32 to index
      %get3A_1410 = tpu.vector_load %arg10[%get3A_1409] {strides = array<i32>} : memref<6416xi32, #tpu.memory_space<vmem>>, vector<16xi32>,
      %get3A_1411 = vector.shape_cast %get3A_1410 : vector<16xi32> to vector<16xi32>
      %eq3A_1412 = arith.constant 0 : i32
      %eq3A_1413 = vector.broadcast %eq3A_1412 : i32 to vector<16xi32>
      %eq3A_1414 = arith.cmpi eq, %get3A_1411, %eq3A_1413 : vector<16xi32>
      %jit3A_1415 = arith.constant 1 : i32
      %jit3A_1416 = arith.constant 0 : i32
      %broadcast_in_dim3A_1417 = vector.broadcast %jit3A_1415 : i32 to vector<16xi32>
      %broadcast_in_dim3A_1418 = vector.broadcast %jit3A_1416 : i32 to vector<16xi32>
      %select_n3A_1419 = arith.select %eq3A_1414, %broadcast_in_dim3A_1417, %broadcast_in_dim3A_1418 : vector<16xi1>, vector<16xi32>
      %add3A_1420 = arith.addi %add3A_1402, %select_n3A_1419 : vector<16xi32>
      %mul3A_1421 = arith.constant 200 : i32
      %mul3A_1422 = arith.muli %and3A_1316, %mul3A_1421 : i32
      %add3A_1423 = arith.constant 48 : i32
      %add3A_1424 = arith.addi %mul3A_1422, %add3A_1423 : i32
      %add3A_1425 = arith.constant 1 : i32
      %add3A_1426 = arith.addi %add3A_1424, %add3A_1425 : i32
      %get3A_1427 = arith.index_cast %add3A_1426 : i32 to index
      %get3A_1428 = tpu.vector_load %arg10[%get3A_1427] {strides = array<i32>} : memref<6416xi32, #tpu.memory_space<vmem>>, vector<16xi32>,
      %get3A_1429 = vector.shape_cast %get3A_1428 : vector<16xi32> to vector<16xi32>
      %eq3A_1430 = arith.constant 0 : i32
      %eq3A_1431 = vector.broadcast %eq3A_1430 : i32 to vector<16xi32>
      %eq3A_1432 = arith.cmpi eq, %get3A_1429, %eq3A_1431 : vector<16xi32>
      %jit3A_1433 = arith.constant 1 : i32
      %jit3A_1434 = arith.constant 0 : i32
      %broadcast_in_dim3A_1435 = vector.broadcast %jit3A_1433 : i32 to vector<16xi32>
      %broadcast_in_dim3A_1436 = vector.broadcast %jit3A_1434 : i32 to vector<16xi32>
      %select_n3A_1437 = arith.select %eq3A_1432, %broadcast_in_dim3A_1435, %broadcast_in_dim3A_1436 : vector<16xi1>, vector<16xi32>
      %add3A_1438 = arith.addi %add3A_1420, %select_n3A_1437 : vector<16xi32>
      %mul3A_1439 = arith.constant 200 : i32
      %mul3A_1440 = arith.muli %and3A_1316, %mul3A_1439 : i32
      %add3A_1441 = arith.constant 64 : i32
      %add3A_1442 = arith.addi %mul3A_1440, %add3A_1441 : i32
      %add3A_1443 = arith.constant 1 : i32
      %add3A_1444 = arith.addi %add3A_1442, %add3A_1443 : i32
      %get3A_1445 = arith.index_cast %add3A_1444 : i32 to index
      %get3A_1446 = tpu.vector_load %arg10[%get3A_1445] {strides = array<i32>} : memref<6416xi32, #tpu.memory_space<vmem>>, vector<16xi32>,
      %get3A_1447 = vector.shape_cast %get3A_1446 : vector<16xi32> to vector<16xi32>
      %eq3A_1448 = arith.constant 0 : i32
      %eq3A_1449 = vector.broadcast %eq3A_1448 : i32 to vector<16xi32>
      %eq3A_1450 = arith.cmpi eq, %get3A_1447, %eq3A_1449 : vector<16xi32>
      %jit3A_1451 = arith.constant 1 : i32
      %jit3A_1452 = arith.constant 0 : i32
      %broadcast_in_dim3A_1453 = vector.broadcast %jit3A_1451 : i32 to vector<16xi32>
      %broadcast_in_dim3A_1454 = vector.broadcast %jit3A_1452 : i32 to vector<16xi32>
      %select_n3A_1455 = arith.select %eq3A_1450, %broadcast_in_dim3A_1453, %broadcast_in_dim3A_1454 : vector<16xi1>, vector<16xi32>
      %add3A_1456 = arith.addi %add3A_1438, %select_n3A_1455 : vector<16xi32>
      %mul3A_1457 = arith.constant 200 : i32
      %mul3A_1458 = arith.muli %and3A_1316, %mul3A_1457 : i32
      %add3A_1459 = arith.constant 80 : i32
      %add3A_1460 = arith.addi %mul3A_1458, %add3A_1459 : i32
      %add3A_1461 = arith.constant 1 : i32
      %add3A_1462 = arith.addi %add3A_1460, %add3A_1461 : i32
      %get3A_1463 = arith.index_cast %add3A_1462 : i32 to index
      %get3A_1464 = tpu.vector_load %arg10[%get3A_1463] {strides = array<i32>} : memref<6416xi32, #tpu.memory_space<vmem>>, vector<16xi32>,
      %get3A_1465 = vector.shape_cast %get3A_1464 : vector<16xi32> to vector<16xi32>
      %eq3A_1466 = arith.constant 0 : i32
      %eq3A_1467 = vector.broadcast %eq3A_1466 : i32 to vector<16xi32>
      %eq3A_1468 = arith.cmpi eq, %get3A_1465, %eq3A_1467 : vector<16xi32>
      %jit3A_1469 = arith.constant 1 : i32
      %jit3A_1470 = arith.constant 0 : i32
      %broadcast_in_dim3A_1471 = vector.broadcast %jit3A_1469 : i32 to vector<16xi32>
      %broadcast_in_dim3A_1472 = vector.broadcast %jit3A_1470 : i32 to vector<16xi32>
      %select_n3A_1473 = arith.select %eq3A_1468, %broadcast_in_dim3A_1471, %broadcast_in_dim3A_1472 : vector<16xi1>, vector<16xi32>
      %add3A_1474 = arith.addi %add3A_1456, %select_n3A_1473 : vector<16xi32>
      %mul3A_1475 = arith.constant 200 : i32
      %mul3A_1476 = arith.muli %and3A_1316, %mul3A_1475 : i32
      %add3A_1477 = arith.constant 96 : i32
      %add3A_1478 = arith.addi %mul3A_1476, %add3A_1477 : i32
      %add3A_1479 = arith.constant 1 : i32
      %add3A_1480 = arith.addi %add3A_1478, %add3A_1479 : i32
      %get3A_1481 = arith.index_cast %add3A_1480 : i32 to index
      %get3A_1482 = tpu.vector_load %arg10[%get3A_1481] {strides = array<i32>} : memref<6416xi32, #tpu.memory_space<vmem>>, vector<16xi32>,
      %get3A_1483 = vector.shape_cast %get3A_1482 : vector<16xi32> to vector<16xi32>
      %eq3A_1484 = arith.constant 0 : i32
      %eq3A_1485 = vector.broadcast %eq3A_1484 : i32 to vector<16xi32>
      %eq3A_1486 = arith.cmpi eq, %get3A_1483, %eq3A_1485 : vector<16xi32>
      %jit3A_1487 = arith.constant 1 : i32
      %jit3A_1488 = arith.constant 0 : i32
      %broadcast_in_dim3A_1489 = vector.broadcast %jit3A_1487 : i32 to vector<16xi32>
      %broadcast_in_dim3A_1490 = vector.broadcast %jit3A_1488 : i32 to vector<16xi32>
      %select_n3A_1491 = arith.select %eq3A_1486, %broadcast_in_dim3A_1489, %broadcast_in_dim3A_1490 : vector<16xi1>, vector<16xi32>
      %add3A_1492 = arith.addi %add3A_1474, %select_n3A_1491 : vector<16xi32>
      %mul3A_1493 = arith.constant 200 : i32
      %mul3A_1494 = arith.muli %and3A_1316, %mul3A_1493 : i32
      %add3A_1495 = arith.constant 112 : i32
      %add3A_1496 = arith.addi %mul3A_1494, %add3A_1495 : i32
      %add3A_1497 = arith.constant 1 : i32
      %add3A_1498 = arith.addi %add3A_1496, %add3A_1497 : i32
      %get3A_1499 = arith.index_cast %add3A_1498 : i32 to index
      %get3A_1500 = tpu.vector_load %arg10[%get3A_1499] {strides = array<i32>} : memref<6416xi32, #tpu.memory_space<vmem>>, vector<16xi32>,
      %get3A_1501 = vector.shape_cast %get3A_1500 : vector<16xi32> to vector<16xi32>
      %eq3A_1502 = arith.constant 0 : i32
      %eq3A_1503 = vector.broadcast %eq3A_1502 : i32 to vector<16xi32>
      %eq3A_1504 = arith.cmpi eq, %get3A_1501, %eq3A_1503 : vector<16xi32>
      %jit3A_1505 = arith.constant 1 : i32
      %jit3A_1506 = arith.constant 0 : i32
      %broadcast_in_dim3A_1507 = vector.broadcast %jit3A_1505 : i32 to vector<16xi32>
      %broadcast_in_dim3A_1508 = vector.broadcast %jit3A_1506 : i32 to vector<16xi32>
      %select_n3A_1509 = arith.select %eq3A_1504, %broadcast_in_dim3A_1507, %broadcast_in_dim3A_1508 : vector<16xi1>, vector<16xi32>
      %add3A_1510 = arith.addi %add3A_1492, %select_n3A_1509 : vector<16xi32>
      %mul3A_1511 = arith.constant 200 : i32
      %mul3A_1512 = arith.muli %and3A_1316, %mul3A_1511 : i32
      %add3A_1513 = arith.constant 128 : i32
      %add3A_1514 = arith.addi %mul3A_1512, %add3A_1513 : i32
      %add3A_1515 = arith.constant 1 : i32
      %add3A_1516 = arith.addi %add3A_1514, %add3A_1515 : i32
      %get3A_1517 = arith.index_cast %add3A_1516 : i32 to index
      %get3A_1518 = tpu.vector_load %arg10[%get3A_1517] {strides = array<i32>} : memref<6416xi32, #tpu.memory_space<vmem>>, vector<16xi32>,
      %get3A_1519 = vector.shape_cast %get3A_1518 : vector<16xi32> to vector<16xi32>
      %eq3A_1520 = arith.constant 0 : i32
      %eq3A_1521 = vector.broadcast %eq3A_1520 : i32 to vector<16xi32>
      %eq3A_1522 = arith.cmpi eq, %get3A_1519, %eq3A_1521 : vector<16xi32>
      %jit3A_1523 = arith.constant 1 : i32
      %jit3A_1524 = arith.constant 0 : i32
      %broadcast_in_dim3A_1525 = vector.broadcast %jit3A_1523 : i32 to vector<16xi32>
      %broadcast_in_dim3A_1526 = vector.broadcast %jit3A_1524 : i32 to vector<16xi32>
      %select_n3A_1527 = arith.select %eq3A_1522, %broadcast_in_dim3A_1525, %broadcast_in_dim3A_1526 : vector<16xi1>, vector<16xi32>
      %add3A_1528 = arith.addi %add3A_1510, %select_n3A_1527 : vector<16xi32>
      %mul3A_1529 = arith.constant 200 : i32
      %mul3A_1530 = arith.muli %and3A_1316, %mul3A_1529 : i32
      %add3A_1531 = arith.constant 144 : i32
      %add3A_1532 = arith.addi %mul3A_1530, %add3A_1531 : i32
      %add3A_1533 = arith.constant 1 : i32
      %add3A_1534 = arith.addi %add3A_1532, %add3A_1533 : i32
      %get3A_1535 = arith.index_cast %add3A_1534 : i32 to index
      %get3A_1536 = tpu.vector_load %arg10[%get3A_1535] {strides = array<i32>} : memref<6416xi32, #tpu.memory_space<vmem>>, vector<16xi32>,
      %get3A_1537 = vector.shape_cast %get3A_1536 : vector<16xi32> to vector<16xi32>
      %eq3A_1538 = arith.constant 0 : i32
      %eq3A_1539 = vector.broadcast %eq3A_1538 : i32 to vector<16xi32>
      %eq3A_1540 = arith.cmpi eq, %get3A_1537, %eq3A_1539 : vector<16xi32>
      %jit3A_1541 = arith.constant 1 : i32
      %jit3A_1542 = arith.constant 0 : i32
      %broadcast_in_dim3A_1543 = vector.broadcast %jit3A_1541 : i32 to vector<16xi32>
      %broadcast_in_dim3A_1544 = vector.broadcast %jit3A_1542 : i32 to vector<16xi32>
      %select_n3A_1545 = arith.select %eq3A_1540, %broadcast_in_dim3A_1543, %broadcast_in_dim3A_1544 : vector<16xi1>, vector<16xi32>
      %add3A_1546 = arith.addi %add3A_1528, %select_n3A_1545 : vector<16xi32>
      %mul3A_1547 = arith.constant 200 : i32
      %mul3A_1548 = arith.muli %and3A_1316, %mul3A_1547 : i32
      %add3A_1549 = arith.constant 160 : i32
      %add3A_1550 = arith.addi %mul3A_1548, %add3A_1549 : i32
      %add3A_1551 = arith.constant 1 : i32
      %add3A_1552 = arith.addi %add3A_1550, %add3A_1551 : i32
      %get3A_1553 = arith.index_cast %add3A_1552 : i32 to index
      %get3A_1554 = tpu.vector_load %arg10[%get3A_1553] {strides = array<i32>} : memref<6416xi32, #tpu.memory_space<vmem>>, vector<16xi32>,
      %get3A_1555 = vector.shape_cast %get3A_1554 : vector<16xi32> to vector<16xi32>
      %eq3A_1556 = arith.constant 0 : i32
      %eq3A_1557 = vector.broadcast %eq3A_1556 : i32 to vector<16xi32>
      %eq3A_1558 = arith.cmpi eq, %get3A_1555, %eq3A_1557 : vector<16xi32>
      %jit3A_1559 = arith.constant 1 : i32
      %jit3A_1560 = arith.constant 0 : i32
      %broadcast_in_dim3A_1561 = vector.broadcast %jit3A_1559 : i32 to vector<16xi32>
      %broadcast_in_dim3A_1562 = vector.broadcast %jit3A_1560 : i32 to vector<16xi32>
      %select_n3A_1563 = arith.select %eq3A_1558, %broadcast_in_dim3A_1561, %broadcast_in_dim3A_1562 : vector<16xi1>, vector<16xi32>
      %add3A_1564 = arith.addi %add3A_1546, %select_n3A_1563 : vector<16xi32>
      %mul3A_1565 = arith.constant 200 : i32
      %mul3A_1566 = arith.muli %and3A_1316, %mul3A_1565 : i32
      %add3A_1567 = arith.constant 176 : i32
      %add3A_1568 = arith.addi %mul3A_1566, %add3A_1567 : i32
      %add3A_1569 = arith.constant 1 : i32
      %add3A_1570 = arith.addi %add3A_1568, %add3A_1569 : i32
      %get3A_1571 = arith.index_cast %add3A_1570 : i32 to index
      %get3A_1572 = tpu.vector_load %arg10[%get3A_1571] {strides = array<i32>} : memref<6416xi32, #tpu.memory_space<vmem>>, vector<16xi32>,
      %get3A_1573 = vector.shape_cast %get3A_1572 : vector<16xi32> to vector<16xi32>
      %eq3A_1574 = arith.constant 0 : i32
      %eq3A_1575 = vector.broadcast %eq3A_1574 : i32 to vector<16xi32>
      %eq3A_1576 = arith.cmpi eq, %get3A_1573, %eq3A_1575 : vector<16xi32>
      %jit3A_1577 = arith.constant 1 : i32
      %jit3A_1578 = arith.constant 0 : i32
      %broadcast_in_dim3A_1579 = vector.broadcast %jit3A_1577 : i32 to vector<16xi32>
      %broadcast_in_dim3A_1580 = vector.broadcast %jit3A_1578 : i32 to vector<16xi32>
      %select_n3A_1581 = arith.select %eq3A_1576, %broadcast_in_dim3A_1579, %broadcast_in_dim3A_1580 : vector<16xi1>, vector<16xi32>
      %add3A_1582 = arith.addi %add3A_1564, %select_n3A_1581 : vector<16xi32>
      %mul3A_1583 = arith.constant 200 : i32
      %mul3A_1584 = arith.muli %and3A_1316, %mul3A_1583 : i32
      %add3A_1585 = arith.constant 192 : i32
      %add3A_1586 = arith.addi %mul3A_1584, %add3A_1585 : i32
      %add3A_1587 = arith.constant 1 : i32
      %add3A_1588 = arith.addi %add3A_1586, %add3A_1587 : i32
      %get3A_1589 = arith.index_cast %add3A_1588 : i32 to index
      %get3A_1590 = tpu.vector_load %arg10[%get3A_1589] {strides = array<i32>} : memref<6416xi32, #tpu.memory_space<vmem>>, vector<16xi32>,
      %get3A_1591 = vector.shape_cast %get3A_1590 : vector<16xi32> to vector<16xi32>
      %eq3A_1592 = arith.constant 0 : i32
      %eq3A_1593 = vector.broadcast %eq3A_1592 : i32 to vector<16xi32>
      %eq3A_1594 = arith.cmpi eq, %get3A_1591, %eq3A_1593 : vector<16xi32>
      %lt3A_1595 = arith.constant 7 : i32
      %lt3A_1596 = vector.broadcast %lt3A_1595 : i32 to vector<16xi32>
      %lt3A_1597 = arith.cmpi slt, %iota3A, %lt3A_1596 : vector<16xi32>
      %and3A_1598 = arith.andi %eq3A_1594, %lt3A_1597 : vector<16xi1>
      %jit3A_1599 = arith.constant 1 : i32
      %jit3A_1600 = arith.constant 0 : i32
      %broadcast_in_dim3A_1601 = vector.broadcast %jit3A_1599 : i32 to vector<16xi32>
      %broadcast_in_dim3A_1602 = vector.broadcast %jit3A_1600 : i32 to vector<16xi32>
      %select_n3A_1603 = arith.select %and3A_1598, %broadcast_in_dim3A_1601, %broadcast_in_dim3A_1602 : vector<16xi1>, vector<16xi32>
      %add3A_1604 = arith.addi %add3A_1582, %select_n3A_1603 : vector<16xi32>
      %add3A_1605 = arith.constant 8 : i32
      %add3A_1606 = vector.broadcast %add3A_1605 : i32 to vector<16xi32>
      %add3A_1607 = arith.addi %iota3A, %add3A_1606 : vector<16xi32>
      %and3A_1608 = arith.constant 15 : i32
      %and3A_1609 = vector.broadcast %and3A_1608 : i32 to vector<16xi32>
      %and3A_1610 = arith.andi %add3A_1607, %and3A_1609 : vector<16xi32>
      %lt3A_1611 = arith.constant 0 : i32
      %lt3A_1612 = vector.broadcast %lt3A_1611 : i32 to vector<16xi32>
      %lt3A_1613 = arith.cmpi slt, %and3A_1610, %lt3A_1612 : vector<16xi32>
      %add3A_1614 = arith.constant 16 : i32
      %add3A_1615 = vector.broadcast %add3A_1614 : i32 to vector<16xi32>
      %add3A_1616 = arith.addi %and3A_1610, %add3A_1615 : vector<16xi32>
      %select_n3A_1617 = arith.select %lt3A_1613, %add3A_1616, %and3A_1610 : vector<16xi1>, vector<16xi32>
      %broadcast_in_dim3A_1618 = vector.shape_cast %select_n3A_1617 : vector<16xi32> to vector<16x1xi32>
      %gather3A_1619 = vector.shape_cast %broadcast_in_dim3A_1618 : vector<16x1xi32> to vector<16xi32>
      %gather3A_1620 = tpu.dynamic_gather %add3A_1604[%gather3A_1619] in [0] : vector<16xi32>, vector<16xi32> -> vector<16xi32>
      %add3A_1621 = arith.addi %add3A_1604, %gather3A_1620 : vector<16xi32>
      %add3A_1622 = arith.constant 4 : i32
      %add3A_1623 = vector.broadcast %add3A_1622 : i32 to vector<16xi32>
      %add3A_1624 = arith.addi %iota3A, %add3A_1623 : vector<16xi32>
      %and3A_1625 = arith.constant 15 : i32
      %and3A_1626 = vector.broadcast %and3A_1625 : i32 to vector<16xi32>
      %and3A_1627 = arith.andi %add3A_1624, %and3A_1626 : vector<16xi32>
      %lt3A_1628 = arith.constant 0 : i32
      %lt3A_1629 = vector.broadcast %lt3A_1628 : i32 to vector<16xi32>
      %lt3A_1630 = arith.cmpi slt, %and3A_1627, %lt3A_1629 : vector<16xi32>
      %add3A_1631 = arith.constant 16 : i32
      %add3A_1632 = vector.broadcast %add3A_1631 : i32 to vector<16xi32>
      %add3A_1633 = arith.addi %and3A_1627, %add3A_1632 : vector<16xi32>
      %select_n3A_1634 = arith.select %lt3A_1630, %add3A_1633, %and3A_1627 : vector<16xi1>, vector<16xi32>
      %broadcast_in_dim3A_1635 = vector.shape_cast %select_n3A_1634 : vector<16xi32> to vector<16x1xi32>
      %gather3A_1636 = vector.shape_cast %broadcast_in_dim3A_1635 : vector<16x1xi32> to vector<16xi32>
      %gather3A_1637 = tpu.dynamic_gather %add3A_1621[%gather3A_1636] in [0] : vector<16xi32>, vector<16xi32> -> vector<16xi32>
      %add3A_1638 = arith.addi %add3A_1621, %gather3A_1637 : vector<16xi32>
      %add3A_1639 = arith.constant 2 : i32
      %add3A_1640 = vector.broadcast %add3A_1639 : i32 to vector<16xi32>
      %add3A_1641 = arith.addi %iota3A, %add3A_1640 : vector<16xi32>
      %and3A_1642 = arith.constant 15 : i32
      %and3A_1643 = vector.broadcast %and3A_1642 : i32 to vector<16xi32>
      %and3A_1644 = arith.andi %add3A_1641, %and3A_1643 : vector<16xi32>
      %lt3A_1645 = arith.constant 0 : i32
      %lt3A_1646 = vector.broadcast %lt3A_1645 : i32 to vector<16xi32>
      %lt3A_1647 = arith.cmpi slt, %and3A_1644, %lt3A_1646 : vector<16xi32>
      %add3A_1648 = arith.constant 16 : i32
      %add3A_1649 = vector.broadcast %add3A_1648 : i32 to vector<16xi32>
      %add3A_1650 = arith.addi %and3A_1644, %add3A_1649 : vector<16xi32>
      %select_n3A_1651 = arith.select %lt3A_1647, %add3A_1650, %and3A_1644 : vector<16xi1>, vector<16xi32>
      %broadcast_in_dim3A_1652 = vector.shape_cast %select_n3A_1651 : vector<16xi32> to vector<16x1xi32>
      %gather3A_1653 = vector.shape_cast %broadcast_in_dim3A_1652 : vector<16x1xi32> to vector<16xi32>
      %gather3A_1654 = tpu.dynamic_gather %add3A_1638[%gather3A_1653] in [0] : vector<16xi32>, vector<16xi32> -> vector<16xi32>
      %add3A_1655 = arith.addi %add3A_1638, %gather3A_1654 : vector<16xi32>
      %add3A_1656 = arith.constant 1 : i32
      %add3A_1657 = vector.broadcast %add3A_1656 : i32 to vector<16xi32>
      %add3A_1658 = arith.addi %iota3A, %add3A_1657 : vector<16xi32>
      %and3A_1659 = arith.constant 15 : i32
      %and3A_1660 = vector.broadcast %and3A_1659 : i32 to vector<16xi32>
      %and3A_1661 = arith.andi %add3A_1658, %and3A_1660 : vector<16xi32>
      %lt3A_1662 = arith.constant 0 : i32
      %lt3A_1663 = vector.broadcast %lt3A_1662 : i32 to vector<16xi32>
      %lt3A_1664 = arith.cmpi slt, %and3A_1661, %lt3A_1663 : vector<16xi32>
      %add3A_1665 = arith.constant 16 : i32
      %add3A_1666 = vector.broadcast %add3A_1665 : i32 to vector<16xi32>
      %add3A_1667 = arith.addi %and3A_1661, %add3A_1666 : vector<16xi32>
      %select_n3A_1668 = arith.select %lt3A_1664, %add3A_1667, %and3A_1661 : vector<16xi1>, vector<16xi32>
      %broadcast_in_dim3A_1669 = vector.shape_cast %select_n3A_1668 : vector<16xi32> to vector<16x1xi32>
      %gather3A_1670 = vector.shape_cast %broadcast_in_dim3A_1669 : vector<16x1xi32> to vector<16xi32>
      %gather3A_1671 = tpu.dynamic_gather %add3A_1655[%gather3A_1670] in [0] : vector<16xi32>, vector<16xi32> -> vector<16xi32>
      %add3A_1672 = arith.addi %add3A_1655, %gather3A_1671 : vector<16xi32>
      %slice3A_1673 = vector.extract_strided_slice %add3A_1672 {offsets = [0], sizes = [1], strides = [1]} : vector<16xi32> to vector<1xi32>
      %squeeze3A_1674 = vector.extract %slice3A_1673[0] : i32 from vector<1xi32>
      %gt3A_1675 = arith.constant 0 : i32
      %gt3A_1676 = arith.cmpi sgt, %squeeze3A_1674, %gt3A_1675 : i32
      %convert_element_type3A_1677 = arith.extui %gt3A_1676 : i1 to i32
      %cond3A_1678 = arith.constant 0 : i32
      %cond3A_1679 = arith.cmpi ne, %convert_element_type3A_1677, %cond3A_1678 : i32
      scf.if %cond3A_1679 {
        %scan3A_1697 = arith.constant 0 : i32
        %scan3A_1698 = arith.constant 0 : i32
        %scan3A_1699 = arith.constant 199 : i32
        %scan3A_1700 = arith.addi %scan3A_1698, %scan3A_1699 : i32
        %scan3A_1701 = arith.constant 1 : i32
        %scan3A_1702 = scf.for %scan3A_1704 = %scan3A_1698 to %scan3A_1700 step %scan3A_1701 iter_args(%scan3A_1705 = %scan3A_1697) -> (i32)  : i32 {
          %mul3A_1706 = arith.constant 200 : i32
          %mul3A_1707 = arith.muli %and3A_1316, %mul3A_1706 : i32
          %add3A_1708 = arith.addi %mul3A_1707, %scan3A_1704 : i32
          %add3A_1709 = arith.constant 1 : i32
          %add3A_1710 = arith.addi %add3A_1708, %add3A_1709 : i32
          %get3A_1711 = arith.index_cast %add3A_1710 : i32 to index
          %get3A_1712 = tpu.vector_load %arg10[%get3A_1711] {strides = array<i32>} : memref<6416xi32, #tpu.memory_space<vmem>>, vector<16xi32>,
          %get3A_1713 = vector.shape_cast %get3A_1712 : vector<16xi32> to vector<16xi32>
          %slice3A_1714 = vector.extract_strided_slice %get3A_1713 {offsets = [0], sizes = [1], strides = [1]} : vector<16xi32> to vector<1xi32>
          %squeeze3A_1715 = vector.extract %slice3A_1714[0] : i32 from vector<1xi32>
          %eq3A_1716 = arith.constant 0 : i32
          %eq3A_1717 = arith.cmpi eq, %squeeze3A_1715, %eq3A_1716 : i32
          %convert_element_type3A_1718 = arith.extui %eq3A_1717 : i1 to i32
          %cond3A_1719 = arith.constant 0 : i32
          %cond3A_1720 = arith.cmpi ne, %convert_element_type3A_1718, %cond3A_1719 : i32
          scf.if %cond3A_1720 {
            %swap3A_1722 = arith.index_cast %scan3A_1704 : i32 to index
            %swap3A_1723 = arith.constant 0 : index
            %swap3A_1724 = tpu.vector_load %arg9[%swap3A_1722, %swap3A_1723] {strides = array<i32>} : memref<200x128xf32, #tpu.memory_space<vmem>>, vector<1x16xf32>,
            %swap3A_1725 = vector.shape_cast %swap3A_1724 : vector<1x16xf32> to vector<16xf32>
            %swap3A_1726 = vector.shape_cast %get3A_4 : vector<16xf32> to vector<1x16xf32>
            tpu.vector_store %arg9[%swap3A_1722, %swap3A_1723], %swap3A_1726 {strides = array<i32>} : memref<200x128xf32, #tpu.memory_space<vmem>>, vector<1x16xf32>,
            %swap3A_1727 = arith.index_cast %scan3A_1704 : i32 to index
            %swap3A_1728 = arith.constant 16 : index
            %swap3A_1729 = tpu.vector_load %arg9[%swap3A_1727, %swap3A_1728] {strides = array<i32>} : memref<200x128xf32, #tpu.memory_space<vmem>>, vector<1x16xf32>,
            %swap3A_1730 = vector.shape_cast %swap3A_1729 : vector<1x16xf32> to vector<16xf32>
            %swap3A_1731 = vector.shape_cast %get3A_7 : vector<16xf32> to vector<1x16xf32>
            tpu.vector_store %arg9[%swap3A_1727, %swap3A_1728], %swap3A_1731 {strides = array<i32>} : memref<200x128xf32, #tpu.memory_space<vmem>>, vector<1x16xf32>,
            %swap3A_1732 = arith.index_cast %scan3A_1704 : i32 to index
            %swap3A_1733 = arith.constant 32 : index
            %swap3A_1734 = tpu.vector_load %arg9[%swap3A_1732, %swap3A_1733] {strides = array<i32>} : memref<200x128xf32, #tpu.memory_space<vmem>>, vector<1x16xf32>,
            %swap3A_1735 = vector.shape_cast %swap3A_1734 : vector<1x16xf32> to vector<16xf32>
            %swap3A_1736 = vector.shape_cast %get3A_10 : vector<16xf32> to vector<1x16xf32>
            tpu.vector_store %arg9[%swap3A_1732, %swap3A_1733], %swap3A_1736 {strides = array<i32>} : memref<200x128xf32, #tpu.memory_space<vmem>>, vector<1x16xf32>,
            %swap3A_1737 = arith.index_cast %scan3A_1704 : i32 to index
            %swap3A_1738 = arith.constant 48 : index
            %swap3A_1739 = tpu.vector_load %arg9[%swap3A_1737, %swap3A_1738] {strides = array<i32>} : memref<200x128xf32, #tpu.memory_space<vmem>>, vector<1x16xf32>,
            %swap3A_1740 = vector.shape_cast %swap3A_1739 : vector<1x16xf32> to vector<16xf32>
            %swap3A_1741 = vector.shape_cast %get3A_13 : vector<16xf32> to vector<1x16xf32>
            tpu.vector_store %arg9[%swap3A_1737, %swap3A_1738], %swap3A_1741 {strides = array<i32>} : memref<200x128xf32, #tpu.memory_space<vmem>>, vector<1x16xf32>,
            %swap3A_1742 = arith.index_cast %scan3A_1704 : i32 to index
            %swap3A_1743 = arith.constant 64 : index
            %swap3A_1744 = tpu.vector_load %arg9[%swap3A_1742, %swap3A_1743] {strides = array<i32>} : memref<200x128xf32, #tpu.memory_space<vmem>>, vector<1x16xf32>,
            %swap3A_1745 = vector.shape_cast %swap3A_1744 : vector<1x16xf32> to vector<16xf32>
            %swap3A_1746 = vector.shape_cast %get3A_16 : vector<16xf32> to vector<1x16xf32>
            tpu.vector_store %arg9[%swap3A_1742, %swap3A_1743], %swap3A_1746 {strides = array<i32>} : memref<200x128xf32, #tpu.memory_space<vmem>>, vector<1x16xf32>,
            %swap3A_1747 = arith.index_cast %scan3A_1704 : i32 to index
            %swap3A_1748 = arith.constant 80 : index
            %swap3A_1749 = tpu.vector_load %arg9[%swap3A_1747, %swap3A_1748] {strides = array<i32>} : memref<200x128xf32, #tpu.memory_space<vmem>>, vector<1x16xf32>,
            %swap3A_1750 = vector.shape_cast %swap3A_1749 : vector<1x16xf32> to vector<16xf32>
            %swap3A_1751 = vector.shape_cast %get3A_19 : vector<16xf32> to vector<1x16xf32>
            tpu.vector_store %arg9[%swap3A_1747, %swap3A_1748], %swap3A_1751 {strides = array<i32>} : memref<200x128xf32, #tpu.memory_space<vmem>>, vector<1x16xf32>,
            %swap3A_1752 = arith.index_cast %scan3A_1704 : i32 to index
            %swap3A_1753 = arith.constant 96 : index
            %swap3A_1754 = tpu.vector_load %arg9[%swap3A_1752, %swap3A_1753] {strides = array<i32>} : memref<200x128xf32, #tpu.memory_space<vmem>>, vector<1x16xf32>,
            %swap3A_1755 = vector.shape_cast %swap3A_1754 : vector<1x16xf32> to vector<16xf32>
            %swap3A_1756 = vector.shape_cast %get3A_22 : vector<16xf32> to vector<1x16xf32>
            tpu.vector_store %arg9[%swap3A_1752, %swap3A_1753], %swap3A_1756 {strides = array<i32>} : memref<200x128xf32, #tpu.memory_space<vmem>>, vector<1x16xf32>,
            %swap3A_1757 = arith.index_cast %scan3A_1704 : i32 to index
            %swap3A_1758 = arith.constant 112 : index
            %swap3A_1759 = tpu.vector_load %arg9[%swap3A_1757, %swap3A_1758] {strides = array<i32>} : memref<200x128xf32, #tpu.memory_space<vmem>>, vector<1x16xf32>,
            %swap3A_1760 = vector.shape_cast %swap3A_1759 : vector<1x16xf32> to vector<16xf32>
            %swap3A_1761 = vector.shape_cast %get3A_25 : vector<16xf32> to vector<1x16xf32>
            tpu.vector_store %arg9[%swap3A_1757, %swap3A_1758], %swap3A_1761 {strides = array<i32>} : memref<200x128xf32, #tpu.memory_space<vmem>>, vector<1x16xf32>,
          } else {
          }
          %scan3A_1721 = arith.constant 0 : i32
          scf.yield %scan3A_1721 : i32
        }
        %scan3A_1703 = arith.constant 199 : i32
      } else {
      }
      %add3A_1680 = arith.addi %mul3A_2, %add3A_1305 : i32
      %dma_start3A_1681 = arith.constant 0 : i32
      %dma_start3A_1682 = arith.constant 0 : i32
      %dma_start3A_1683 = tpu.memref_slice %arg5[%add3A_1680, %dma_start3A_1681, %dma_start3A_1682] : memref<4096x200x128xf32, #tpu.memory_space<hbm>> -> memref<1x200x128xf32, #tpu.memory_space<hbm>>
      %dma_start3A_1684 = tpu.memref_squeeze %dma_start3A_1683 : memref<1x200x128xf32, #tpu.memory_space<hbm>> -> memref<200x128xf32, #tpu.memory_space<hbm>>
      %dma_start3A_1685 = arith.constant 0 : i32
      %dma_start3A_1686 = arith.constant 0 : i32
      %dma_start3A_1687 = tpu.memref_slice %arg5[%add3A_1680, %dma_start3A_1685, %dma_start3A_1686] : memref<4096x200x128xf32, #tpu.memory_space<hbm>> -> memref<1x200x128xf32, #tpu.memory_space<hbm>>
      %dma_start3A_1688 = tpu.memref_squeeze %dma_start3A_1687 : memref<1x200x128xf32, #tpu.memory_space<hbm>> -> memref<200x128xf32, #tpu.memory_space<hbm>>
      tpu.enqueue_dma source(%arg9 : memref<200x128xf32, #tpu.memory_space<vmem>>) target(%dma_start3A_1688 : memref<200x128xf32, #tpu.memory_space<hbm>>) target_semaphore(%arg19 : memref<!tpu.dma_semaphore, #tpu.memory_space<semaphore_mem>>)
      %add3A_1689 = arith.constant 4 : i32
      %add3A_1690 = arith.addi %add3A_1305, %add3A_1689 : i32
      %lt3A_1691 = arith.constant 128 : i32
      %lt3A_1692 = arith.cmpi slt, %add3A_1690, %lt3A_1691 : i32
      %convert_element_type3A_1693 = arith.extui %lt3A_1692 : i1 to i32
      %cond3A_1694 = arith.constant 0 : i32
      %cond3A_1695 = arith.cmpi ne, %convert_element_type3A_1693, %cond3A_1694 : i32
      scf.if %cond3A_1695 {
        %add3A_1697 = arith.addi %mul3A_2, %add3A_1305 : i32
        %dma_wait3A_1698 = arith.constant 0 : i32
        %dma_wait3A_1699 = arith.constant 0 : i32
        %dma_wait3A_1700 = tpu.memref_slice %arg5[%add3A_1697, %dma_wait3A_1698, %dma_wait3A_1699] : memref<4096x200x128xf32, #tpu.memory_space<hbm>> -> memref<1x200x128xf32, #tpu.memory_space<hbm>>
        %dma_wait3A_1701 = tpu.memref_squeeze %dma_wait3A_1700 : memref<1x200x128xf32, #tpu.memory_space<hbm>> -> memref<200x128xf32, #tpu.memory_space<hbm>>
        %dma_wait3A_1702 = arith.constant 0 : i32
        %dma_wait3A_1703 = arith.constant 0 : i32
        %dma_wait3A_1704 = tpu.memref_slice %arg5[%add3A_1697, %dma_wait3A_1702, %dma_wait3A_1703] : memref<4096x200x128xf32, #tpu.memory_space<hbm>> -> memref<1x200x128xf32, #tpu.memory_space<hbm>>
        %dma_wait3A_1705 = tpu.memref_squeeze %dma_wait3A_1704 : memref<1x200x128xf32, #tpu.memory_space<hbm>> -> memref<200x128xf32, #tpu.memory_space<hbm>>
        tpu.wait_dma2 semaphore(%arg19 : memref<!tpu.dma_semaphore, #tpu.memory_space<semaphore_mem>>) src(%arg9 : memref<200x128xf32, #tpu.memory_space<vmem>>) dst(%dma_wait3A_1705 : memref<200x128xf32, #tpu.memory_space<hbm>>)
        %add3A_1706 = arith.constant 4 : i32
        %add3A_1707 = arith.addi %add3A_1305, %add3A_1706 : i32
        %add3A_1708 = arith.addi %mul3A_2, %add3A_1707 : i32
        %dma_start3A_1709 = arith.constant 0 : i32
        %dma_start3A_1710 = arith.constant 0 : i32
        %dma_start3A_1711 = tpu.memref_slice %arg2[%add3A_1708, %dma_start3A_1709, %dma_start3A_1710] : memref<4096x200x128xf32, #tpu.memory_space<hbm>> -> memref<1x200x128xf32, #tpu.memory_space<hbm>>
        %dma_start3A_1712 = tpu.memref_squeeze %dma_start3A_1711 : memref<1x200x128xf32, #tpu.memory_space<hbm>> -> memref<200x128xf32, #tpu.memory_space<hbm>>
        %dma_start3A_1713 = arith.constant 0 : i32
        %dma_start3A_1714 = arith.constant 0 : i32
        %dma_start3A_1715 = tpu.memref_slice %arg2[%add3A_1708, %dma_start3A_1713, %dma_start3A_1714] : memref<4096x200x128xf32, #tpu.memory_space<hbm>> -> memref<1x200x128xf32, #tpu.memory_space<hbm>>
        %dma_start3A_1716 = tpu.memref_squeeze %dma_start3A_1715 : memref<1x200x128xf32, #tpu.memory_space<hbm>> -> memref<200x128xf32, #tpu.memory_space<hbm>>
        tpu.enqueue_dma source(%dma_start3A_1716 : memref<200x128xf32, #tpu.memory_space<hbm>>) target(%arg9 : memref<200x128xf32, #tpu.memory_space<vmem>>) target_semaphore(%arg15 : memref<!tpu.dma_semaphore, #tpu.memory_space<semaphore_mem>>)
      } else {
      }
      %scan3A_1696 = arith.constant 0 : i32
      scf.yield %scan3A_1696 : i32
    }
    %scan3A_89 = arith.constant 32 : i32
    %add3A_90 = arith.constant 124 : i32
    %add3A_91 = arith.addi %mul3A_2, %add3A_90 : i32
    %dma_wait3A_92 = arith.constant 0 : i32
    %dma_wait3A_93 = arith.constant 0 : i32
    %dma_wait3A_94 = tpu.memref_slice %arg5[%add3A_91, %dma_wait3A_92, %dma_wait3A_93] : memref<4096x200x128xf32, #tpu.memory_space<hbm>> -> memref<1x200x128xf32, #tpu.memory_space<hbm>>
    %dma_wait3A_95 = tpu.memref_squeeze %dma_wait3A_94 : memref<1x200x128xf32, #tpu.memory_space<hbm>> -> memref<200x128xf32, #tpu.memory_space<hbm>>
    %dma_wait3A_96 = arith.constant 0 : i32
    %dma_wait3A_97 = arith.constant 0 : i32
    %dma_wait3A_98 = tpu.memref_slice %arg5[%add3A_91, %dma_wait3A_96, %dma_wait3A_97] : memref<4096x200x128xf32, #tpu.memory_space<hbm>> -> memref<1x200x128xf32, #tpu.memory_space<hbm>>
    %dma_wait3A_99 = tpu.memref_squeeze %dma_wait3A_98 : memref<1x200x128xf32, #tpu.memory_space<hbm>> -> memref<200x128xf32, #tpu.memory_space<hbm>>
    tpu.wait_dma2 semaphore(%arg16 : memref<!tpu.dma_semaphore, #tpu.memory_space<semaphore_mem>>) src(%arg6 : memref<200x128xf32, #tpu.memory_space<vmem>>) dst(%dma_wait3A_99 : memref<200x128xf32, #tpu.memory_space<hbm>>)
    %add3A_100 = arith.constant 125 : i32
    %add3A_101 = arith.addi %mul3A_2, %add3A_100 : i32
    %dma_wait3A_102 = arith.constant 0 : i32
    %dma_wait3A_103 = arith.constant 0 : i32
    %dma_wait3A_104 = tpu.memref_slice %arg5[%add3A_101, %dma_wait3A_102, %dma_wait3A_103] : memref<4096x200x128xf32, #tpu.memory_space<hbm>> -> memref<1x200x128xf32, #tpu.memory_space<hbm>>
    %dma_wait3A_105 = tpu.memref_squeeze %dma_wait3A_104 : memref<1x200x128xf32, #tpu.memory_space<hbm>> -> memref<200x128xf32, #tpu.memory_space<hbm>>
    %dma_wait3A_106 = arith.constant 0 : i32
    %dma_wait3A_107 = arith.constant 0 : i32
    %dma_wait3A_108 = tpu.memref_slice %arg5[%add3A_101, %dma_wait3A_106, %dma_wait3A_107] : memref<4096x200x128xf32, #tpu.memory_space<hbm>> -> memref<1x200x128xf32, #tpu.memory_space<hbm>>
    %dma_wait3A_109 = tpu.memref_squeeze %dma_wait3A_108 : memref<1x200x128xf32, #tpu.memory_space<hbm>> -> memref<200x128xf32, #tpu.memory_space<hbm>>
    tpu.wait_dma2 semaphore(%arg17 : memref<!tpu.dma_semaphore, #tpu.memory_space<semaphore_mem>>) src(%arg7 : memref<200x128xf32, #tpu.memory_space<vmem>>) dst(%dma_wait3A_109 : memref<200x128xf32, #tpu.memory_space<hbm>>)
    %add3A_110 = arith.constant 126 : i32
    %add3A_111 = arith.addi %mul3A_2, %add3A_110 : i32
    %dma_wait3A_112 = arith.constant 0 : i32
    %dma_wait3A_113 = arith.constant 0 : i32
    %dma_wait3A_114 = tpu.memref_slice %arg5[%add3A_111, %dma_wait3A_112, %dma_wait3A_113] : memref<4096x200x128xf32, #tpu.memory_space<hbm>> -> memref<1x200x128xf32, #tpu.memory_space<hbm>>
    %dma_wait3A_115 = tpu.memref_squeeze %dma_wait3A_114 : memref<1x200x128xf32, #tpu.memory_space<hbm>> -> memref<200x128xf32, #tpu.memory_space<hbm>>
    %dma_wait3A_116 = arith.constant 0 : i32
    %dma_wait3A_117 = arith.constant 0 : i32
    %dma_wait3A_118 = tpu.memref_slice %arg5[%add3A_111, %dma_wait3A_116, %dma_wait3A_117] : memref<4096x200x128xf32, #tpu.memory_space<hbm>> -> memref<1x200x128xf32, #tpu.memory_space<hbm>>
    %dma_wait3A_119 = tpu.memref_squeeze %dma_wait3A_118 : memref<1x200x128xf32, #tpu.memory_space<hbm>> -> memref<200x128xf32, #tpu.memory_space<hbm>>
    tpu.wait_dma2 semaphore(%arg18 : memref<!tpu.dma_semaphore, #tpu.memory_space<semaphore_mem>>) src(%arg8 : memref<200x128xf32, #tpu.memory_space<vmem>>) dst(%dma_wait3A_119 : memref<200x128xf32, #tpu.memory_space<hbm>>)
    %add3A_120 = arith.constant 127 : i32
    %add3A_121 = arith.addi %mul3A_2, %add3A_120 : i32
    %dma_wait3A_122 = arith.constant 0 : i32
    %dma_wait3A_123 = arith.constant 0 : i32
    %dma_wait3A_124 = tpu.memref_slice %arg5[%add3A_121, %dma_wait3A_122, %dma_wait3A_123] : memref<4096x200x128xf32, #tpu.memory_space<hbm>> -> memref<1x200x128xf32, #tpu.memory_space<hbm>>
    %dma_wait3A_125 = tpu.memref_squeeze %dma_wait3A_124 : memref<1x200x128xf32, #tpu.memory_space<hbm>> -> memref<200x128xf32, #tpu.memory_space<hbm>>
    %dma_wait3A_126 = arith.constant 0 : i32
    %dma_wait3A_127 = arith.constant 0 : i32
    %dma_wait3A_128 = tpu.memref_slice %arg5[%add3A_121, %dma_wait3A_126, %dma_wait3A_127] : memref<4096x200x128xf32, #tpu.memory_space<hbm>> -> memref<1x200x128xf32, #tpu.memory_space<hbm>>
    %dma_wait3A_129 = tpu.memref_squeeze %dma_wait3A_128 : memref<1x200x128xf32, #tpu.memory_space<hbm>> -> memref<200x128xf32, #tpu.memory_space<hbm>>
    tpu.wait_dma2 semaphore(%arg19 : memref<!tpu.dma_semaphore, #tpu.memory_space<semaphore_mem>>) src(%arg9 : memref<200x128xf32, #tpu.memory_space<vmem>>) dst(%dma_wait3A_129 : memref<200x128xf32, #tpu.memory_space<hbm>>)
    return
  }
}

module attributes {stable_mosaic.version = 14 : i64} {
  func.func @_tc_body(%arg0: memref<4096x200xi32, #tpu.memory_space<vmem>>, %arg1: memref<4096x200xi32, #tpu.memory_space<vmem>>, %arg2: memref<4096x200xi32, #tpu.memory_space<vmem>>) attributes {dimension_semantics = [], scalar_prefetch = 0 : i64, scratch_operands = 0 : i64, tpu.core_type = #tpu.core_type<tc>} {
    %get3A = arith.constant 0 : index
    %get3A_0 = arith.constant 0 : index
    %get3A_1 = vector.load %arg0[%get3A, %get3A_0] : memref<4096x200xi32, #tpu.memory_space<vmem>>, vector<4096x200xi32>
    %iota3A = tpu.iota {dimensions = array<i32: 1>} : vector<4096x200xi32>
    %eq3A = arith.constant 199 : i32
    %eq3A_2 = vector.broadcast %eq3A : i32 to vector<4096x200xi32>
    %eq3A_3 = arith.cmpi eq, %iota3A, %eq3A_2 : vector<4096x200xi32>
    %slice3A = vector.extract_strided_slice %get3A_1 {offsets = [0, 1], sizes = [4096, 199], strides = [1, 1]} : vector<4096x200xi32> to vector<4096x199xi32>
    %slice3A_4 = vector.extract_strided_slice %get3A_1 {offsets = [0, 0], sizes = [4096, 1], strides = [1, 1]} : vector<4096x200xi32> to vector<4096x1xi32>
    %concatenate3A = tpu.concatenate %slice3A, %slice3A_4 in 1 : vector<4096x199xi32>, vector<4096x1xi32> -> vector<4096x200xi32>
    %jit3A = arith.constant 0 : i32
    %broadcast_in_dim3A = vector.broadcast %jit3A : i32 to vector<4096x200xi32>
    %select_n3A = arith.select %eq3A_3, %broadcast_in_dim3A, %concatenate3A : vector<4096x200xi1>, vector<4096x200xi32>
    %swap3A = arith.constant 0 : index
    %swap3A_5 = arith.constant 0 : index
    %swap3A_6 = vector.load %arg1[%swap3A, %swap3A_5] : memref<4096x200xi32, #tpu.memory_space<vmem>>, vector<4096x200xi32>
    tpu.vector_store %arg1[%swap3A, %swap3A_5], %select_n3A {strides = array<i32>} : memref<4096x200xi32, #tpu.memory_space<vmem>>, vector<4096x200xi32>,
    %ne3A = arith.constant 0 : i32
    %ne3A_7 = vector.broadcast %ne3A : i32 to vector<4096x200xi32>
    %ne3A_8 = arith.cmpi ne, %select_n3A, %ne3A_7 : vector<4096x200xi32>
    %swap3A_9 = arith.constant 0 : index
    %swap3A_10 = arith.constant 0 : index
    %swap3A_11 = vector.load %arg2[%swap3A_9, %swap3A_10] : memref<4096x200xi32, #tpu.memory_space<vmem>>, vector<4096x200xi32>
    %swap3A_12 = arith.extui %ne3A_8 : vector<4096x200xi1> to vector<4096x200xi32>
    %swap3A_13 = arith.constant dense<0> : vector<4096x200xi32>
    %swap3A_14 = arith.cmpi ne, %swap3A_11, %swap3A_13 : vector<4096x200xi32>
    tpu.vector_store %arg2[%swap3A_9, %swap3A_10], %swap3A_12 {strides = array<i32>} : memref<4096x200xi32, #tpu.memory_space<vmem>>, vector<4096x200xi32>,
    return
  }
}

</mosaic_0001>

<sc_bundles>
// kernel: kernel.4.cloned.1.call-start
scs
__scs_entry_jumppad:
0x0: {  	(pc) =	sbr.rel $0x88, $3  }
0x1: {  	(tag) =	ssettag $0x0;
	lr =	simm.s32 $0x1  }
0x2: {  	[smem:$0x3F9E] =	sst lr;
	_ =	strace $0xD0000000  }
0x3: {  	_ = 	snop  }
0x4: {  	_ = 	snop  }
0x5: {  	_ = 	snop  }
0x6: {  	_ = 	snop  }
0x7: {  	_ = 	snop  }
__scs_overlays_trampoline_lowered:
0x8: {  	[smem:$0x3FAD] =	sst s0  }
0x9: {  	[smem:$0x3FAE] =	sst s1  }
0xa: {  	[smem:$0x3FAF] =	sst s2  }
0xb: {  	[smem:$0x3FB0] =	sst s3  }
0xc: {  	[smem:$0x3FB1] =	sst s4  }
0xd: {  	[smem:$0x3FB2] =	sst s5  }
0xe: {  	[smem:$0x3FB3] =	sst s6  }
0xf: {  	[smem:$0x3FB4] =	sst s7  }
0x10: {  	[smem:$0x3FB5] =	sst s8  }
0x11: {  	[smem:$0x3FB6] =	sst s9;
	s0 =	simm.s32 @!p0 $0x0  }
0x12: {  	s1 =	sld [smem:$0x3F9C];
	s0 =	simm.s32 @p0 $0x1  }
0x13: {  	[smem:$0x3FB7] =	sst s0;
	s0 =	simm.s32 @!p1 $0x0  }
0x14: {  	s2 =	sld [smem:$0x3F9B];
	s0 =	simm.s32 @p1 $0x1  }
0x15: {  	[smem:$0x3FB8] =	sst s0;
	s0 =	simm.s32 @!p2 $0x0  }
0x16: {  	s3 =	sld [smem:$0x3FDB];
	s0 =	simm.s32 @p2 $0x1  }
0x17: {  	s4 =	simm.s32 $0x1BF5;
	[smem:$0x3FBA] =	sst s0  }
0x18: {  	s0 =	sld [smem:$0x3F9D];
	_ =	swait.ge [sflag:s4], $0x0  }
0x19: {  	s7 =	sld [smem:$0x3F9E]  }
0x1a: {  	s8 =	sadd.s32 $0xFFFFE003, lr  }
0x1b: {  	s9 =	sadd.s32 $0xFFFFFEF7, lr;
	s5 =	simm.s32 $0xFFFFFFFF;
	p2 =	slt.u32 s8, $0xFFFFF086  }
0x1c: {  	p1 =	slt.u32 s9, $0xF7A;
	s5 =	simm.s32 @!p2 $0x0  }
0x1d: {  	s5 =	simm.s32 @p1 $0x1;
	p0 =	seq.s32 s7, s2  }
0x1e: {  	s7 =	smul.u32 @!p0 $0xF7A, s2;
	p2 =	seq.s32 @!p0 s5, $0x0  }
0x1f: {  	s9 =	smul.u32 $0xF7A, s1;
	s8 =	simm.s32 @!p0 $0x1BF5;
	p2 =	por !p2, p0  }
0x20: {  	[sflag:s8] =	ssyncset.s32 @!p0 $0xFFFFF086;
	s6 =	sadd.s32 @!p0 s3, s7;
	s7 =	simm.s32 @!p0 $0x108  }
0x21: {  	s3 =	sadd.s32 s3, s9;
	s6 =	sadd.s32 @!p0 $0x88, s6;
	s7 =	simm.s32 @p2 $0x1082  }
0x22: {  	[simem:s7], [sflag:s8] =	dma.local @!p0 [hbm:s6], $0xF7A  }
0x23: {  	s9 =	sor.u32 $0xD0000000, s2;
	s6 =	simm.s32 $0x108;
	_ =	swait.ge @!p0 [sflag:s8], $0x0  }
0x24: {  	s3 =	sadd.s32 $0x88, s3;
	s6 =	simm.s32 @!p1 $0x1082;
	[sflag:s4] =	ssyncset.s32 $0xFFFFF086  }
0x25: {  	[simem:s6], [sflag:s4] =	dma.local [hbm:s3], $0xF7A  }
0x26: {  	[smem:$0x3F9E] =	sst s1;
	(tag) =	ssettag s2;
	_ =	strace s9  }
0x27: {  	s1 =	sld [smem:$0x3FAE]  }
0x28: {  	s2 =	sld [smem:$0x3FAF]  }
0x29: {  	s4 =	sld [smem:$0x3FB1]  }
0x2a: {  	p0 =	seq.s32 s5, $0x0;
	s5 =	sld [smem:$0x3FB2]  }
0x2b: {  	s6 =	sld [smem:$0x3FB3]  }
0x2c: {  	s7 =	sld [smem:$0x3FB4]  }
0x2d: {  	s3 =	simm.s32 $0x108;
	s8 =	sld [smem:$0x3FB5]  }
0x2e: {  	s3 =	simm.s32 @!p0 $0x1082;
	s9 =	sld [smem:$0x3FB6]  }
0x2f: {  	lr =	sadd.s32 s0, s3;
	s0 =	sld [smem:$0x3FAD]  }
0x30: {  	s3 =	sld [smem:$0x3FB0]  }
0x31: {  	[smem:$0x3FB9] =	sst s10  }
0x32: {  	s10 =	sld [smem:$0x3FB7];
	_ =	sdelay $0x3  }
0x33: {  	p0 =	seq.s32 s10, $0x1;
	s10 =	sld [smem:$0x3FB9];
	_ =	sdelay $0x3  }
0x34: {  	[smem:$0x3FB9] =	sst s10  }
0x35: {  	s10 =	sld [smem:$0x3FB8];
	_ =	sdelay $0x3  }
0x36: {  	p1 =	seq.s32 s10, $0x1;
	s10 =	sld [smem:$0x3FB9];
	_ =	sdelay $0x3  }
0x37: {  	[smem:$0x3FB9] =	sst s10  }
0x38: {  	s10 =	sld [smem:$0x3FBA]  }
0x39: {  	_ = 	snop;
	(pc) =	sbr.ind lr, $3  }
0x3a: {  	_ = 	snop  }
0x3b: {  	_ = 	snop  }
0x3c: {  	p2 =	seq.s32 s10, $0x1;
	s10 =	sld [smem:$0x3FB9]  }
0x3d: {  	_ =	shalt  }
0x3e: {  	_ =	shalt  }
0x3f: {  	_ =	shalt  }
0x40: {  	_ =	shalt  }
0x41: {  	_ =	shalt  }
0x42: {  	_ =	shalt  }
0x43: {  	_ =	shalt  }
0x44: {  	_ =	shalt  }
0x45: {  	_ =	shalt  }
0x46: {  	_ =	shalt  }
0x47: {  	_ =	shalt  }
0x48: {  	_ =	shalt  }
0x49: {  	_ =	shalt  }
0x4a: {  	_ =	shalt  }
0x4b: {  	_ =	shalt  }
0x4c: {  	_ =	shalt  }
0x4d: {  	_ =	shalt  }
0x4e: {  	_ =	shalt  }
0x4f: {  	_ =	shalt  }
0x50: {  	_ =	shalt  }
0x51: {  	_ =	shalt  }
0x52: {  	_ =	shalt  }
0x53: {  	_ =	shalt  }
0x54: {  	_ =	shalt  }
0x55: {  	_ =	shalt  }
0x56: {  	_ =	shalt  }
0x57: {  	_ =	shalt  }
0x58: {  	_ =	shalt  }
0x59: {  	_ =	shalt  }
0x5a: {  	_ =	shalt  }
0x5b: {  	_ =	shalt  }
0x5c: {  	_ =	shalt  }
0x5d: {  	_ =	shalt  }
0x5e: {  	_ =	shalt  }
0x5f: {  	_ =	shalt  }
0x60: {  	_ =	shalt  }
0x61: {  	_ =	shalt  }
0x62: {  	_ =	shalt  }
0x63: {  	_ =	shalt  }
0x64: {  	_ =	shalt  }
0x65: {  	_ =	shalt  }
0x66: {  	_ =	shalt  }
0x67: {  	_ =	shalt  }
0x68: {  	_ =	shalt  }
0x69: {  	_ =	shalt  }
0x6a: {  	_ =	shalt  }
0x6b: {  	_ =	shalt  }
0x6c: {  	_ =	shalt  }
0x6d: {  	_ =	shalt  }
0x6e: {  	_ =	shalt  }
0x6f: {  	_ =	shalt  }
0x70: {  	_ =	shalt  }
0x71: {  	_ =	shalt  }
0x72: {  	_ =	shalt  }
0x73: {  	_ =	shalt  }
0x74: {  	_ =	shalt  }
0x75: {  	_ =	shalt  }
0x76: {  	_ =	shalt  }
0x77: {  	_ =	shalt  }
0x78: {  	_ =	shalt  }
0x79: {  	_ =	shalt  }
0x7a: {  	_ =	shalt  }
0x7b: {  	_ =	shalt  }
0x7c: {  	_ =	shalt  }
0x7d: {  	_ =	shalt  }
0x7e: {  	_ =	shalt  }
0x7f: {  	_ =	shalt  }
0x80: {  	_ =	shalt  }
0x81: {  	_ =	shalt  }
0x82: {  	_ =	shalt  }
0x83: {  	_ =	shalt  }
0x84: {  	_ =	shalt  }
0x85: {  	_ =	shalt  }
0x86: {  	_ =	shalt  }
0x87: {  	_ =	shalt  }
.Lfunc_end0:
.L_simem_size_0:
called_computation_lowered:
.L_overlay_start_0:
0x88: {  	s2 =	sld [smem:$0x3FD9]  }
0x89: {  	s3 =	sld [smem:$0x3FFE];
	_ =	sdelay $0x1  }
0x8a: {  	s1 =	srdreg.scid  }
0x8b: {  	s0 =	sand.u32 $0x1, s1  }
0x8c: {  	s14 =	sshll.u32 s0, $0xA;
	s2 =	sadd.s32 s3, s2  }
0x8d: {  	s2 =	sadd.s32 s2, s14  }
0x8e: {  	[smem:$0x3FC5] =	sst s2  }
0x8f: {  	_ = 	snop  }
0x90: {  	s2 =	sld [smem:$0x3FD0];
	_ =	sdelay $0x1  }
0x91: {  	s15 =	sld [smem:$0x3FC9]  }
0x92: {  	s5 =	simm.s32 $0xA;
	s6 =	simm.s32 $0x10;
	s4 =	sld [smem:$0x3FC7]  }
0x93: {  	[smem:s6], [sflag:s5] =	dma.local [hbm:s2], $0x1  }
0x94: {  	_ =	swait.eq [sflag:s5], $0x1  }
0x95: {  	[sflag:s5] =	ssyncset.done $0x0  }
0x96: {  	[sflag:s5] =	ssyncadd.s32 $0xFFFFFFFF  }
0x97: {  	s16 =	sld [smem:$0x10];
	(tm) =	ssettm $0x1  }
0x98: {  	s17 =	sld [smem:$0x3FFB];
	_ =	sdelay $0x3  }
0x99: {  	_ =	strace s17  }
0x9a: {  	s5 =	sld [smem:$0x3FFC];
	_ =	sdelay $0x3  }
0x9b: {  	_ =	strace s5  }
0x9c: {  	s5 =	sld [smem:$0x3FFD];
	_ =	sdelay $0x3  }
0x9d: {  	_ =	strace s5  }
0x9e: {  	_ =	strace $0x8FFFFFFF  }
0x9f: {  	s18 =	sld [smem:$0x3FDB];
	_ =	sdelay $0x1  }
0xa0: {  	s19 =	simm.s32 $_scs_section_size  }
0xa1: {  	s7 =	simm.s32 $_size__tile_overlayer_lowered;
	s8 =	simm.s32 $_tile_overlayer_lowered  }
0xa2: {  	s22 =	simm.s32 $0x1BFF;
	s21 =	sshll.u32 s8, $0x1;
	s5 =	sadd.s32 s19, s18  }
0xa3: {  	s9 =	simm.s32 $0x0;
	s20 =	sshll.u32 s7, $0x1;
	s7 =	sadd.s32 s21, s5  }
0xa4: {  	[timem:s9], [sflag:s22] =	dma.local [hbm:s7], s20  }
0xa5: {  	_ =	swait.ge [sflag:s22], s20  }
0xa6: {  	s6 =	ssub.s32 $0x0, s20;
	[sflag:s22] =	ssyncset.done $0x0  }
0xa7: {  	[sflag:s22] =	ssyncadd.s32 s6;
	_ =	sdelay $0x1  }
0xa8: {  	s23 =	simm.s32 $0x1B8B  }
0xa9: {  	_ =	swait.ge [sflag:s23], $0x1  }
0xaa: {  	[sflag:s23] =	ssyncset.done $0x0  }
0xab: {  	s25 =	simm.s32 $0x1B8E;
	s24 =	sld [smem:$0x3FFE];
	[sflag:s23] =	ssyncadd.s32 $0xFFFFFFFF  }
0xac: {  	s26 =	simm.s32 $execute0_lowered;
	[smem:$0x3FD2] =	sst s25  }
0xad: {  	s7 =	sshll.u32 s26, $0x1;
	_ =	strace $0x80000046;
	[dreg:$0x1] =	wrdreg $0xFFFFFFFF  }
0xae: {  	s28 =	simm.s32 $_size_execute0_lowered;
	s5 =	sadd.s32 s5, s7;
	[dreg:$0x0] =	wrdreg $0x0  }
0xaf: {  	s7 =	sshll.u32 s28, $0x1;
	[dreg:$0x2] =	wrdreg s5  }
0xb0: {  	[dreg:$0x3] =	wrdreg s7  }
0xb1: {  	[dreg:$0x4] =	wrdreg $0xC0  }
0xb2: {  	_ =	task [dreg:s9], $0x5FFFF  }
0xb3: {  	[dreg:$0x1] =	wrdreg $0xFFFFFFFF  }
0xb4: {  	[dreg:$0x0] =	wrdreg $0x60  }
0xb5: {  	[dreg:$0x2] =	wrdreg s15  }
0xb6: {  	[dreg:$0x3] =	wrdreg s24  }
0xb7: {  	[dreg:$0x4] =	wrdreg s4  }
0xb8: {  	[dreg:$0x5] =	wrdreg s16  }
0xb9: {  	[dreg:$0x6] =	wrdreg $0x9  }
0xba: {  	_ =	task.clear_ibuf [dreg:s9], $0x7FFFF;
	_ =	strace $0x90000046  }
0xbb: {  	s29 =	simm.s32 $0x9;
	_ =	strace $0x80000048  }
0xbc: {  	_ =	swait.ge [sflag:s29], $0x1  }
0xbd: {  	[sflag:s29] =	ssyncadd.s32 $0xFFFFFFFF  }
0xbe: {  	_ =	strace $0x90000048  }
0xbf: {  	_ =	sfence  }
0xc0: {  	s30 =	sld [smem:$0x0];
	_ =	sdelay $0x2  }
0xc1: {  	s31 =	sshll.u32 s1, $0xD;
	s1 =	sshrl.u32 s1, $0x2  }
0xc2: {  	s3 =	sand.u32 $0x4000, s31;
	s1 =	sadd.s32 s1, s30  }
0xc3: {  	s0 =	sor.u32 s3, s0;
	s1 =	sshll.u32 s1, $0x11  }
0xc4: {  	s0 =	sor.u32 s1, s0  }
0xc5: {  	s0 =	sadd.s32 $0x8F2B, s0  }
0xc6: {  	[sflag:s0] =	ssyncadd.remote.s32 $0x1  }
0xc7: {  	_ =	sfence.sel $0xFFFF  }
0xc8: {  	[dreg:$0x0] =	wrdreg $0xFFFFFFFF;
	(pc) =	sbr.abs _section_cstart, $3  }
0xc9: {  	[dreg:$0x1] =	wrdreg $0xFFFFFFFF  }
0xca: {  	_ =	task.clear_ibuf [dreg:s9], $0x2FFFF;
	_ =	strace $0x9FFFFFFF  }
0xcb: {  	(tm) =	ssettm $0x7FFFFFFF  }
tec
execute0_lowered:
.L_overlay_start_1:
0x0: {  	(tag) =	ssettag $0x1  }
0x1: {  	s1 =	rddreg [dreg:$0x0]  }
0x2: {  	s0 =	rddreg [dreg:$0x1]  }
0x3: {  	s2 =	srdreg.scid;
	s3 =	stileid.u32  }
0x4: {  	s4 =	rddreg [dreg:$0x3];
	s5 =	simm.s32 $0x0;
	s19 =	simm.s32 $0x9  }
0x5: {  	s20 =	simm.s32 $0x6400;
	s21 =	simm.s32 $0xC800;
	s22 =	simm.s32 $0x12C00  }
0x6: {  	v0 =	vimm.s32 $0xFEDCBA98;
	v1 =	vimm.s32 $0x76543210;
	s28 =	simm.s32 $0x4;
	s2 =	sand.u32 $0x1, s2;
	s3 =	sshll.u32 s3, $0x1  }
0x7: {  	v2 =	vimm.s32 $0x3210FEDC;
	v3 =	vimm.s32 $0xBA987654;
	s31 =	simm.s32 $0x7;
	[smem:$0x7FF] =	sst s5;
	s3 =	sor.u32 s2, s3  }
0x8: {  	v4 =	vimm.s32 $0x10FEDCBA;
	v5 =	vimm.s32 $0x98765432;
	s6 =	sadd.s32 $0x20A00, s0;
	s2 =	ssub.s32 $0x2, s2;
	s7 =	smul.u32 $0x64000, s3  }
0x9: {  	v6 =	vimm.s32 $0xFEDCBA9;
	_ =	strace $0x80000047;
	s24 =	sshrl.u32 s2, $0x1;
	s26 =	smul.u32 $0xC80, s3  }
0xa: {  	v7 =	vimm.s32 $0x87654321;
	v0 =	vunpack.c.l.s4.s8 v0;
	v1 =	vunpack.c.l.s4.s8 v1;
	s9 =	sshll.u32 s3, $0x7;
	s3 =	simm.s32 $0x8;
	s0 =	ssub.s32 s2, s24  }
0xb: {  	v2 =	vunpack.c.l.s4.s8 v2;
	v3 =	vunpack.c.l.s4.s8 v3;
	v4 =	vunpack.c.l.s4.s8 v4;
	s13 =	sor.u32 $0x4, s9;
	s14 =	sor.u32 $0x5, s9;
	s7 =	sadd.s32 s1, s7  }
0xc: {  	v5 =	vunpack.c.l.s4.s8 v5;
	v6 =	vunpack.c.l.s4.s8 v6;
	v7 =	vunpack.c.l.s4.s8 v7;
	s15 =	sor.u32 $0x6, s9;
	s2 =	sadd.s32 s6, s26;
	[dreg:$0x5] =	wrdreg s7  }
.Ltmp0:
0xd: {  	v0 =	vunpack.c.0.s8.s32 v0;
	v1 =	vunpack.c.0.s8.s32 v1;
	v2 =	vunpack.c.0.s8.s32 v2;
	s0 =	smax.u32 s0, $0x1;
	[dreg:$0x9] =	wrdreg s2;
	(pc) =	sbr.rel .LBB2_1-.Ltmp0, $4  }
0xe: {  	v3 =	vunpack.c.0.s8.s32 v3;
	v4 =	vunpack.c.0.s8.s32 v4;
	v5 =	vunpack.c.0.s8.s32 v5;
	s16 =	sor.u32 $0x7, s9;
	s25 =	sadd.s32 $0xC80, s7;
	[dreg:$0xa] =	wrdreg s0  }
0xf: {  	v6 =	vunpack.c.0.s8.s32 v6;
	v7 =	vunpack.c.0.s8.s32 v7;
	s24 =	simm.s32 $0x1;
	v0 =	vand.u32 $0xF, v0;
	s29 =	sadd.s32 $0x1900, s7;
	[dreg:$0x6] =	wrdreg s25  }
0x10: {  	vm0 =	vmmov $0x7f;
	s26 =	simm.s32 $0x3;
	s30 =	sadd.s32 $0x2580, s7;
	v0 =	vcombine.low v0, v1;
	v1 =	vcombine.low v3, v2;
	[dreg:$0x7] =	wrdreg s29  }
0x11: {  	v2 =	vcombine.low v5, v4;
	v3 =	vimm.s32 $0x0;
	v4 =	vcombine.low v7, v6;
	s0 =	simm.s32 $0x0;
	[dreg:$0x8] =	wrdreg s30;
	s25 =	simm.s32 $0x2  }
.LBB2_20:
0x12: {  	s2 =	simm.s32 $0x5  }
0x13: {  	_ =	swait.ge [sflag:s2], $0x6400  }
0x14: {  	[sflag:s2] =	ssyncset.done $0x0  }
0x15: {  	s29 =	simm.s32 $0x6;
	[sflag:s2] =	ssyncadd.s32 $0xFFFF9C00  }
0x16: {  	_ =	swait.ge [sflag:s29], $0x6400  }
0x17: {  	[sflag:s29] =	ssyncset.done $0x0  }
0x18: {  	[sflag:s29] =	ssyncadd.s32 $0xFFFF9C00  }
0x19: {  	_ =	swait.ge [sflag:s31], $0x6400  }
0x1a: {  	[sflag:s31] =	ssyncset.done $0x0  }
0x1b: {  	[sflag:s31] =	ssyncadd.s32 $0xFFFF9C00  }
0x1c: {  	_ =	swait.ge [sflag:s3], $0x6400  }
0x1d: {  	s0 =	sadd.s32 $0x1, s0;
	s30 =	rddreg [dreg:$0xa]  }
0x1e: {  	p0 =	sne.s32 s0, s30  }
.Ltmp1:
0x1f: {  	_ = 	snop;
	(pc) =	sbr.rel @!p0 .LBB2_21-.Ltmp1, $3  }
0x20: {  	_ =	sdelay $0x1  }
0x21: {  	[sflag:s3] =	ssyncset.done $0x0  }
0x22: {  	[sflag:s3] =	ssyncadd.s32 $0xFFFF9C00  }
.LBB2_1:
0x23: {  	s2 =	rddreg [dreg:$0x2];
	s7 =	simm.s32 $0x1A980  }
0x24: {  	[tilespmem:s7], [sflag:$0x9] =	stream.linear.gather [hbm4b:s2+s5], $0x80, $0x38;
	[tilespmem:$0x1AA00] =	vst v63  }
0x25: {  	_ =	swait.ge [sflag:s19], $0x80  }
0x26: {  	[sflag:s19] =	ssyncset.done $0x0  }
0x27: {  	[sflag:s19] =	ssyncadd.s32 $0xFFFFFF80  }
0x28: {  	v5 =	vld [tilespmem:$0x1A980]  }
0x29: {  	v6 =	vld [tilespmem:$0x1A990]  }
0x2a: {  	v7 =	vld [tilespmem:$0x1A9A0]  }
0x2b: {  	v8 =	vld [tilespmem:$0x1A9B0]  }
0x2c: {  	v9 =	vld [tilespmem:$0x1A9C0]  }
0x2d: {  	v10 =	vld [tilespmem:$0x1A9D0]  }
0x2e: {  	s12 =	rddreg [dreg:$0x5];
	v11 =	vld [tilespmem:$0x1A9E0]  }
0x2f: {  	v12 =	vld [tilespmem:$0x1A9F0];
	[tilespmem:s5], [sflag:$0x1] =	stream.linear.gather [hbm4b:s12+s5], $0x6400, $0x38  }
0x30: {  	s17 =	rddreg [dreg:$0x6]  }
0x31: {  	[tilespmem:s20], [sflag:$0x2] =	stream.linear.gather [hbm4b:s17+s5], $0x6400, $0x38;
	[tilespmem:$0x1AA00] =	vst v63  }
0x32: {  	s18 =	rddreg [dreg:$0x7]  }
0x33: {  	[tilespmem:s21], [sflag:$0x3] =	stream.linear.gather [hbm4b:s18+s5], $0x6400, $0x38;
	[tilespmem:$0x1AA00] =	vst v63  }
0x34: {  	s23 =	rddreg [dreg:$0x8]  }
0x35: {  	[tilespmem:s22], [sflag:$0x4] =	stream.linear.gather [hbm4b:s23+s5], $0x6400, $0x38;
	[tilespmem:$0x1AA00] =	vst v63  }
0x36: {  	s30 =	simm.s32 $0x19000;
	s29 =	rddreg [dreg:$0x9]  }
0x37: {  	[tilespmem:s30], [sflag:$0x9] =	stream.linear.gather [hbm4b:s29+s5], $0x1900, $0x38;
	[tilespmem:$0x1AA00] =	vst v63  }
0x38: {  	_ =	swait.ge [sflag:s19], $0x1900  }
0x39: {  	s8 =	simm.s32 $0x0;
	s2 =	simm.s32 $0x0;
	[sflag:s19] =	ssyncset.done $0x0  }
0x3a: {  	s18 =	simm.s32 $0x0;
	s23 =	simm.s32 $0x0;
	[sflag:s19] =	ssyncadd.s32 $0xFFFFE700  }
.LBB2_2:
0x3b: {  	s10 =	sshll.u32 s8, $0x2  }
0x3c: {  	s7 =	sand.u32 $0x1C, s10  }
0x3d: {  	s11 =	sadd.s32 s9, s10;
	p0 =	sne.s32 s7, $0x0  }
0x3e: {  	s12 =	smul.u32 @!p0 $0x19, s11;
	_ =	sdelay $0x1  }
0x3f: {  	s17 =	simm.s32 @!p0 $0x0;
	s29 =	simm.s32 @!p0 $0x19000;
	s12 =	sadd.s32 @!p0 s6, s12  }
0x40: {  	[tilespmem:s29], [sflag:$0x9] =	stream.linear.gather @!p0 [hbm4b:s12+s17], $0x1900, $0x38;
	[tilespmem:$0x1AA00] =	vst v63  }
0x41: {  	s12 =	simm.s32 @!p0 $0x9  }
0x42: {  	_ =	swait.ge @!p0 [sflag:s12], $0x1900  }
0x43: {  	[sflag:s12] =	ssyncset.done @!p0 $0x0  }
0x44: {  	[sflag:s12] =	ssyncadd.s32 @!p0 $0xFFFFE700  }
0x45: {  	_ =	swait.ge [sflag:s24], $0x6400  }
0x46: {  	[sflag:s24] =	ssyncset.done $0x0  }
0x47: {  	[sflag:s24] =	ssyncadd.s32 $0xFFFF9C00  }
0x48: {  	[tilespmem:$0x6380] =	vst v5  }
0x49: {  	[tilespmem:$0x6390] =	vst v6  }
0x4a: {  	[tilespmem:$0x63A0] =	vst v7  }
0x4b: {  	[tilespmem:$0x63B0] =	vst v8  }
0x4c: {  	[tilespmem:$0x63C0] =	vst v9  }
0x4d: {  	s7 =	smul.u32 $0x320, s7;
	[tilespmem:$0x63D0] =	vst v10  }
0x4e: {  	[tilespmem:$0x63E0] =	vst v11  }
0x4f: {  	s7 =	sshrl.u32 s7, $0x2;
	[tilespmem:$0x63F0] =	vst v12  }
0x50: {  	v13 =	vld [tilespmem:s7+$0x19001]  }
0x51: {  	v14 =	vld [tilespmem:s7+$0x19011]  }
0x52: {  	v15 =	vld [tilespmem:s7+$0x19021]  }
0x53: {  	v16 =	vld [tilespmem:s7+$0x19031]  }
0x54: {  	v17 =	vld [tilespmem:s7+$0x19041]  }
0x55: {  	v18 =	vld [tilespmem:s7+$0x19051]  }
0x56: {  	vm1 =	veq.s32 v13, $0x0;
	vm2 =	veq.s32 v14, $0x0;
	v13 =	vld [tilespmem:s7+$0x19061]  }
0x57: {  	v14 =	vsel vm1, $0x1, v3;
	v19 =	vsel vm2, $0x1, v3;
	vm1 =	veq.s32 v15, $0x0;
	v15 =	vld [tilespmem:s7+$0x19071]  }
0x58: {  	v54 =	vld [tilespmem:s7+$0x19081];
	v14 =	vadd.s32 v14, v19;
	v53 =	vsel vm1, $0x1, v3;
	vm1 =	veq.s32 v16, $0x0  }
0x59: {  	v56 =	vld [tilespmem:s7+$0x19091];
	v14 =	vadd.s32 v53, v14;
	v55 =	vsel vm1, $0x1, v3;
	vm1 =	veq.s32 v17, $0x0  }
0x5a: {  	v58 =	vld [tilespmem:s7+$0x190A1];
	v14 =	vadd.s32 v55, v14;
	v57 =	vsel vm1, $0x1, v3;
	vm1 =	veq.s32 v18, $0x0  }
0x5b: {  	v14 =	vadd.s32 v57, v14;
	v59 =	vsel vm1, $0x1, v3;
	vm1 =	veq.s32 v13, $0x0;
	v13 =	vld [tilespmem:s7+$0x190B1]  }
0x5c: {  	v14 =	vadd.s32 v59, v14;
	v60 =	vsel vm1, $0x1, v3;
	vm1 =	veq.s32 v15, $0x0;
	v15 =	vld [tilespmem:s7+$0x190C1]  }
0x5d: {  	vm2 =	veq.s32 v54, $0x0;
	v14 =	vadd.s32 v60, v14;
	v61 =	vsel vm1, $0x1, v3  }
0x5e: {  	v62 =	vsel vm2, $0x1, v3;
	vm1 =	veq.s32 v56, $0x0;
	v14 =	vadd.s32 v61, v14  }
0x5f: {  	v63 =	vsel vm1, $0x1, v3;
	v14 =	vadd.s32 v62, v14  }
0x60: {  	vm1 =	veq.s32 v58, $0x0;
	v14 =	vadd.s32 v63, v14  }
0x61: {  	vm2 =	veq.s32 v13, $0x0;
	v13 =	vsel vm1, $0x1, v3;
	vm1 =	veq.s32 v15, $0x0  }
0x62: {  	v15 =	vsel vm2, $0x1, v3;
	v13 =	vadd.s32 v13, v14;
	vm1 =	vmand vm1, vm0  }
0x63: {  	v13 =	vadd.s32 v15, v13;
	v14 =	vsel vm1, $0x1, v3  }
0x64: {  	v13 =	vadd.s32 v14, v13  }
0x65: {  	v14 =	vperm.xlane v13, v0;
	_ =	sdelay $0x1  }
0x66: {  	v13 =	vadd.s32 v14, v13  }
0x67: {  	v14 =	vperm.xlane v13, v1;
	_ =	sdelay $0x1  }
0x68: {  	v13 =	vadd.s32 v14, v13  }
0x69: {  	v14 =	vperm.xlane v13, v2;
	_ =	sdelay $0x1  }
0x6a: {  	v13 =	vadd.s32 v14, v13  }
0x6b: {  	v14 =	vperm.xlane v13, v4;
	_ =	sdelay $0x1  }
0x6c: {  	v13 =	vadd.s32 v14, v13  }
0x6d: {  	(v2sf) =	vpush v13, $0x0;
	_ =	sdelay $0xe  }
0x6e: {  	s30 =	spop (v2sf)  }
0x6f: {  	p0 =	slt.s32 s30, $0x1  }
.Ltmp2:
0x70: {  	_ = 	snop;
	(pc) =	sbr.rel @p0 .LBB2_6-.Ltmp2, $1  }
0x71: {  	_ =	sdelay $0x3  }
0x72: {  	s7 =	sand.u32 $0x7, s23  }
0x73: {  	s7 =	smul.u32 $0xC80, s7;
	_ =	sdelay $0x1  }
0x74: {  	s7 =	sshrl.u32 s7, $0x2  }
0x75: {  	s7 =	sadd.s32 $0x19000, s7  }
0x76: {  	v13 =	vmov s7;
	_ =	sdelay $0x3  }
0x77: {  	s29 =	simm.s32 $0x1  }
0x78: {  	v14 =	vld.idx.msk [tilespmem:v13+s29+$0x0 ss:$0x1], $0xffff;
	_ =	sdelay $0x4  }
0x79: {  	(v2sf) =	vpush v14, $0x0;
	_ =	sdelay $0xe  }
0x7a: {  	s30 =	spop (v2sf)  }
0x7b: {  	s12 =	simm.s32 $0x40;
	p1 =	sne.s32 s30, $0x0  }
0x7c: {  	[tilespmem:s12+$0xFFFFFFC0] =	vst @!p1 v5  }
0x7d: {  	[tilespmem:s12+$0xFFFFFFD0] =	vst @!p1 v6  }
0x7e: {  	[tilespmem:s12+$0xFFFFFFE0] =	vst @!p1 v7  }
0x7f: {  	[tilespmem:s12+$0xFFFFFFF0] =	vst @!p1 v8  }
0x80: {  	[tilespmem:s12+$0x0] =	vst @!p1 v9  }
0x81: {  	[tilespmem:s12+$0x10] =	vst @!p1 v10  }
0x82: {  	s7 =	simm.s32 $0x8;
	[tilespmem:s12+$0x20] =	vst @!p1 v11  }
.LBB2_4:
0x83: {  	s17 =	sshra.s32 s7, $0x2;
	s7 =	sadd.s32 $0x4, s7;
	[tilespmem:s12+$0x30] =	vst @!p1 v12  }
0x84: {  	v14 =	vld.idx.msk [tilespmem:v13+s17+$0x0 ss:$0x1], $0xffff;
	p0 =	sne.s32 s7, $0x320;
	_ =	sdelay $0x5  }
0x85: {  	(v2sf) =	vpush v14, $0x0;
	_ =	sdelay $0xe  }
0x86: {  	s17 =	spop (v2sf)  }
0x87: {  	s12 =	sadd.s32 $0x80, s12;
	p1 =	sne.s32 s17, $0x0  }
0x88: {  	[tilespmem:s12+$0xFFFFFFC0] =	vst @!p1 v5  }
0x89: {  	[tilespmem:s12+$0xFFFFFFD0] =	vst @!p1 v6  }
.Ltmp3:
0x8a: {  	[tilespmem:s12+$0xFFFFFFE0] =	vst @!p1 v7;
	(pc) =	sbr.rel @p0 .LBB2_4-.Ltmp3, $4  }
0x8b: {  	[tilespmem:s12+$0xFFFFFFF0] =	vst @!p1 v8  }
0x8c: {  	[tilespmem:s12+$0x0] =	vst @!p1 v9  }
0x8d: {  	[tilespmem:s12+$0x10] =	vst @!p1 v10  }
0x8e: {  	[tilespmem:s12+$0x20] =	vst @!p1 v11  }
0x8f: {  	[tilespmem:s12+$0x30] =	vst @!p1 v12  }
.LBB2_6:
0x90: {  	s7 =	smul.u32 $0xC80, s11;
	_ =	sdelay $0x1  }
0x91: {  	p0 =	seq.s32 s8, $0x1F;
	s7 =	sadd.s32 s4, s7  }
0x92: {  	[hbm4b:s7+s5] =	stream.linear.scatter [tilespmem:s5], [sflag:$0x5], $0x6400, $0x38;
	[tilespmem:$0x1AA00] =	vst v63  }
0x93: {  	s11 =	sadd.s32 @!p0 s10, s13;
	s7 =	simm.s32 @!p0 $0x5  }
0x94: {  	s11 =	smul.u32 @!p0 $0xC80, s11;
	_ =	swait.ge @!p0 [sflag:s7], $0x6400  }
0x95: {  	[sflag:s7] =	ssyncset.done @!p0 $0x0  }
0x96: {  	s12 =	simm.s32 @!p0 $0x0;
	[sflag:s7] =	ssyncadd.s32 @!p0 $0xFFFF9C00;
	s7 =	sadd.s32 @!p0 s1, s11  }
0x97: {  	[tilespmem:s12], [sflag:$0x1] =	stream.linear.gather @!p0 [hbm4b:s7+s12], $0x6400, $0x38;
	[tilespmem:$0x1AA00] =	vst v63  }
0x98: {  	_ =	swait.ge [sflag:s25], $0x6400  }
0x99: {  	[sflag:s25] =	ssyncset.done $0x0  }
0x9a: {  	[sflag:s25] =	ssyncadd.s32 $0xFFFF9C00  }
0x9b: {  	[tilespmem:$0xC780] =	vst v5  }
0x9c: {  	[tilespmem:$0xC790] =	vst v6  }
0x9d: {  	[tilespmem:$0xC7A0] =	vst v7  }
0x9e: {  	s17 =	sor.u32 $0x1, s10;
	[tilespmem:$0xC7B0] =	vst v8  }
0x9f: {  	s11 =	sand.u32 $0x1D, s17;
	[tilespmem:$0xC7C0] =	vst v9  }
0xa0: {  	s7 =	smul.u32 $0x320, s11;
	[tilespmem:$0xC7D0] =	vst v10  }
0xa1: {  	[tilespmem:$0xC7E0] =	vst v11  }
0xa2: {  	s7 =	sshrl.u32 s7, $0x2;
	[tilespmem:$0xC7F0] =	vst v12  }
0xa3: {  	v13 =	vld [tilespmem:s7+$0x19001]  }
0xa4: {  	v14 =	vld [tilespmem:s7+$0x19011]  }
0xa5: {  	v15 =	vld [tilespmem:s7+$0x19021]  }
0xa6: {  	v16 =	vld [tilespmem:s7+$0x19031]  }
0xa7: {  	v17 =	vld [tilespmem:s7+$0x19041]  }
0xa8: {  	v18 =	vld [tilespmem:s7+$0x19051]  }
0xa9: {  	vm1 =	veq.s32 v13, $0x0;
	vm2 =	veq.s32 v14, $0x0;
	v13 =	vld [tilespmem:s7+$0x19061]  }
0xaa: {  	v14 =	vsel vm1, $0x1, v3;
	v19 =	vsel vm2, $0x1, v3;
	vm1 =	veq.s32 v15, $0x0;
	v15 =	vld [tilespmem:s7+$0x19071]  }
0xab: {  	v54 =	vld [tilespmem:s7+$0x19081];
	v14 =	vadd.s32 v14, v19;
	v53 =	vsel vm1, $0x1, v3;
	vm1 =	veq.s32 v16, $0x0  }
0xac: {  	v56 =	vld [tilespmem:s7+$0x19091];
	v14 =	vadd.s32 v53, v14;
	v55 =	vsel vm1, $0x1, v3;
	vm1 =	veq.s32 v17, $0x0  }
0xad: {  	v58 =	vld [tilespmem:s7+$0x190A1];
	v14 =	vadd.s32 v55, v14;
	v57 =	vsel vm1, $0x1, v3;
	vm1 =	veq.s32 v18, $0x0  }
0xae: {  	v14 =	vadd.s32 v57, v14;
	v59 =	vsel vm1, $0x1, v3;
	vm1 =	veq.s32 v13, $0x0;
	v13 =	vld [tilespmem:s7+$0x190B1]  }
0xaf: {  	v14 =	vadd.s32 v59, v14;
	v60 =	vsel vm1, $0x1, v3;
	vm1 =	veq.s32 v15, $0x0;
	v15 =	vld [tilespmem:s7+$0x190C1]  }
0xb0: {  	vm2 =	veq.s32 v54, $0x0;
	v14 =	vadd.s32 v60, v14;
	v61 =	vsel vm1, $0x1, v3  }
0xb1: {  	v62 =	vsel vm2, $0x1, v3;
	vm1 =	veq.s32 v56, $0x0;
	v14 =	vadd.s32 v61, v14  }
0xb2: {  	v63 =	vsel vm1, $0x1, v3;
	v14 =	vadd.s32 v62, v14  }
0xb3: {  	vm1 =	veq.s32 v58, $0x0;
	v14 =	vadd.s32 v63, v14  }
0xb4: {  	vm2 =	veq.s32 v13, $0x0;
	v13 =	vsel vm1, $0x1, v3;
	vm1 =	veq.s32 v15, $0x0  }
0xb5: {  	v15 =	vsel vm2, $0x1, v3;
	v13 =	vadd.s32 v13, v14;
	vm1 =	vmand vm1, vm0  }
0xb6: {  	v13 =	vadd.s32 v15, v13;
	v14 =	vsel vm1, $0x1, v3  }
0xb7: {  	v13 =	vadd.s32 v14, v13  }
0xb8: {  	v14 =	vperm.xlane v13, v0;
	_ =	sdelay $0x1  }
0xb9: {  	v13 =	vadd.s32 v14, v13  }
0xba: {  	v14 =	vperm.xlane v13, v1;
	_ =	sdelay $0x1  }
0xbb: {  	v13 =	vadd.s32 v14, v13  }
0xbc: {  	v14 =	vperm.xlane v13, v2;
	_ =	sdelay $0x1  }
0xbd: {  	v13 =	vadd.s32 v14, v13  }
0xbe: {  	v14 =	vperm.xlane v13, v4;
	_ =	sdelay $0x1  }
0xbf: {  	v13 =	vadd.s32 v14, v13  }
0xc0: {  	(v2sf) =	vpush v13, $0x0;
	_ =	sdelay $0xe  }
0xc1: {  	s30 =	spop (v2sf)  }
0xc2: {  	p1 =	slt.s32 s30, $0x1  }
.Ltmp4:
0xc3: {  	_ = 	snop;
	(pc) =	sbr.rel @p1 .LBB2_10-.Ltmp4, $3  }
0xc4: {  	s29 =	sand.u32 $0x1F, s18  }
0xc5: {  	s7 =	smul.u32 $0x320, s29;
	_ =	sdelay $0x1  }
0xc6: {  	s11 =	sshrl.u32 s7, $0x2  }
0xc7: {  	s7 =	sadd.s32 $0x190C9, s11  }
0xc8: {  	v13 =	vmov s7;
	_ =	sdelay $0x3  }
0xc9: {  	s30 =	simm.s32 $0x0  }
0xca: {  	v14 =	vld.idx.msk [tilespmem:v13+s30+$0x0 ss:$0x1], $0xffff;
	_ =	sdelay $0x4  }
0xcb: {  	(v2sf) =	vpush v14, $0x0;
	_ =	sdelay $0xe  }
0xcc: {  	s29 =	spop (v2sf)  }
0xcd: {  	s7 =	simm.s32 $0x6440;
	p2 =	sne.s32 s29, $0x0  }
0xce: {  	[tilespmem:s7+$0xFFFFFFC0] =	vst @!p2 v5  }
0xcf: {  	[tilespmem:s7+$0xFFFFFFD0] =	vst @!p2 v6  }
0xd0: {  	[tilespmem:s7+$0xFFFFFFE0] =	vst @!p2 v7  }
0xd1: {  	[tilespmem:s7+$0xFFFFFFF0] =	vst @!p2 v8  }
0xd2: {  	[tilespmem:s7+$0x0] =	vst @!p2 v9  }
0xd3: {  	[tilespmem:s7+$0x10] =	vst @!p2 v10  }
0xd4: {  	s29 =	simm.s32 $0x4;
	[tilespmem:s7+$0x20] =	vst @!p2 v11  }
.LBB2_8:
0xd5: {  	s30 =	sshra.s32 s29, $0x2;
	s29 =	sadd.s32 $0x4, s29;
	[tilespmem:s7+$0x30] =	vst @!p2 v12  }
0xd6: {  	v14 =	vld.idx.msk [tilespmem:v13+s30+$0x0 ss:$0x1], $0xffff;
	p1 =	sne.s32 s29, $0x31C;
	_ =	sdelay $0x5  }
0xd7: {  	(v2sf) =	vpush v14, $0x0;
	_ =	sdelay $0xe  }
0xd8: {  	s30 =	spop (v2sf)  }
0xd9: {  	s7 =	sadd.s32 $0x80, s7;
	p2 =	sne.s32 s30, $0x0  }
0xda: {  	[tilespmem:s7+$0xFFFFFFC0] =	vst @!p2 v5  }
0xdb: {  	[tilespmem:s7+$0xFFFFFFD0] =	vst @!p2 v6  }
.Ltmp5:
0xdc: {  	[tilespmem:s7+$0xFFFFFFE0] =	vst @!p2 v7;
	(pc) =	sbr.rel @p1 .LBB2_8-.Ltmp5, $4  }
0xdd: {  	[tilespmem:s7+$0xFFFFFFF0] =	vst @!p2 v8  }
0xde: {  	[tilespmem:s7+$0x0] =	vst @!p2 v9  }
0xdf: {  	[tilespmem:s7+$0x10] =	vst @!p2 v10  }
0xe0: {  	[tilespmem:s7+$0x20] =	vst @!p2 v11  }
0xe1: {  	[tilespmem:s7+$0x30] =	vst @!p2 v12  }
.LBB2_10:
0xe2: {  	s7 =	sadd.s32 s9, s17  }
0xe3: {  	s7 =	smul.u32 $0xC80, s7;
	_ =	sdelay $0x1  }
0xe4: {  	s7 =	sadd.s32 s4, s7  }
0xe5: {  	[hbm4b:s7+s5] =	stream.linear.scatter [tilespmem:s20], [sflag:$0x6], $0x6400, $0x38;
	[tilespmem:$0x1AA00] =	vst v63  }
0xe6: {  	s17 =	sadd.s32 @!p0 s10, s14;
	s7 =	simm.s32 @!p0 $0x6  }
0xe7: {  	s17 =	smul.u32 @!p0 $0xC80, s17;
	_ =	swait.ge @!p0 [sflag:s7], $0x6400  }
0xe8: {  	[sflag:s7] =	ssyncset.done @!p0 $0x0  }
0xe9: {  	[sflag:s7] =	ssyncadd.s32 @!p0 $0xFFFF9C00;
	s7 =	sadd.s32 @!p0 s1, s17;
	s17 =	simm.s32 @!p0 $0x6400  }
0xea: {  	[tilespmem:s17], [sflag:$0x2] =	stream.linear.gather @!p0 [hbm4b:s7+s12], $0x6400, $0x38;
	[tilespmem:$0x1AA00] =	vst v63  }
0xeb: {  	_ =	swait.ge [sflag:s26], $0x6400  }
0xec: {  	[sflag:s26] =	ssyncset.done $0x0  }
0xed: {  	[sflag:s26] =	ssyncadd.s32 $0xFFFF9C00  }
0xee: {  	[tilespmem:$0x12B80] =	vst v5  }
0xef: {  	[tilespmem:$0x12B90] =	vst v6  }
0xf0: {  	[tilespmem:$0x12BA0] =	vst v7  }
0xf1: {  	s12 =	sor.u32 $0x2, s10;
	[tilespmem:$0x12BB0] =	vst v8  }
0xf2: {  	s29 =	sand.u32 $0x1E, s12;
	[tilespmem:$0x12BC0] =	vst v9  }
0xf3: {  	s7 =	smul.u32 $0x320, s29;
	[tilespmem:$0x12BD0] =	vst v10  }
0xf4: {  	[tilespmem:$0x12BE0] =	vst v11  }
0xf5: {  	[tilespmem:$0x12BF0] =	vst v12;
	s7 =	sshrl.u32 s7, $0x2  }
0xf6: {  	v13 =	vld [tilespmem:s7+$0x19001]  }
0xf7: {  	v14 =	vld [tilespmem:s7+$0x19011]  }
0xf8: {  	v15 =	vld [tilespmem:s7+$0x19021]  }
0xf9: {  	v16 =	vld [tilespmem:s7+$0x19031]  }
0xfa: {  	v17 =	vld [tilespmem:s7+$0x19041]  }
0xfb: {  	v18 =	vld [tilespmem:s7+$0x19051]  }
0xfc: {  	vm1 =	veq.s32 v13, $0x0;
	vm2 =	veq.s32 v14, $0x0;
	v13 =	vld [tilespmem:s7+$0x19061]  }
0xfd: {  	v14 =	vsel vm1, $0x1, v3;
	v19 =	vsel vm2, $0x1, v3;
	vm1 =	veq.s32 v15, $0x0;
	v15 =	vld [tilespmem:s7+$0x19071]  }
0xfe: {  	v54 =	vld [tilespmem:s7+$0x19081];
	v14 =	vadd.s32 v14, v19;
	v53 =	vsel vm1, $0x1, v3;
	vm1 =	veq.s32 v16, $0x0  }
0xff: {  	v56 =	vld [tilespmem:s7+$0x19091];
	v14 =	vadd.s32 v53, v14;
	v55 =	vsel vm1, $0x1, v3;
	vm1 =	veq.s32 v17, $0x0  }
0x100: {  	v58 =	vld [tilespmem:s7+$0x190A1];
	v14 =	vadd.s32 v55, v14;
	v57 =	vsel vm1, $0x1, v3;
	vm1 =	veq.s32 v18, $0x0  }
0x101: {  	v14 =	vadd.s32 v57, v14;
	v59 =	vsel vm1, $0x1, v3;
	vm1 =	veq.s32 v13, $0x0;
	v13 =	vld [tilespmem:s7+$0x190B1]  }
0x102: {  	v14 =	vadd.s32 v59, v14;
	v60 =	vsel vm1, $0x1, v3;
	vm1 =	veq.s32 v15, $0x0;
	v15 =	vld [tilespmem:s7+$0x190C1]  }
0x103: {  	vm2 =	veq.s32 v54, $0x0;
	v14 =	vadd.s32 v60, v14;
	v61 =	vsel vm1, $0x1, v3  }
0x104: {  	v62 =	vsel vm2, $0x1, v3;
	vm1 =	veq.s32 v56, $0x0;
	v14 =	vadd.s32 v61, v14  }
0x105: {  	v63 =	vsel vm1, $0x1, v3;
	v14 =	vadd.s32 v62, v14  }
0x106: {  	vm1 =	veq.s32 v58, $0x0;
	v14 =	vadd.s32 v63, v14  }
0x107: {  	vm2 =	veq.s32 v13, $0x0;
	v13 =	vsel vm1, $0x1, v3;
	vm1 =	veq.s32 v15, $0x0  }
0x108: {  	v15 =	vsel vm2, $0x1, v3;
	v13 =	vadd.s32 v13, v14;
	vm1 =	vmand vm1, vm0  }
0x109: {  	v13 =	vadd.s32 v15, v13;
	v14 =	vsel vm1, $0x1, v3  }
0x10a: {  	v13 =	vadd.s32 v14, v13  }
0x10b: {  	v14 =	vperm.xlane v13, v0;
	_ =	sdelay $0x1  }
0x10c: {  	v13 =	vadd.s32 v14, v13  }
0x10d: {  	v14 =	vperm.xlane v13, v1;
	_ =	sdelay $0x1  }
0x10e: {  	v13 =	vadd.s32 v14, v13  }
0x10f: {  	v14 =	vperm.xlane v13, v2;
	_ =	sdelay $0x1  }
0x110: {  	v13 =	vadd.s32 v14, v13  }
0x111: {  	v14 =	vperm.xlane v13, v4;
	_ =	sdelay $0x1  }
0x112: {  	v13 =	vadd.s32 v14, v13  }
0x113: {  	(v2sf) =	vpush v13, $0x0;
	_ =	sdelay $0xe  }
0x114: {  	s30 =	spop (v2sf)  }
0x115: {  	p1 =	slt.s32 s30, $0x1  }
.Ltmp6:
0x116: {  	_ = 	snop;
	(pc) =	sbr.rel @p1 .LBB2_14-.Ltmp6, $1  }
0x117: {  	_ =	sdelay $0x3  }
0x118: {  	s7 =	sand.u32 $0xF, s2  }
0x119: {  	s7 =	smul.u32 $0x640, s7;
	_ =	sdelay $0x1  }
0x11a: {  	s7 =	sshrl.u32 s7, $0x2  }
0x11b: {  	s7 =	sadd.s32 $0x19191, s7  }
0x11c: {  	v13 =	vmov s7;
	_ =	sdelay $0x3  }
0x11d: {  	s30 =	simm.s32 $0x0  }
0x11e: {  	v14 =	vld.idx.msk [tilespmem:v13+s30+$0x0 ss:$0x1], $0xffff;
	_ =	sdelay $0x4  }
0x11f: {  	(v2sf) =	vpush v14, $0x0;
	_ =	sdelay $0xe  }
0x120: {  	s17 =	spop (v2sf)  }
0x121: {  	s7 =	simm.s32 $0xC840;
	p2 =	sne.s32 s17, $0x0  }
0x122: {  	[tilespmem:s7+$0xFFFFFFC0] =	vst @!p2 v5  }
0x123: {  	[tilespmem:s7+$0xFFFFFFD0] =	vst @!p2 v6  }
0x124: {  	[tilespmem:s7+$0xFFFFFFE0] =	vst @!p2 v7  }
0x125: {  	[tilespmem:s7+$0xFFFFFFF0] =	vst @!p2 v8  }
0x126: {  	[tilespmem:s7+$0x0] =	vst @!p2 v9  }
0x127: {  	[tilespmem:s7+$0x10] =	vst @!p2 v10  }
0x128: {  	s17 =	simm.s32 $0x4;
	[tilespmem:s7+$0x20] =	vst @!p2 v11  }
.LBB2_12:
0x129: {  	s29 =	sshra.s32 s17, $0x2;
	s17 =	sadd.s32 $0x4, s17;
	[tilespmem:s7+$0x30] =	vst @!p2 v12  }
0x12a: {  	v14 =	vld.idx.msk [tilespmem:v13+s29+$0x0 ss:$0x1], $0xffff;
	p1 =	sne.s32 s17, $0x31C;
	_ =	sdelay $0x5  }
0x12b: {  	(v2sf) =	vpush v14, $0x0;
	_ =	sdelay $0xe  }
0x12c: {  	s29 =	spop (v2sf)  }
0x12d: {  	s7 =	sadd.s32 $0x80, s7;
	p2 =	sne.s32 s29, $0x0  }
0x12e: {  	[tilespmem:s7+$0xFFFFFFC0] =	vst @!p2 v5  }
0x12f: {  	[tilespmem:s7+$0xFFFFFFD0] =	vst @!p2 v6  }
.Ltmp7:
0x130: {  	[tilespmem:s7+$0xFFFFFFE0] =	vst @!p2 v7;
	(pc) =	sbr.rel @p1 .LBB2_12-.Ltmp7, $4  }
0x131: {  	[tilespmem:s7+$0xFFFFFFF0] =	vst @!p2 v8  }
0x132: {  	[tilespmem:s7+$0x0] =	vst @!p2 v9  }
0x133: {  	[tilespmem:s7+$0x10] =	vst @!p2 v10  }
0x134: {  	[tilespmem:s7+$0x20] =	vst @!p2 v11  }
0x135: {  	[tilespmem:s7+$0x30] =	vst @!p2 v12  }
.LBB2_14:
0x136: {  	s7 =	sadd.s32 s9, s12  }
0x137: {  	s7 =	smul.u32 $0xC80, s7;
	_ =	sdelay $0x1  }
0x138: {  	s7 =	sadd.s32 s4, s7  }
0x139: {  	[hbm4b:s7+s5] =	stream.linear.scatter [tilespmem:s21], [sflag:$0x7], $0x6400, $0x38;
	[tilespmem:$0x1AA00] =	vst v63  }
0x13a: {  	s12 =	sadd.s32 @!p0 s10, s15;
	s7 =	simm.s32 @!p0 $0x7  }
0x13b: {  	s12 =	smul.u32 @!p0 $0xC80, s12;
	_ =	swait.ge @!p0 [sflag:s7], $0x6400  }
0x13c: {  	s17 =	simm.s32 @!p0 $0xC800;
	[sflag:s7] =	ssyncset.done @!p0 $0x0  }
0x13d: {  	[sflag:s7] =	ssyncadd.s32 @!p0 $0xFFFF9C00;
	s7 =	sadd.s32 @!p0 s1, s12;
	s12 =	simm.s32 @!p0 $0x0  }
0x13e: {  	[tilespmem:s17], [sflag:$0x3] =	stream.linear.gather @!p0 [hbm4b:s7+s12], $0x6400, $0x38;
	[tilespmem:$0x1AA00] =	vst v63  }
0x13f: {  	_ =	swait.ge [sflag:s28], $0x6400  }
0x140: {  	[sflag:s28] =	ssyncset.done $0x0  }
0x141: {  	[sflag:s28] =	ssyncadd.s32 $0xFFFF9C00  }
0x142: {  	[tilespmem:$0x18F80] =	vst v5  }
0x143: {  	[tilespmem:$0x18F90] =	vst v6  }
0x144: {  	[tilespmem:$0x18FA0] =	vst v7  }
0x145: {  	s12 =	sor.u32 $0x3, s10;
	[tilespmem:$0x18FB0] =	vst v8  }
0x146: {  	s29 =	sand.u32 $0x1F, s12;
	[tilespmem:$0x18FC0] =	vst v9  }
0x147: {  	s7 =	smul.u32 $0x320, s29;
	[tilespmem:$0x18FD0] =	vst v10  }
0x148: {  	[tilespmem:$0x18FE0] =	vst v11  }
0x149: {  	[tilespmem:$0x18FF0] =	vst v12;
	s7 =	sshrl.u32 s7, $0x2  }
0x14a: {  	v13 =	vld [tilespmem:s7+$0x19001]  }
0x14b: {  	v14 =	vld [tilespmem:s7+$0x19011]  }
0x14c: {  	v15 =	vld [tilespmem:s7+$0x19021]  }
0x14d: {  	v16 =	vld [tilespmem:s7+$0x19031]  }
0x14e: {  	v17 =	vld [tilespmem:s7+$0x19041]  }
0x14f: {  	v18 =	vld [tilespmem:s7+$0x19051]  }
0x150: {  	vm1 =	veq.s32 v13, $0x0;
	vm2 =	veq.s32 v14, $0x0;
	v13 =	vld [tilespmem:s7+$0x19061]  }
0x151: {  	v14 =	vsel vm1, $0x1, v3;
	v19 =	vsel vm2, $0x1, v3;
	vm1 =	veq.s32 v15, $0x0;
	v15 =	vld [tilespmem:s7+$0x19071]  }
0x152: {  	v54 =	vld [tilespmem:s7+$0x19081];
	v14 =	vadd.s32 v14, v19;
	v53 =	vsel vm1, $0x1, v3;
	vm1 =	veq.s32 v16, $0x0  }
0x153: {  	v56 =	vld [tilespmem:s7+$0x19091];
	v14 =	vadd.s32 v53, v14;
	v55 =	vsel vm1, $0x1, v3;
	vm1 =	veq.s32 v17, $0x0  }
0x154: {  	v58 =	vld [tilespmem:s7+$0x190A1];
	v14 =	vadd.s32 v55, v14;
	v57 =	vsel vm1, $0x1, v3;
	vm1 =	veq.s32 v18, $0x0  }
0x155: {  	v14 =	vadd.s32 v57, v14;
	v59 =	vsel vm1, $0x1, v3;
	vm1 =	veq.s32 v13, $0x0;
	v13 =	vld [tilespmem:s7+$0x190B1]  }
0x156: {  	v14 =	vadd.s32 v59, v14;
	v60 =	vsel vm1, $0x1, v3;
	vm1 =	veq.s32 v15, $0x0;
	v15 =	vld [tilespmem:s7+$0x190C1]  }
0x157: {  	vm2 =	veq.s32 v54, $0x0;
	v14 =	vadd.s32 v60, v14;
	v61 =	vsel vm1, $0x1, v3  }
0x158: {  	v62 =	vsel vm2, $0x1, v3;
	vm1 =	veq.s32 v56, $0x0;
	v14 =	vadd.s32 v61, v14  }
0x159: {  	v63 =	vsel vm1, $0x1, v3;
	v14 =	vadd.s32 v62, v14  }
0x15a: {  	vm1 =	veq.s32 v58, $0x0;
	v14 =	vadd.s32 v63, v14  }
0x15b: {  	vm2 =	veq.s32 v13, $0x0;
	v13 =	vsel vm1, $0x1, v3;
	vm1 =	veq.s32 v15, $0x0  }
0x15c: {  	v15 =	vsel vm2, $0x1, v3;
	v13 =	vadd.s32 v13, v14;
	vm1 =	vmand vm1, vm0  }
0x15d: {  	v13 =	vadd.s32 v15, v13;
	v14 =	vsel vm1, $0x1, v3  }
0x15e: {  	v13 =	vadd.s32 v14, v13  }
0x15f: {  	v14 =	vperm.xlane v13, v0;
	_ =	sdelay $0x1  }
0x160: {  	v13 =	vadd.s32 v14, v13  }
0x161: {  	v14 =	vperm.xlane v13, v1;
	_ =	sdelay $0x1  }
0x162: {  	v13 =	vadd.s32 v14, v13  }
0x163: {  	v14 =	vperm.xlane v13, v2;
	_ =	sdelay $0x1  }
0x164: {  	v13 =	vadd.s32 v14, v13  }
0x165: {  	v14 =	vperm.xlane v13, v4;
	_ =	sdelay $0x1  }
0x166: {  	v13 =	vadd.s32 v14, v13  }
0x167: {  	(v2sf) =	vpush v13, $0x0;
	_ =	sdelay $0xe  }
0x168: {  	s30 =	spop (v2sf)  }
0x169: {  	p1 =	slt.s32 s30, $0x1  }
.Ltmp8:
0x16a: {  	_ = 	snop;
	(pc) =	sbr.rel @p1 .LBB2_18-.Ltmp8, $1  }
0x16b: {  	_ =	sdelay $0x3  }
0x16c: {  	s7 =	sadd.s32 $0x19259, s11  }
0x16d: {  	v13 =	vmov s7;
	_ =	sdelay $0x3  }
0x16e: {  	s29 =	simm.s32 $0x0  }
0x16f: {  	v14 =	vld.idx.msk [tilespmem:v13+s29+$0x0 ss:$0x1], $0xffff;
	_ =	sdelay $0x4  }
0x170: {  	(v2sf) =	vpush v14, $0x0;
	_ =	sdelay $0xe  }
0x171: {  	s30 =	spop (v2sf)  }
0x172: {  	s7 =	simm.s32 $0x12C40;
	p2 =	sne.s32 s30, $0x0  }
0x173: {  	[tilespmem:s7+$0xFFFFFFC0] =	vst @!p2 v5  }
0x174: {  	[tilespmem:s7+$0xFFFFFFD0] =	vst @!p2 v6  }
0x175: {  	[tilespmem:s7+$0xFFFFFFE0] =	vst @!p2 v7  }
0x176: {  	[tilespmem:s7+$0xFFFFFFF0] =	vst @!p2 v8  }
0x177: {  	[tilespmem:s7+$0x0] =	vst @!p2 v9  }
0x178: {  	[tilespmem:s7+$0x10] =	vst @!p2 v10  }
0x179: {  	s11 =	simm.s32 $0x4;
	[tilespmem:s7+$0x20] =	vst @!p2 v11  }
.LBB2_16:
0x17a: {  	s17 =	sshra.s32 s11, $0x2;
	s11 =	sadd.s32 $0x4, s11;
	[tilespmem:s7+$0x30] =	vst @!p2 v12  }
0x17b: {  	v14 =	vld.idx.msk [tilespmem:v13+s17+$0x0 ss:$0x1], $0xffff;
	p1 =	sne.s32 s11, $0x31C;
	_ =	sdelay $0x5  }
0x17c: {  	(v2sf) =	vpush v14, $0x0;
	_ =	sdelay $0xe  }
0x17d: {  	s17 =	spop (v2sf)  }
0x17e: {  	s7 =	sadd.s32 $0x80, s7;
	p2 =	sne.s32 s17, $0x0  }
0x17f: {  	[tilespmem:s7+$0xFFFFFFC0] =	vst @!p2 v5  }
0x180: {  	[tilespmem:s7+$0xFFFFFFD0] =	vst @!p2 v6  }
.Ltmp9:
0x181: {  	[tilespmem:s7+$0xFFFFFFE0] =	vst @!p2 v7;
	(pc) =	sbr.rel @p1 .LBB2_16-.Ltmp9, $4  }
0x182: {  	[tilespmem:s7+$0xFFFFFFF0] =	vst @!p2 v8  }
0x183: {  	[tilespmem:s7+$0x0] =	vst @!p2 v9  }
0x184: {  	[tilespmem:s7+$0x10] =	vst @!p2 v10  }
0x185: {  	[tilespmem:s7+$0x20] =	vst @!p2 v11  }
0x186: {  	[tilespmem:s7+$0x30] =	vst @!p2 v12  }
.LBB2_18:
.Ltmp10:
0x187: {  	s7 =	sadd.s32 s9, s12;
	(pc) =	sbr.rel @p0 .LBB2_20-.Ltmp10, $3  }
0x188: {  	s7 =	smul.u32 $0xC80, s7;
	_ =	sdelay $0x1  }
0x189: {  	s7 =	sadd.s32 s4, s7  }
0x18a: {  	[hbm4b:s7+s5] =	stream.linear.scatter [tilespmem:s22], [sflag:$0x8], $0x6400, $0x38;
	[tilespmem:$0x1AA00] =	vst v63  }
.Ltmp11:
0x18b: {  	s7 =	sadd.s32 s10, s16;
	(pc) =	sbr.rel .LBB2_2-.Ltmp11, $4  }
0x18c: {  	_ =	swait.ge [sflag:s3], $0x6400;
	s8 =	sadd.s32 $0x1, s8;
	s7 =	smul.u32 $0xC80, s7  }
0x18d: {  	s23 =	sadd.s32 $0x1, s23;
	s18 =	sadd.s32 $0x4, s18;
	[sflag:s3] =	ssyncset.done $0x0  }
0x18e: {  	s2 =	sadd.s32 $0x2, s2;
	[sflag:s3] =	ssyncadd.s32 $0xFFFF9C00;
	s7 =	sadd.s32 s1, s7  }
0x18f: {  	[tilespmem:s22], [sflag:$0x4] =	stream.linear.gather [hbm4b:s7+s5], $0x6400, $0x38;
	[tilespmem:$0x1AA00] =	vst v63  }
.LBB2_21:
0x190: {  	_ =	sfence.sel $0x180000  }
0x191: {  	[bflag:$0x0] =	sbarrier.arrive $0xFFFF  }
0x192: {  	_ =	strace $0x90000047  }
0x193: {  	s0 =	stileid.u32;
	[bflag:$0x2] =	sbarrier.arrive $0xFFFF  }
0x194: {  	p0 =	sne.s32 s0, $0x0;
	s0 =	rddreg [dreg:$0x4]  }
0x195: {  	s0 =	sadd.s32 @!p0 $0x100000, s0  }
0x196: {  	[sflag:s0] =	ssyncadd.tile.s32 @!p0 $0x1;
	_ =	shalt  }
.Lfunc_end2:
_tile_overlayer_lowered:
.L_overlay_start_2:
0x197: {  	(tag) =	ssettag $0x2  }
0x198: {  	s0 =	rddreg [dreg:$0x0];
	s2 =	stileid.u32  }
0x199: {  	s1 =	rddreg [dreg:$0x1];
	p0 =	sne.s32 s2, $0x0  }
0x19a: {  	s3 =	rddreg [dreg:$0x2];
	[bflag:$0x3] =	sbarrier.arrive $0xFFFF;
	s2 =	simm.s32 @!p0 $0x1C0A  }
0x19b: {  	[timem:s3], [sflag:s2] =	dma.local @!p0 [hbm:s0], s1  }
0x19c: {  	s0 =	simm.s32 @!p0 $0xA  }
0x19d: {  	_ =	swait.ge @!p0 [sflag:s0], s1  }
0x19e: {  	s1 =	ssub.s32 @!p0 $0x0, s1;
	[sflag:s0] =	ssyncset.done @!p0 $0x0  }
0x19f: {  	[sflag:s0] =	ssyncadd.s32 @!p0 s1  }
0x1a0: {  	[bflag:$0x3] =	sbarrier.arrive $0xFFFF  }
0x1a1: {  	_ =	shalt  }

</sc_bundles>
